<compile_context>
chip_gen: v7x
topology: tpu7x:2x2x1
jax: 0.10.2.dev20260603
libtpu: 0.0.44.dev20260713+nightly
codegen_flags: <defaults>
</compile_context>

<pallas_src>
import jax
import jax.numpy as jnp
from jax import lax
from jax.experimental import pallas as pl
from jax.experimental.pallas import tpu as pltpu
from jax.experimental.pallas import tpu_sc as plsc

BATCH = 16384
NC = 2
NS = 16
NW = NC * NS
LANES = 16
CHUNK = BATCH // NW

_C = (0.9999818714624722, -0.4991878401334513, 0.3244117606313534,
      -0.2086695713434938, 0.1002871370282292, -0.023689236277343366)


def _softplus(x):
    u = jnp.exp(-jnp.abs(x))
    p = _C[5]
    for c in (_C[4], _C[3], _C[2], _C[1], _C[0]):
        p = p * u + c
    return jnp.maximum(x, 0.0) + u * p


HALF = CHUNK // 2


def _body(aidx_hbm, pidx_hbm, loss_hbm, tau_a_hbm, tau_p_hbm, out_hbm,
          aidx_v, pidx_v, loss_v, va_v, vp_v, out_v,
          sem_a, sem_p, sem_l, sem_ga, sem_gp, sem_o):
    wid = lax.axis_index("s") * NC + lax.axis_index("c")
    base = wid * CHUNK

    cp_a = pltpu.async_copy(aidx_hbm.at[pl.ds(base, CHUNK)], aidx_v, sem_a)
    cp_p = pltpu.async_copy(pidx_hbm.at[pl.ds(base, CHUNK)], pidx_v, sem_p)
    cp_l = pltpu.async_copy(loss_hbm.at[pl.ds(base, CHUNK)], loss_v, sem_l)

    cp_a.wait()
    cp_p.wait()
    gs = []
    for h, sem_g in ((0, sem_ga), (1, sem_gp)):
        sl = pl.ds(h * HALF, HALF)
        gs.append((pltpu.async_copy(tau_a_hbm.at[aidx_v.at[sl]], va_v.at[sl], sem_g),
                   pltpu.async_copy(tau_p_hbm.at[pidx_v.at[sl]], vp_v.at[sl], sem_g)))
    cp_l.wait()

    for i in range(CHUNK // LANES):
        sl = pl.ds(i * LANES, LANES)
        loss_v[sl] = loss_v[sl] - 1.0

    outs = []
    for h in range(2):
        gs[h][0].wait()
        gs[h][1].wait()
        for i in range(HALF // LANES):
            sl = pl.ds(h * HALF + i * LANES, LANES)
            out_v[sl] = loss_v[sl] * (_softplus(va_v[sl]) * _softplus(vp_v[sl]))
        outs.append(pltpu.async_copy(out_v.at[pl.ds(h * HALF, HALF)],
                                     out_hbm.at[pl.ds(base + h * HALF, HALF)], sem_o))
    for o in outs:
        o.wait()


@jax.jit
def kernel(amplitude_idxs, phase_idxs, losses, tau_amplitude, tau_phase):
    mesh = plsc.VectorSubcoreMesh(core_axis_name="c", subcore_axis_name="s")
    run = pl.kernel(
        _body,
        out_type=jax.ShapeDtypeStruct((BATCH,), jnp.float32),
        mesh=mesh,
        scratch_types=[
            pltpu.VMEM((CHUNK,), jnp.int32),
            pltpu.VMEM((CHUNK,), jnp.int32),
            pltpu.VMEM((CHUNK,), jnp.float32),
            pltpu.VMEM((CHUNK,), jnp.float32),
            pltpu.VMEM((CHUNK,), jnp.float32),
            pltpu.VMEM((CHUNK,), jnp.float32),
        ] + [pltpu.SemaphoreType.DMA] * 6,
    )
    return run(amplitude_idxs, phase_idxs, losses, tau_amplitude, tau_phase)

# --- scband reference (transcript-rebuilt; emitter-appended) ---
"""Pipeline reference for scband-constrainer-39015482917129 (READ-ONLY COPY).

The authoritative reference and input builder live on the scoring server;
editing this copy changes nothing except your own understanding.
"""

import jax, jax.numpy as jnp
import numpy as np

N_TASKS = 1000000
BATCH = 16384
THRESHOLD = 1.0


def setup_inputs(seed: int = 0) -> dict:
    key = jax.random.key(seed)
    k1, k2, k3 = jax.random.split(key, 3)
    amplitude_idxs = jax.random.randint(k1, (BATCH,), 0, N_TASKS, dtype=jnp.int64 if jax.config.jax_enable_x64 else jnp.int32).astype(jnp.int32)
    phase_idxs = jax.random.randint(k2, (BATCH,), 0, N_TASKS, dtype=jnp.int64 if jax.config.jax_enable_x64 else jnp.int32).astype(jnp.int32)
    losses = jax.random.uniform(k3, (BATCH,), dtype=jnp.float32)
    tau_amplitude = jnp.full((N_TASKS,), 1.0, dtype=jnp.float32)
    tau_phase = jnp.full((N_TASKS,), 1.0, dtype=jnp.float32)
    return {
        "amplitude_idxs": amplitude_idxs,
        "phase_idxs": phase_idxs,
        "losses": losses,
        "tau_amplitude": tau_amplitude,
        "tau_phase": tau_phase,
    }


def reference(amplitude_idxs, phase_idxs, losses, tau_amplitude, tau_phase):
    # gather rows from the two 1-D parameter tables (embedding lookup)
    tau_a = jnp.take(tau_amplitude, amplitude_idxs, axis=0)
    tau_p = jnp.take(tau_phase, phase_idxs, axis=0)
    lambdas = jax.nn.softplus(tau_a) * jax.nn.softplus(tau_p)
    aux_loss = (losses - THRESHOLD) * lambdas
    return aux_loss

if __name__ == "__main__":
    import jax
    _d = setup_inputs()
    print(jax.jit(kernel)(*tuple(_d.values())))

</pallas_src>

<mosaic_0001>
#map = affine_map<(d0, d1) -> (0)>
module attributes {stable_mosaic.version = 14 : i64} {
  func.func @_body(%arg0: i32, %arg1: i32, %arg2: memref<16384xi32, #tpu.memory_space<hbm>>, %arg3: memref<16384xi32, #tpu.memory_space<hbm>>, %arg4: memref<16384xf32, #tpu.memory_space<hbm>>, %arg5: memref<1000000xf32, #tpu.memory_space<hbm>>, %arg6: memref<1000000xf32, #tpu.memory_space<hbm>>, %arg7: memref<16384xf32, #tpu.memory_space<hbm>>, %arg8: memref<512xi32, #tpu.memory_space<vmem>>, %arg9: memref<512xi32, #tpu.memory_space<vmem>>, %arg10: memref<512xf32, #tpu.memory_space<vmem>>, %arg11: memref<512xf32, #tpu.memory_space<vmem>>, %arg12: memref<512xf32, #tpu.memory_space<vmem>>, %arg13: memref<512xf32, #tpu.memory_space<vmem>>, %arg14: memref<!tpu.dma_semaphore, #tpu.memory_space<semaphore_mem>>, %arg15: memref<!tpu.dma_semaphore, #tpu.memory_space<semaphore_mem>>, %arg16: memref<!tpu.dma_semaphore, #tpu.memory_space<semaphore_mem>>, %arg17: memref<!tpu.dma_semaphore, #tpu.memory_space<semaphore_mem>>, %arg18: memref<!tpu.dma_semaphore, #tpu.memory_space<semaphore_mem>>, %arg19: memref<!tpu.dma_semaphore, #tpu.memory_space<semaphore_mem>>) attributes {dimension_semantics = [#tpu.dimension_semantics<core_parallel>, #tpu.dimension_semantics<subcore_parallel>], iteration_bounds = array<i64: 2, 16>, scalar_prefetch = 0 : i64, scratch_operands = 12 : i64, tpu.core_type = #tpu.core_type<sc_vector_subcore>, window_params = [{transform_indices = #map}, {transform_indices = #map}, {transform_indices = #map}, {transform_indices = #map}, {transform_indices = #map}, {transform_indices = #map}]} {
    %mul3A = arith.constant 2 : i32
    %mul3A_0 = arith.muli %arg1, %mul3A : i32
    %add3A = arith.addi %mul3A_0, %arg0 : i32
    %mul3A_1 = arith.constant 512 : i32
    %mul3A_2 = arith.muli %add3A, %mul3A_1 : i32
    %dma_start3A = tpu.memref_slice %arg2[%mul3A_2] : memref<16384xi32, #tpu.memory_space<hbm>> -> memref<512xi32, #tpu.memory_space<hbm>>
    %dma_start3A_3 = tpu.memref_slice %arg2[%mul3A_2] : memref<16384xi32, #tpu.memory_space<hbm>> -> memref<512xi32, #tpu.memory_space<hbm>>
    tpu.enqueue_dma source(%dma_start3A_3 : memref<512xi32, #tpu.memory_space<hbm>>) target(%arg8 : memref<512xi32, #tpu.memory_space<vmem>>) target_semaphore(%arg14 : memref<!tpu.dma_semaphore, #tpu.memory_space<semaphore_mem>>)
    %dma_start3A_4 = tpu.memref_slice %arg3[%mul3A_2] : memref<16384xi32, #tpu.memory_space<hbm>> -> memref<512xi32, #tpu.memory_space<hbm>>
    %dma_start3A_5 = tpu.memref_slice %arg3[%mul3A_2] : memref<16384xi32, #tpu.memory_space<hbm>> -> memref<512xi32, #tpu.memory_space<hbm>>
    tpu.enqueue_dma source(%dma_start3A_5 : memref<512xi32, #tpu.memory_space<hbm>>) target(%arg9 : memref<512xi32, #tpu.memory_space<vmem>>) target_semaphore(%arg15 : memref<!tpu.dma_semaphore, #tpu.memory_space<semaphore_mem>>)
    %dma_start3A_6 = tpu.memref_slice %arg4[%mul3A_2] : memref<16384xf32, #tpu.memory_space<hbm>> -> memref<512xf32, #tpu.memory_space<hbm>>
    %dma_start3A_7 = tpu.memref_slice %arg4[%mul3A_2] : memref<16384xf32, #tpu.memory_space<hbm>> -> memref<512xf32, #tpu.memory_space<hbm>>
    tpu.enqueue_dma source(%dma_start3A_7 : memref<512xf32, #tpu.memory_space<hbm>>) target(%arg10 : memref<512xf32, #tpu.memory_space<vmem>>) target_semaphore(%arg16 : memref<!tpu.dma_semaphore, #tpu.memory_space<semaphore_mem>>)
    %dma_wait3A = tpu.memref_slice %arg2[%mul3A_2] : memref<16384xi32, #tpu.memory_space<hbm>> -> memref<512xi32, #tpu.memory_space<hbm>>
    %dma_wait3A_8 = tpu.memref_slice %arg2[%mul3A_2] : memref<16384xi32, #tpu.memory_space<hbm>> -> memref<512xi32, #tpu.memory_space<hbm>>
    tpu.wait_dma2 semaphore(%arg14 : memref<!tpu.dma_semaphore, #tpu.memory_space<semaphore_mem>>) src(%dma_wait3A_8 : memref<512xi32, #tpu.memory_space<hbm>>) dst(%arg8 : memref<512xi32, #tpu.memory_space<vmem>>)
    %dma_wait3A_9 = tpu.memref_slice %arg3[%mul3A_2] : memref<16384xi32, #tpu.memory_space<hbm>> -> memref<512xi32, #tpu.memory_space<hbm>>
    %dma_wait3A_10 = tpu.memref_slice %arg3[%mul3A_2] : memref<16384xi32, #tpu.memory_space<hbm>> -> memref<512xi32, #tpu.memory_space<hbm>>
    tpu.wait_dma2 semaphore(%arg15 : memref<!tpu.dma_semaphore, #tpu.memory_space<semaphore_mem>>) src(%dma_wait3A_10 : memref<512xi32, #tpu.memory_space<hbm>>) dst(%arg9 : memref<512xi32, #tpu.memory_space<vmem>>)
    %dma_start3A_11 = arith.constant 0 : i32
    %dma_start3A_12 = tpu.memref_slice %arg11[%dma_start3A_11] : memref<512xf32, #tpu.memory_space<vmem>> -> memref<256xf32, #tpu.memory_space<vmem>>
    %dma_start3A_13 = arith.constant 0 : i32
    %dma_start3A_14 = tpu.memref_slice %arg8[%dma_start3A_13] : memref<512xi32, #tpu.memory_space<vmem>> -> memref<256xi32, #tpu.memory_space<vmem>>
    %dma_start3A_15 = arith.constant 0 : i32
    %dma_start3A_16 = tpu.memref_slice %arg5[%dma_start3A_15] : memref<1000000xf32, #tpu.memory_space<hbm>> -> memref<1000000xf32, #tpu.memory_space<hbm>>
    tpu.enqueue_indirect_dma source(%dma_start3A_16 : memref<1000000xf32, #tpu.memory_space<hbm>>) target(%dma_start3A_12 : memref<256xf32, #tpu.memory_space<vmem>>) offsets(%dma_start3A_14 : memref<256xi32, #tpu.memory_space<vmem>>) semaphore(%arg17 : memref<!tpu.dma_semaphore, #tpu.memory_space<semaphore_mem>>)
    %dma_start3A_17 = arith.constant 0 : i32
    %dma_start3A_18 = tpu.memref_slice %arg12[%dma_start3A_17] : memref<512xf32, #tpu.memory_space<vmem>> -> memref<256xf32, #tpu.memory_space<vmem>>
    %dma_start3A_19 = arith.constant 0 : i32
    %dma_start3A_20 = tpu.memref_slice %arg9[%dma_start3A_19] : memref<512xi32, #tpu.memory_space<vmem>> -> memref<256xi32, #tpu.memory_space<vmem>>
    %dma_start3A_21 = arith.constant 0 : i32
    %dma_start3A_22 = tpu.memref_slice %arg6[%dma_start3A_21] : memref<1000000xf32, #tpu.memory_space<hbm>> -> memref<1000000xf32, #tpu.memory_space<hbm>>
    tpu.enqueue_indirect_dma source(%dma_start3A_22 : memref<1000000xf32, #tpu.memory_space<hbm>>) target(%dma_start3A_18 : memref<256xf32, #tpu.memory_space<vmem>>) offsets(%dma_start3A_20 : memref<256xi32, #tpu.memory_space<vmem>>) semaphore(%arg17 : memref<!tpu.dma_semaphore, #tpu.memory_space<semaphore_mem>>)
    %dma_start3A_23 = arith.constant 256 : i32
    %dma_start3A_24 = tpu.memref_slice %arg11[%dma_start3A_23] : memref<512xf32, #tpu.memory_space<vmem>> -> memref<256xf32, #tpu.memory_space<vmem>>
    %dma_start3A_25 = arith.constant 256 : i32
    %dma_start3A_26 = tpu.memref_slice %arg8[%dma_start3A_25] : memref<512xi32, #tpu.memory_space<vmem>> -> memref<256xi32, #tpu.memory_space<vmem>>
    %dma_start3A_27 = arith.constant 0 : i32
    %dma_start3A_28 = tpu.memref_slice %arg5[%dma_start3A_27] : memref<1000000xf32, #tpu.memory_space<hbm>> -> memref<1000000xf32, #tpu.memory_space<hbm>>
    tpu.enqueue_indirect_dma source(%dma_start3A_28 : memref<1000000xf32, #tpu.memory_space<hbm>>) target(%dma_start3A_24 : memref<256xf32, #tpu.memory_space<vmem>>) offsets(%dma_start3A_26 : memref<256xi32, #tpu.memory_space<vmem>>) semaphore(%arg18 : memref<!tpu.dma_semaphore, #tpu.memory_space<semaphore_mem>>)
    %dma_start3A_29 = arith.constant 256 : i32
    %dma_start3A_30 = tpu.memref_slice %arg12[%dma_start3A_29] : memref<512xf32, #tpu.memory_space<vmem>> -> memref<256xf32, #tpu.memory_space<vmem>>
    %dma_start3A_31 = arith.constant 256 : i32
    %dma_start3A_32 = tpu.memref_slice %arg9[%dma_start3A_31] : memref<512xi32, #tpu.memory_space<vmem>> -> memref<256xi32, #tpu.memory_space<vmem>>
    %dma_start3A_33 = arith.constant 0 : i32
    %dma_start3A_34 = tpu.memref_slice %arg6[%dma_start3A_33] : memref<1000000xf32, #tpu.memory_space<hbm>> -> memref<1000000xf32, #tpu.memory_space<hbm>>
    tpu.enqueue_indirect_dma source(%dma_start3A_34 : memref<1000000xf32, #tpu.memory_space<hbm>>) target(%dma_start3A_30 : memref<256xf32, #tpu.memory_space<vmem>>) offsets(%dma_start3A_32 : memref<256xi32, #tpu.memory_space<vmem>>) semaphore(%arg18 : memref<!tpu.dma_semaphore, #tpu.memory_space<semaphore_mem>>)
    %dma_wait3A_35 = tpu.memref_slice %arg4[%mul3A_2] : memref<16384xf32, #tpu.memory_space<hbm>> -> memref<512xf32, #tpu.memory_space<hbm>>
    %dma_wait3A_36 = tpu.memref_slice %arg4[%mul3A_2] : memref<16384xf32, #tpu.memory_space<hbm>> -> memref<512xf32, #tpu.memory_space<hbm>>
    tpu.wait_dma2 semaphore(%arg16 : memref<!tpu.dma_semaphore, #tpu.memory_space<semaphore_mem>>) src(%dma_wait3A_36 : memref<512xf32, #tpu.memory_space<hbm>>) dst(%arg10 : memref<512xf32, #tpu.memory_space<vmem>>)
    %get3A = arith.constant 0 : index
    %get3A_37 = tpu.vector_load %arg10[%get3A] {strides = array<i32>} : memref<512xf32, #tpu.memory_space<vmem>>, vector<16xf32>,
    %get3A_38 = vector.shape_cast %get3A_37 : vector<16xf32> to vector<16xf32>
    %sub3A = arith.constant 1.000000e+00 : f32
    %sub3A_39 = vector.broadcast %sub3A : f32 to vector<16xf32>
    %sub3A_40 = arith.subf %get3A_38, %sub3A_39 : vector<16xf32>
    %swap3A = arith.constant 0 : index
    %swap3A_41 = tpu.vector_load %arg10[%swap3A] {strides = array<i32>} : memref<512xf32, #tpu.memory_space<vmem>>, vector<16xf32>,
    %swap3A_42 = vector.shape_cast %swap3A_41 : vector<16xf32> to vector<16xf32>
    %swap3A_43 = vector.shape_cast %sub3A_40 : vector<16xf32> to vector<16xf32>
    tpu.vector_store %arg10[%swap3A], %swap3A_43 {strides = array<i32>} : memref<512xf32, #tpu.memory_space<vmem>>, vector<16xf32>,
    %get3A_44 = arith.constant 16 : index
    %get3A_45 = tpu.vector_load %arg10[%get3A_44] {strides = array<i32>} : memref<512xf32, #tpu.memory_space<vmem>>, vector<16xf32>,
    %get3A_46 = vector.shape_cast %get3A_45 : vector<16xf32> to vector<16xf32>
    %sub3A_47 = arith.constant 1.000000e+00 : f32
    %sub3A_48 = vector.broadcast %sub3A_47 : f32 to vector<16xf32>
    %sub3A_49 = arith.subf %get3A_46, %sub3A_48 : vector<16xf32>
    %swap3A_50 = arith.constant 16 : index
    %swap3A_51 = tpu.vector_load %arg10[%swap3A_50] {strides = array<i32>} : memref<512xf32, #tpu.memory_space<vmem>>, vector<16xf32>,
    %swap3A_52 = vector.shape_cast %swap3A_51 : vector<16xf32> to vector<16xf32>
    %swap3A_53 = vector.shape_cast %sub3A_49 : vector<16xf32> to vector<16xf32>
    tpu.vector_store %arg10[%swap3A_50], %swap3A_53 {strides = array<i32>} : memref<512xf32, #tpu.memory_space<vmem>>, vector<16xf32>,
    %get3A_54 = arith.constant 32 : index
    %get3A_55 = tpu.vector_load %arg10[%get3A_54] {strides = array<i32>} : memref<512xf32, #tpu.memory_space<vmem>>, vector<16xf32>,
    %get3A_56 = vector.shape_cast %get3A_55 : vector<16xf32> to vector<16xf32>
    %sub3A_57 = arith.constant 1.000000e+00 : f32
    %sub3A_58 = vector.broadcast %sub3A_57 : f32 to vector<16xf32>
    %sub3A_59 = arith.subf %get3A_56, %sub3A_58 : vector<16xf32>
    %swap3A_60 = arith.constant 32 : index
    %swap3A_61 = tpu.vector_load %arg10[%swap3A_60] {strides = array<i32>} : memref<512xf32, #tpu.memory_space<vmem>>, vector<16xf32>,
    %swap3A_62 = vector.shape_cast %swap3A_61 : vector<16xf32> to vector<16xf32>
    %swap3A_63 = vector.shape_cast %sub3A_59 : vector<16xf32> to vector<16xf32>
    tpu.vector_store %arg10[%swap3A_60], %swap3A_63 {strides = array<i32>} : memref<512xf32, #tpu.memory_space<vmem>>, vector<16xf32>,
    %get3A_64 = arith.constant 48 : index
    %get3A_65 = tpu.vector_load %arg10[%get3A_64] {strides = array<i32>} : memref<512xf32, #tpu.memory_space<vmem>>, vector<16xf32>,
    %get3A_66 = vector.shape_cast %get3A_65 : vector<16xf32> to vector<16xf32>
    %sub3A_67 = arith.constant 1.000000e+00 : f32
    %sub3A_68 = vector.broadcast %sub3A_67 : f32 to vector<16xf32>
    %sub3A_69 = arith.subf %get3A_66, %sub3A_68 : vector<16xf32>
    %swap3A_70 = arith.constant 48 : index
    %swap3A_71 = tpu.vector_load %arg10[%swap3A_70] {strides = array<i32>} : memref<512xf32, #tpu.memory_space<vmem>>, vector<16xf32>,
    %swap3A_72 = vector.shape_cast %swap3A_71 : vector<16xf32> to vector<16xf32>
    %swap3A_73 = vector.shape_cast %sub3A_69 : vector<16xf32> to vector<16xf32>
    tpu.vector_store %arg10[%swap3A_70], %swap3A_73 {strides = array<i32>} : memref<512xf32, #tpu.memory_space<vmem>>, vector<16xf32>,
    %get3A_74 = arith.constant 64 : index
    %get3A_75 = tpu.vector_load %arg10[%get3A_74] {strides = array<i32>} : memref<512xf32, #tpu.memory_space<vmem>>, vector<16xf32>,
    %get3A_76 = vector.shape_cast %get3A_75 : vector<16xf32> to vector<16xf32>
    %sub3A_77 = arith.constant 1.000000e+00 : f32
    %sub3A_78 = vector.broadcast %sub3A_77 : f32 to vector<16xf32>
    %sub3A_79 = arith.subf %get3A_76, %sub3A_78 : vector<16xf32>
    %swap3A_80 = arith.constant 64 : index
    %swap3A_81 = tpu.vector_load %arg10[%swap3A_80] {strides = array<i32>} : memref<512xf32, #tpu.memory_space<vmem>>, vector<16xf32>,
    %swap3A_82 = vector.shape_cast %swap3A_81 : vector<16xf32> to vector<16xf32>
    %swap3A_83 = vector.shape_cast %sub3A_79 : vector<16xf32> to vector<16xf32>
    tpu.vector_store %arg10[%swap3A_80], %swap3A_83 {strides = array<i32>} : memref<512xf32, #tpu.memory_space<vmem>>, vector<16xf32>,
    %get3A_84 = arith.constant 80 : index
    %get3A_85 = tpu.vector_load %arg10[%get3A_84] {strides = array<i32>} : memref<512xf32, #tpu.memory_space<vmem>>, vector<16xf32>,
    %get3A_86 = vector.shape_cast %get3A_85 : vector<16xf32> to vector<16xf32>
    %sub3A_87 = arith.constant 1.000000e+00 : f32
    %sub3A_88 = vector.broadcast %sub3A_87 : f32 to vector<16xf32>
    %sub3A_89 = arith.subf %get3A_86, %sub3A_88 : vector<16xf32>
    %swap3A_90 = arith.constant 80 : index
    %swap3A_91 = tpu.vector_load %arg10[%swap3A_90] {strides = array<i32>} : memref<512xf32, #tpu.memory_space<vmem>>, vector<16xf32>,
    %swap3A_92 = vector.shape_cast %swap3A_91 : vector<16xf32> to vector<16xf32>
    %swap3A_93 = vector.shape_cast %sub3A_89 : vector<16xf32> to vector<16xf32>
    tpu.vector_store %arg10[%swap3A_90], %swap3A_93 {strides = array<i32>} : memref<512xf32, #tpu.memory_space<vmem>>, vector<16xf32>,
    %get3A_94 = arith.constant 96 : index
    %get3A_95 = tpu.vector_load %arg10[%get3A_94] {strides = array<i32>} : memref<512xf32, #tpu.memory_space<vmem>>, vector<16xf32>,
    %get3A_96 = vector.shape_cast %get3A_95 : vector<16xf32> to vector<16xf32>
    %sub3A_97 = arith.constant 1.000000e+00 : f32
    %sub3A_98 = vector.broadcast %sub3A_97 : f32 to vector<16xf32>
    %sub3A_99 = arith.subf %get3A_96, %sub3A_98 : vector<16xf32>
    %swap3A_100 = arith.constant 96 : index
    %swap3A_101 = tpu.vector_load %arg10[%swap3A_100] {strides = array<i32>} : memref<512xf32, #tpu.memory_space<vmem>>, vector<16xf32>,
    %swap3A_102 = vector.shape_cast %swap3A_101 : vector<16xf32> to vector<16xf32>
    %swap3A_103 = vector.shape_cast %sub3A_99 : vector<16xf32> to vector<16xf32>
    tpu.vector_store %arg10[%swap3A_100], %swap3A_103 {strides = array<i32>} : memref<512xf32, #tpu.memory_space<vmem>>, vector<16xf32>,
    %get3A_104 = arith.constant 112 : index
    %get3A_105 = tpu.vector_load %arg10[%get3A_104] {strides = array<i32>} : memref<512xf32, #tpu.memory_space<vmem>>, vector<16xf32>,
    %get3A_106 = vector.shape_cast %get3A_105 : vector<16xf32> to vector<16xf32>
    %sub3A_107 = arith.constant 1.000000e+00 : f32
    %sub3A_108 = vector.broadcast %sub3A_107 : f32 to vector<16xf32>
    %sub3A_109 = arith.subf %get3A_106, %sub3A_108 : vector<16xf32>
    %swap3A_110 = arith.constant 112 : index
    %swap3A_111 = tpu.vector_load %arg10[%swap3A_110] {strides = array<i32>} : memref<512xf32, #tpu.memory_space<vmem>>, vector<16xf32>,
    %swap3A_112 = vector.shape_cast %swap3A_111 : vector<16xf32> to vector<16xf32>
    %swap3A_113 = vector.shape_cast %sub3A_109 : vector<16xf32> to vector<16xf32>
    tpu.vector_store %arg10[%swap3A_110], %swap3A_113 {strides = array<i32>} : memref<512xf32, #tpu.memory_space<vmem>>, vector<16xf32>,
    %get3A_114 = arith.constant 128 : index
    %get3A_115 = tpu.vector_load %arg10[%get3A_114] {strides = array<i32>} : memref<512xf32, #tpu.memory_space<vmem>>, vector<16xf32>,
    %get3A_116 = vector.shape_cast %get3A_115 : vector<16xf32> to vector<16xf32>
    %sub3A_117 = arith.constant 1.000000e+00 : f32
    %sub3A_118 = vector.broadcast %sub3A_117 : f32 to vector<16xf32>
    %sub3A_119 = arith.subf %get3A_116, %sub3A_118 : vector<16xf32>
    %swap3A_120 = arith.constant 128 : index
    %swap3A_121 = tpu.vector_load %arg10[%swap3A_120] {strides = array<i32>} : memref<512xf32, #tpu.memory_space<vmem>>, vector<16xf32>,
    %swap3A_122 = vector.shape_cast %swap3A_121 : vector<16xf32> to vector<16xf32>
    %swap3A_123 = vector.shape_cast %sub3A_119 : vector<16xf32> to vector<16xf32>
    tpu.vector_store %arg10[%swap3A_120], %swap3A_123 {strides = array<i32>} : memref<512xf32, #tpu.memory_space<vmem>>, vector<16xf32>,
    %get3A_124 = arith.constant 144 : index
    %get3A_125 = tpu.vector_load %arg10[%get3A_124] {strides = array<i32>} : memref<512xf32, #tpu.memory_space<vmem>>, vector<16xf32>,
    %get3A_126 = vector.shape_cast %get3A_125 : vector<16xf32> to vector<16xf32>
    %sub3A_127 = arith.constant 1.000000e+00 : f32
    %sub3A_128 = vector.broadcast %sub3A_127 : f32 to vector<16xf32>
    %sub3A_129 = arith.subf %get3A_126, %sub3A_128 : vector<16xf32>
    %swap3A_130 = arith.constant 144 : index
    %swap3A_131 = tpu.vector_load %arg10[%swap3A_130] {strides = array<i32>} : memref<512xf32, #tpu.memory_space<vmem>>, vector<16xf32>,
    %swap3A_132 = vector.shape_cast %swap3A_131 : vector<16xf32> to vector<16xf32>
    %swap3A_133 = vector.shape_cast %sub3A_129 : vector<16xf32> to vector<16xf32>
    tpu.vector_store %arg10[%swap3A_130], %swap3A_133 {strides = array<i32>} : memref<512xf32, #tpu.memory_space<vmem>>, vector<16xf32>,
    %get3A_134 = arith.constant 160 : index
    %get3A_135 = tpu.vector_load %arg10[%get3A_134] {strides = array<i32>} : memref<512xf32, #tpu.memory_space<vmem>>, vector<16xf32>,
    %get3A_136 = vector.shape_cast %get3A_135 : vector<16xf32> to vector<16xf32>
    %sub3A_137 = arith.constant 1.000000e+00 : f32
    %sub3A_138 = vector.broadcast %sub3A_137 : f32 to vector<16xf32>
    %sub3A_139 = arith.subf %get3A_136, %sub3A_138 : vector<16xf32>
    %swap3A_140 = arith.constant 160 : index
    %swap3A_141 = tpu.vector_load %arg10[%swap3A_140] {strides = array<i32>} : memref<512xf32, #tpu.memory_space<vmem>>, vector<16xf32>,
    %swap3A_142 = vector.shape_cast %swap3A_141 : vector<16xf32> to vector<16xf32>
    %swap3A_143 = vector.shape_cast %sub3A_139 : vector<16xf32> to vector<16xf32>
    tpu.vector_store %arg10[%swap3A_140], %swap3A_143 {strides = array<i32>} : memref<512xf32, #tpu.memory_space<vmem>>, vector<16xf32>,
    %get3A_144 = arith.constant 176 : index
    %get3A_145 = tpu.vector_load %arg10[%get3A_144] {strides = array<i32>} : memref<512xf32, #tpu.memory_space<vmem>>, vector<16xf32>,
    %get3A_146 = vector.shape_cast %get3A_145 : vector<16xf32> to vector<16xf32>
    %sub3A_147 = arith.constant 1.000000e+00 : f32
    %sub3A_148 = vector.broadcast %sub3A_147 : f32 to vector<16xf32>
    %sub3A_149 = arith.subf %get3A_146, %sub3A_148 : vector<16xf32>
    %swap3A_150 = arith.constant 176 : index
    %swap3A_151 = tpu.vector_load %arg10[%swap3A_150] {strides = array<i32>} : memref<512xf32, #tpu.memory_space<vmem>>, vector<16xf32>,
    %swap3A_152 = vector.shape_cast %swap3A_151 : vector<16xf32> to vector<16xf32>
    %swap3A_153 = vector.shape_cast %sub3A_149 : vector<16xf32> to vector<16xf32>
    tpu.vector_store %arg10[%swap3A_150], %swap3A_153 {strides = array<i32>} : memref<512xf32, #tpu.memory_space<vmem>>, vector<16xf32>,
    %get3A_154 = arith.constant 192 : index
    %get3A_155 = tpu.vector_load %arg10[%get3A_154] {strides = array<i32>} : memref<512xf32, #tpu.memory_space<vmem>>, vector<16xf32>,
    %get3A_156 = vector.shape_cast %get3A_155 : vector<16xf32> to vector<16xf32>
    %sub3A_157 = arith.constant 1.000000e+00 : f32
    %sub3A_158 = vector.broadcast %sub3A_157 : f32 to vector<16xf32>
    %sub3A_159 = arith.subf %get3A_156, %sub3A_158 : vector<16xf32>
    %swap3A_160 = arith.constant 192 : index
    %swap3A_161 = tpu.vector_load %arg10[%swap3A_160] {strides = array<i32>} : memref<512xf32, #tpu.memory_space<vmem>>, vector<16xf32>,
    %swap3A_162 = vector.shape_cast %swap3A_161 : vector<16xf32> to vector<16xf32>
    %swap3A_163 = vector.shape_cast %sub3A_159 : vector<16xf32> to vector<16xf32>
    tpu.vector_store %arg10[%swap3A_160], %swap3A_163 {strides = array<i32>} : memref<512xf32, #tpu.memory_space<vmem>>, vector<16xf32>,
    %get3A_164 = arith.constant 208 : index
    %get3A_165 = tpu.vector_load %arg10[%get3A_164] {strides = array<i32>} : memref<512xf32, #tpu.memory_space<vmem>>, vector<16xf32>,
    %get3A_166 = vector.shape_cast %get3A_165 : vector<16xf32> to vector<16xf32>
    %sub3A_167 = arith.constant 1.000000e+00 : f32
    %sub3A_168 = vector.broadcast %sub3A_167 : f32 to vector<16xf32>
    %sub3A_169 = arith.subf %get3A_166, %sub3A_168 : vector<16xf32>
    %swap3A_170 = arith.constant 208 : index
    %swap3A_171 = tpu.vector_load %arg10[%swap3A_170] {strides = array<i32>} : memref<512xf32, #tpu.memory_space<vmem>>, vector<16xf32>,
    %swap3A_172 = vector.shape_cast %swap3A_171 : vector<16xf32> to vector<16xf32>
    %swap3A_173 = vector.shape_cast %sub3A_169 : vector<16xf32> to vector<16xf32>
    tpu.vector_store %arg10[%swap3A_170], %swap3A_173 {strides = array<i32>} : memref<512xf32, #tpu.memory_space<vmem>>, vector<16xf32>,
    %get3A_174 = arith.constant 224 : index
    %get3A_175 = tpu.vector_load %arg10[%get3A_174] {strides = array<i32>} : memref<512xf32, #tpu.memory_space<vmem>>, vector<16xf32>,
    %get3A_176 = vector.shape_cast %get3A_175 : vector<16xf32> to vector<16xf32>
    %sub3A_177 = arith.constant 1.000000e+00 : f32
    %sub3A_178 = vector.broadcast %sub3A_177 : f32 to vector<16xf32>
    %sub3A_179 = arith.subf %get3A_176, %sub3A_178 : vector<16xf32>
    %swap3A_180 = arith.constant 224 : index
    %swap3A_181 = tpu.vector_load %arg10[%swap3A_180] {strides = array<i32>} : memref<512xf32, #tpu.memory_space<vmem>>, vector<16xf32>,
    %swap3A_182 = vector.shape_cast %swap3A_181 : vector<16xf32> to vector<16xf32>
    %swap3A_183 = vector.shape_cast %sub3A_179 : vector<16xf32> to vector<16xf32>
    tpu.vector_store %arg10[%swap3A_180], %swap3A_183 {strides = array<i32>} : memref<512xf32, #tpu.memory_space<vmem>>, vector<16xf32>,
    %get3A_184 = arith.constant 240 : index
    %get3A_185 = tpu.vector_load %arg10[%get3A_184] {strides = array<i32>} : memref<512xf32, #tpu.memory_space<vmem>>, vector<16xf32>,
    %get3A_186 = vector.shape_cast %get3A_185 : vector<16xf32> to vector<16xf32>
    %sub3A_187 = arith.constant 1.000000e+00 : f32
    %sub3A_188 = vector.broadcast %sub3A_187 : f32 to vector<16xf32>
    %sub3A_189 = arith.subf %get3A_186, %sub3A_188 : vector<16xf32>
    %swap3A_190 = arith.constant 240 : index
    %swap3A_191 = tpu.vector_load %arg10[%swap3A_190] {strides = array<i32>} : memref<512xf32, #tpu.memory_space<vmem>>, vector<16xf32>,
    %swap3A_192 = vector.shape_cast %swap3A_191 : vector<16xf32> to vector<16xf32>
    %swap3A_193 = vector.shape_cast %sub3A_189 : vector<16xf32> to vector<16xf32>
    tpu.vector_store %arg10[%swap3A_190], %swap3A_193 {strides = array<i32>} : memref<512xf32, #tpu.memory_space<vmem>>, vector<16xf32>,
    %get3A_194 = arith.constant 256 : index
    %get3A_195 = tpu.vector_load %arg10[%get3A_194] {strides = array<i32>} : memref<512xf32, #tpu.memory_space<vmem>>, vector<16xf32>,
    %get3A_196 = vector.shape_cast %get3A_195 : vector<16xf32> to vector<16xf32>
    %sub3A_197 = arith.constant 1.000000e+00 : f32
    %sub3A_198 = vector.broadcast %sub3A_197 : f32 to vector<16xf32>
    %sub3A_199 = arith.subf %get3A_196, %sub3A_198 : vector<16xf32>
    %swap3A_200 = arith.constant 256 : index
    %swap3A_201 = tpu.vector_load %arg10[%swap3A_200] {strides = array<i32>} : memref<512xf32, #tpu.memory_space<vmem>>, vector<16xf32>,
    %swap3A_202 = vector.shape_cast %swap3A_201 : vector<16xf32> to vector<16xf32>
    %swap3A_203 = vector.shape_cast %sub3A_199 : vector<16xf32> to vector<16xf32>
    tpu.vector_store %arg10[%swap3A_200], %swap3A_203 {strides = array<i32>} : memref<512xf32, #tpu.memory_space<vmem>>, vector<16xf32>,
    %get3A_204 = arith.constant 272 : index
    %get3A_205 = tpu.vector_load %arg10[%get3A_204] {strides = array<i32>} : memref<512xf32, #tpu.memory_space<vmem>>, vector<16xf32>,
    %get3A_206 = vector.shape_cast %get3A_205 : vector<16xf32> to vector<16xf32>
    %sub3A_207 = arith.constant 1.000000e+00 : f32
    %sub3A_208 = vector.broadcast %sub3A_207 : f32 to vector<16xf32>
    %sub3A_209 = arith.subf %get3A_206, %sub3A_208 : vector<16xf32>
    %swap3A_210 = arith.constant 272 : index
    %swap3A_211 = tpu.vector_load %arg10[%swap3A_210] {strides = array<i32>} : memref<512xf32, #tpu.memory_space<vmem>>, vector<16xf32>,
    %swap3A_212 = vector.shape_cast %swap3A_211 : vector<16xf32> to vector<16xf32>
    %swap3A_213 = vector.shape_cast %sub3A_209 : vector<16xf32> to vector<16xf32>
    tpu.vector_store %arg10[%swap3A_210], %swap3A_213 {strides = array<i32>} : memref<512xf32, #tpu.memory_space<vmem>>, vector<16xf32>,
    %get3A_214 = arith.constant 288 : index
    %get3A_215 = tpu.vector_load %arg10[%get3A_214] {strides = array<i32>} : memref<512xf32, #tpu.memory_space<vmem>>, vector<16xf32>,
    %get3A_216 = vector.shape_cast %get3A_215 : vector<16xf32> to vector<16xf32>
    %sub3A_217 = arith.constant 1.000000e+00 : f32
    %sub3A_218 = vector.broadcast %sub3A_217 : f32 to vector<16xf32>
    %sub3A_219 = arith.subf %get3A_216, %sub3A_218 : vector<16xf32>
    %swap3A_220 = arith.constant 288 : index
    %swap3A_221 = tpu.vector_load %arg10[%swap3A_220] {strides = array<i32>} : memref<512xf32, #tpu.memory_space<vmem>>, vector<16xf32>,
    %swap3A_222 = vector.shape_cast %swap3A_221 : vector<16xf32> to vector<16xf32>
    %swap3A_223 = vector.shape_cast %sub3A_219 : vector<16xf32> to vector<16xf32>
    tpu.vector_store %arg10[%swap3A_220], %swap3A_223 {strides = array<i32>} : memref<512xf32, #tpu.memory_space<vmem>>, vector<16xf32>,
    %get3A_224 = arith.constant 304 : index
    %get3A_225 = tpu.vector_load %arg10[%get3A_224] {strides = array<i32>} : memref<512xf32, #tpu.memory_space<vmem>>, vector<16xf32>,
    %get3A_226 = vector.shape_cast %get3A_225 : vector<16xf32> to vector<16xf32>
    %sub3A_227 = arith.constant 1.000000e+00 : f32
    %sub3A_228 = vector.broadcast %sub3A_227 : f32 to vector<16xf32>
    %sub3A_229 = arith.subf %get3A_226, %sub3A_228 : vector<16xf32>
    %swap3A_230 = arith.constant 304 : index
    %swap3A_231 = tpu.vector_load %arg10[%swap3A_230] {strides = array<i32>} : memref<512xf32, #tpu.memory_space<vmem>>, vector<16xf32>,
    %swap3A_232 = vector.shape_cast %swap3A_231 : vector<16xf32> to vector<16xf32>
    %swap3A_233 = vector.shape_cast %sub3A_229 : vector<16xf32> to vector<16xf32>
    tpu.vector_store %arg10[%swap3A_230], %swap3A_233 {strides = array<i32>} : memref<512xf32, #tpu.memory_space<vmem>>, vector<16xf32>,
    %get3A_234 = arith.constant 320 : index
    %get3A_235 = tpu.vector_load %arg10[%get3A_234] {strides = array<i32>} : memref<512xf32, #tpu.memory_space<vmem>>, vector<16xf32>,
    %get3A_236 = vector.shape_cast %get3A_235 : vector<16xf32> to vector<16xf32>
    %sub3A_237 = arith.constant 1.000000e+00 : f32
    %sub3A_238 = vector.broadcast %sub3A_237 : f32 to vector<16xf32>
    %sub3A_239 = arith.subf %get3A_236, %sub3A_238 : vector<16xf32>
    %swap3A_240 = arith.constant 320 : index
    %swap3A_241 = tpu.vector_load %arg10[%swap3A_240] {strides = array<i32>} : memref<512xf32, #tpu.memory_space<vmem>>, vector<16xf32>,
    %swap3A_242 = vector.shape_cast %swap3A_241 : vector<16xf32> to vector<16xf32>
    %swap3A_243 = vector.shape_cast %sub3A_239 : vector<16xf32> to vector<16xf32>
    tpu.vector_store %arg10[%swap3A_240], %swap3A_243 {strides = array<i32>} : memref<512xf32, #tpu.memory_space<vmem>>, vector<16xf32>,
    %get3A_244 = arith.constant 336 : index
    %get3A_245 = tpu.vector_load %arg10[%get3A_244] {strides = array<i32>} : memref<512xf32, #tpu.memory_space<vmem>>, vector<16xf32>,
    %get3A_246 = vector.shape_cast %get3A_245 : vector<16xf32> to vector<16xf32>
    %sub3A_247 = arith.constant 1.000000e+00 : f32
    %sub3A_248 = vector.broadcast %sub3A_247 : f32 to vector<16xf32>
    %sub3A_249 = arith.subf %get3A_246, %sub3A_248 : vector<16xf32>
    %swap3A_250 = arith.constant 336 : index
    %swap3A_251 = tpu.vector_load %arg10[%swap3A_250] {strides = array<i32>} : memref<512xf32, #tpu.memory_space<vmem>>, vector<16xf32>,
    %swap3A_252 = vector.shape_cast %swap3A_251 : vector<16xf32> to vector<16xf32>
    %swap3A_253 = vector.shape_cast %sub3A_249 : vector<16xf32> to vector<16xf32>
    tpu.vector_store %arg10[%swap3A_250], %swap3A_253 {strides = array<i32>} : memref<512xf32, #tpu.memory_space<vmem>>, vector<16xf32>,
    %get3A_254 = arith.constant 352 : index
    %get3A_255 = tpu.vector_load %arg10[%get3A_254] {strides = array<i32>} : memref<512xf32, #tpu.memory_space<vmem>>, vector<16xf32>,
    %get3A_256 = vector.shape_cast %get3A_255 : vector<16xf32> to vector<16xf32>
    %sub3A_257 = arith.constant 1.000000e+00 : f32
    %sub3A_258 = vector.broadcast %sub3A_257 : f32 to vector<16xf32>
    %sub3A_259 = arith.subf %get3A_256, %sub3A_258 : vector<16xf32>
    %swap3A_260 = arith.constant 352 : index
    %swap3A_261 = tpu.vector_load %arg10[%swap3A_260] {strides = array<i32>} : memref<512xf32, #tpu.memory_space<vmem>>, vector<16xf32>,
    %swap3A_262 = vector.shape_cast %swap3A_261 : vector<16xf32> to vector<16xf32>
    %swap3A_263 = vector.shape_cast %sub3A_259 : vector<16xf32> to vector<16xf32>
    tpu.vector_store %arg10[%swap3A_260], %swap3A_263 {strides = array<i32>} : memref<512xf32, #tpu.memory_space<vmem>>, vector<16xf32>,
    %get3A_264 = arith.constant 368 : index
    %get3A_265 = tpu.vector_load %arg10[%get3A_264] {strides = array<i32>} : memref<512xf32, #tpu.memory_space<vmem>>, vector<16xf32>,
    %get3A_266 = vector.shape_cast %get3A_265 : vector<16xf32> to vector<16xf32>
    %sub3A_267 = arith.constant 1.000000e+00 : f32
    %sub3A_268 = vector.broadcast %sub3A_267 : f32 to vector<16xf32>
    %sub3A_269 = arith.subf %get3A_266, %sub3A_268 : vector<16xf32>
    %swap3A_270 = arith.constant 368 : index
    %swap3A_271 = tpu.vector_load %arg10[%swap3A_270] {strides = array<i32>} : memref<512xf32, #tpu.memory_space<vmem>>, vector<16xf32>,
    %swap3A_272 = vector.shape_cast %swap3A_271 : vector<16xf32> to vector<16xf32>
    %swap3A_273 = vector.shape_cast %sub3A_269 : vector<16xf32> to vector<16xf32>
    tpu.vector_store %arg10[%swap3A_270], %swap3A_273 {strides = array<i32>} : memref<512xf32, #tpu.memory_space<vmem>>, vector<16xf32>,
    %get3A_274 = arith.constant 384 : index
    %get3A_275 = tpu.vector_load %arg10[%get3A_274] {strides = array<i32>} : memref<512xf32, #tpu.memory_space<vmem>>, vector<16xf32>,
    %get3A_276 = vector.shape_cast %get3A_275 : vector<16xf32> to vector<16xf32>
    %sub3A_277 = arith.constant 1.000000e+00 : f32
    %sub3A_278 = vector.broadcast %sub3A_277 : f32 to vector<16xf32>
    %sub3A_279 = arith.subf %get3A_276, %sub3A_278 : vector<16xf32>
    %swap3A_280 = arith.constant 384 : index
    %swap3A_281 = tpu.vector_load %arg10[%swap3A_280] {strides = array<i32>} : memref<512xf32, #tpu.memory_space<vmem>>, vector<16xf32>,
    %swap3A_282 = vector.shape_cast %swap3A_281 : vector<16xf32> to vector<16xf32>
    %swap3A_283 = vector.shape_cast %sub3A_279 : vector<16xf32> to vector<16xf32>
    tpu.vector_store %arg10[%swap3A_280], %swap3A_283 {strides = array<i32>} : memref<512xf32, #tpu.memory_space<vmem>>, vector<16xf32>,
    %get3A_284 = arith.constant 400 : index
    %get3A_285 = tpu.vector_load %arg10[%get3A_284] {strides = array<i32>} : memref<512xf32, #tpu.memory_space<vmem>>, vector<16xf32>,
    %get3A_286 = vector.shape_cast %get3A_285 : vector<16xf32> to vector<16xf32>
    %sub3A_287 = arith.constant 1.000000e+00 : f32
    %sub3A_288 = vector.broadcast %sub3A_287 : f32 to vector<16xf32>
    %sub3A_289 = arith.subf %get3A_286, %sub3A_288 : vector<16xf32>
    %swap3A_290 = arith.constant 400 : index
    %swap3A_291 = tpu.vector_load %arg10[%swap3A_290] {strides = array<i32>} : memref<512xf32, #tpu.memory_space<vmem>>, vector<16xf32>,
    %swap3A_292 = vector.shape_cast %swap3A_291 : vector<16xf32> to vector<16xf32>
    %swap3A_293 = vector.shape_cast %sub3A_289 : vector<16xf32> to vector<16xf32>
    tpu.vector_store %arg10[%swap3A_290], %swap3A_293 {strides = array<i32>} : memref<512xf32, #tpu.memory_space<vmem>>, vector<16xf32>,
    %get3A_294 = arith.constant 416 : index
    %get3A_295 = tpu.vector_load %arg10[%get3A_294] {strides = array<i32>} : memref<512xf32, #tpu.memory_space<vmem>>, vector<16xf32>,
    %get3A_296 = vector.shape_cast %get3A_295 : vector<16xf32> to vector<16xf32>
    %sub3A_297 = arith.constant 1.000000e+00 : f32
    %sub3A_298 = vector.broadcast %sub3A_297 : f32 to vector<16xf32>
    %sub3A_299 = arith.subf %get3A_296, %sub3A_298 : vector<16xf32>
    %swap3A_300 = arith.constant 416 : index
    %swap3A_301 = tpu.vector_load %arg10[%swap3A_300] {strides = array<i32>} : memref<512xf32, #tpu.memory_space<vmem>>, vector<16xf32>,
    %swap3A_302 = vector.shape_cast %swap3A_301 : vector<16xf32> to vector<16xf32>
    %swap3A_303 = vector.shape_cast %sub3A_299 : vector<16xf32> to vector<16xf32>
    tpu.vector_store %arg10[%swap3A_300], %swap3A_303 {strides = array<i32>} : memref<512xf32, #tpu.memory_space<vmem>>, vector<16xf32>,
    %get3A_304 = arith.constant 432 : index
    %get3A_305 = tpu.vector_load %arg10[%get3A_304] {strides = array<i32>} : memref<512xf32, #tpu.memory_space<vmem>>, vector<16xf32>,
    %get3A_306 = vector.shape_cast %get3A_305 : vector<16xf32> to vector<16xf32>
    %sub3A_307 = arith.constant 1.000000e+00 : f32
    %sub3A_308 = vector.broadcast %sub3A_307 : f32 to vector<16xf32>
    %sub3A_309 = arith.subf %get3A_306, %sub3A_308 : vector<16xf32>
    %swap3A_310 = arith.constant 432 : index
    %swap3A_311 = tpu.vector_load %arg10[%swap3A_310] {strides = array<i32>} : memref<512xf32, #tpu.memory_space<vmem>>, vector<16xf32>,
    %swap3A_312 = vector.shape_cast %swap3A_311 : vector<16xf32> to vector<16xf32>
    %swap3A_313 = vector.shape_cast %sub3A_309 : vector<16xf32> to vector<16xf32>
    tpu.vector_store %arg10[%swap3A_310], %swap3A_313 {strides = array<i32>} : memref<512xf32, #tpu.memory_space<vmem>>, vector<16xf32>,
    %get3A_314 = arith.constant 448 : index
    %get3A_315 = tpu.vector_load %arg10[%get3A_314] {strides = array<i32>} : memref<512xf32, #tpu.memory_space<vmem>>, vector<16xf32>,
    %get3A_316 = vector.shape_cast %get3A_315 : vector<16xf32> to vector<16xf32>
    %sub3A_317 = arith.constant 1.000000e+00 : f32
    %sub3A_318 = vector.broadcast %sub3A_317 : f32 to vector<16xf32>
    %sub3A_319 = arith.subf %get3A_316, %sub3A_318 : vector<16xf32>
    %swap3A_320 = arith.constant 448 : index
    %swap3A_321 = tpu.vector_load %arg10[%swap3A_320] {strides = array<i32>} : memref<512xf32, #tpu.memory_space<vmem>>, vector<16xf32>,
    %swap3A_322 = vector.shape_cast %swap3A_321 : vector<16xf32> to vector<16xf32>
    %swap3A_323 = vector.shape_cast %sub3A_319 : vector<16xf32> to vector<16xf32>
    tpu.vector_store %arg10[%swap3A_320], %swap3A_323 {strides = array<i32>} : memref<512xf32, #tpu.memory_space<vmem>>, vector<16xf32>,
    %get3A_324 = arith.constant 464 : index
    %get3A_325 = tpu.vector_load %arg10[%get3A_324] {strides = array<i32>} : memref<512xf32, #tpu.memory_space<vmem>>, vector<16xf32>,
    %get3A_326 = vector.shape_cast %get3A_325 : vector<16xf32> to vector<16xf32>
    %sub3A_327 = arith.constant 1.000000e+00 : f32
    %sub3A_328 = vector.broadcast %sub3A_327 : f32 to vector<16xf32>
    %sub3A_329 = arith.subf %get3A_326, %sub3A_328 : vector<16xf32>
    %swap3A_330 = arith.constant 464 : index
    %swap3A_331 = tpu.vector_load %arg10[%swap3A_330] {strides = array<i32>} : memref<512xf32, #tpu.memory_space<vmem>>, vector<16xf32>,
    %swap3A_332 = vector.shape_cast %swap3A_331 : vector<16xf32> to vector<16xf32>
    %swap3A_333 = vector.shape_cast %sub3A_329 : vector<16xf32> to vector<16xf32>
    tpu.vector_store %arg10[%swap3A_330], %swap3A_333 {strides = array<i32>} : memref<512xf32, #tpu.memory_space<vmem>>, vector<16xf32>,
    %get3A_334 = arith.constant 480 : index
    %get3A_335 = tpu.vector_load %arg10[%get3A_334] {strides = array<i32>} : memref<512xf32, #tpu.memory_space<vmem>>, vector<16xf32>,
    %get3A_336 = vector.shape_cast %get3A_335 : vector<16xf32> to vector<16xf32>
    %sub3A_337 = arith.constant 1.000000e+00 : f32
    %sub3A_338 = vector.broadcast %sub3A_337 : f32 to vector<16xf32>
    %sub3A_339 = arith.subf %get3A_336, %sub3A_338 : vector<16xf32>
    %swap3A_340 = arith.constant 480 : index
    %swap3A_341 = tpu.vector_load %arg10[%swap3A_340] {strides = array<i32>} : memref<512xf32, #tpu.memory_space<vmem>>, vector<16xf32>,
    %swap3A_342 = vector.shape_cast %swap3A_341 : vector<16xf32> to vector<16xf32>
    %swap3A_343 = vector.shape_cast %sub3A_339 : vector<16xf32> to vector<16xf32>
    tpu.vector_store %arg10[%swap3A_340], %swap3A_343 {strides = array<i32>} : memref<512xf32, #tpu.memory_space<vmem>>, vector<16xf32>,
    %get3A_344 = arith.constant 496 : index
    %get3A_345 = tpu.vector_load %arg10[%get3A_344] {strides = array<i32>} : memref<512xf32, #tpu.memory_space<vmem>>, vector<16xf32>,
    %get3A_346 = vector.shape_cast %get3A_345 : vector<16xf32> to vector<16xf32>
    %sub3A_347 = arith.constant 1.000000e+00 : f32
    %sub3A_348 = vector.broadcast %sub3A_347 : f32 to vector<16xf32>
    %sub3A_349 = arith.subf %get3A_346, %sub3A_348 : vector<16xf32>
    %swap3A_350 = arith.constant 496 : index
    %swap3A_351 = tpu.vector_load %arg10[%swap3A_350] {strides = array<i32>} : memref<512xf32, #tpu.memory_space<vmem>>, vector<16xf32>,
    %swap3A_352 = vector.shape_cast %swap3A_351 : vector<16xf32> to vector<16xf32>
    %swap3A_353 = vector.shape_cast %sub3A_349 : vector<16xf32> to vector<16xf32>
    tpu.vector_store %arg10[%swap3A_350], %swap3A_353 {strides = array<i32>} : memref<512xf32, #tpu.memory_space<vmem>>, vector<16xf32>,
    %dma_wait3A_354 = arith.constant 0 : i32
    %dma_wait3A_355 = tpu.memref_slice %arg11[%dma_wait3A_354] : memref<512xf32, #tpu.memory_space<vmem>> -> memref<256xf32, #tpu.memory_space<vmem>>
    %dma_wait3A_356 = arith.constant 0 : i32
    %dma_wait3A_357 = tpu.memref_slice %arg8[%dma_wait3A_356] : memref<512xi32, #tpu.memory_space<vmem>> -> memref<256xi32, #tpu.memory_space<vmem>>
    %dma_wait3A_358 = arith.constant 0 : i32
    %dma_wait3A_359 = tpu.memref_slice %arg5[%dma_wait3A_358] : memref<1000000xf32, #tpu.memory_space<hbm>> -> memref<1000000xf32, #tpu.memory_space<hbm>>
    tpu.wait_indirect_dma semaphore(%arg17 : memref<!tpu.dma_semaphore, #tpu.memory_space<semaphore_mem>>) src(%dma_wait3A_359 : memref<1000000xf32, #tpu.memory_space<hbm>>) dst(%dma_wait3A_355 : memref<256xf32, #tpu.memory_space<vmem>>)
    %dma_wait3A_360 = arith.constant 0 : i32
    %dma_wait3A_361 = tpu.memref_slice %arg12[%dma_wait3A_360] : memref<512xf32, #tpu.memory_space<vmem>> -> memref<256xf32, #tpu.memory_space<vmem>>
    %dma_wait3A_362 = arith.constant 0 : i32
    %dma_wait3A_363 = tpu.memref_slice %arg9[%dma_wait3A_362] : memref<512xi32, #tpu.memory_space<vmem>> -> memref<256xi32, #tpu.memory_space<vmem>>
    %dma_wait3A_364 = arith.constant 0 : i32
    %dma_wait3A_365 = tpu.memref_slice %arg6[%dma_wait3A_364] : memref<1000000xf32, #tpu.memory_space<hbm>> -> memref<1000000xf32, #tpu.memory_space<hbm>>
    tpu.wait_indirect_dma semaphore(%arg17 : memref<!tpu.dma_semaphore, #tpu.memory_space<semaphore_mem>>) src(%dma_wait3A_365 : memref<1000000xf32, #tpu.memory_space<hbm>>) dst(%dma_wait3A_361 : memref<256xf32, #tpu.memory_space<vmem>>)
    %get3A_366 = arith.constant 0 : index
    %get3A_367 = tpu.vector_load %arg10[%get3A_366] {strides = array<i32>} : memref<512xf32, #tpu.memory_space<vmem>>, vector<16xf32>,
    %get3A_368 = vector.shape_cast %get3A_367 : vector<16xf32> to vector<16xf32>
    %get3A_369 = arith.constant 0 : index
    %get3A_370 = tpu.vector_load %arg11[%get3A_369] {strides = array<i32>} : memref<512xf32, #tpu.memory_space<vmem>>, vector<16xf32>,
    %get3A_371 = vector.shape_cast %get3A_370 : vector<16xf32> to vector<16xf32>
    %abs3A = math.absf %get3A_371 : vector<16xf32>
    %neg3A = arith.constant 0.000000e+00 : f32
    %neg3A_372 = vector.broadcast %neg3A : f32 to vector<16xf32>
    %neg3A_373 = arith.subf %neg3A_372, %abs3A : vector<16xf32>
    %exp3A = math.exp %neg3A_373 : vector<16xf32>
    %mul3A_374 = arith.constant -0.0236892365 : f32
    %mul3A_375 = vector.broadcast %mul3A_374 : f32 to vector<16xf32>
    %mul3A_376 = arith.mulf %mul3A_375, %exp3A : vector<16xf32>
    %add3A_377 = arith.constant 0.100287139 : f32
    %add3A_378 = vector.broadcast %add3A_377 : f32 to vector<16xf32>
    %add3A_379 = arith.addf %mul3A_376, %add3A_378 : vector<16xf32>
    %mul3A_380 = arith.mulf %add3A_379, %exp3A : vector<16xf32>
    %add3A_381 = arith.constant -0.208669573 : f32
    %add3A_382 = vector.broadcast %add3A_381 : f32 to vector<16xf32>
    %add3A_383 = arith.addf %mul3A_380, %add3A_382 : vector<16xf32>
    %mul3A_384 = arith.mulf %add3A_383, %exp3A : vector<16xf32>
    %add3A_385 = arith.constant 0.32441175 : f32
    %add3A_386 = vector.broadcast %add3A_385 : f32 to vector<16xf32>
    %add3A_387 = arith.addf %mul3A_384, %add3A_386 : vector<16xf32>
    %mul3A_388 = arith.mulf %add3A_387, %exp3A : vector<16xf32>
    %add3A_389 = arith.constant -0.499187827 : f32
    %add3A_390 = vector.broadcast %add3A_389 : f32 to vector<16xf32>
    %add3A_391 = arith.addf %mul3A_388, %add3A_390 : vector<16xf32>
    %mul3A_392 = arith.mulf %add3A_391, %exp3A : vector<16xf32>
    %add3A_393 = arith.constant 0.99998188 : f32
    %add3A_394 = vector.broadcast %add3A_393 : f32 to vector<16xf32>
    %add3A_395 = arith.addf %mul3A_392, %add3A_394 : vector<16xf32>
    %max3A = arith.constant 0.000000e+00 : f32
    %max3A_396 = vector.broadcast %max3A : f32 to vector<16xf32>
    %max3A_397 = arith.maximumf %get3A_371, %max3A_396 : vector<16xf32>
    %mul3A_398 = arith.mulf %exp3A, %add3A_395 : vector<16xf32>
    %add3A_399 = arith.addf %max3A_397, %mul3A_398 : vector<16xf32>
    %get3A_400 = arith.constant 0 : index
    %get3A_401 = tpu.vector_load %arg12[%get3A_400] {strides = array<i32>} : memref<512xf32, #tpu.memory_space<vmem>>, vector<16xf32>,
    %get3A_402 = vector.shape_cast %get3A_401 : vector<16xf32> to vector<16xf32>
    %abs3A_403 = math.absf %get3A_402 : vector<16xf32>
    %neg3A_404 = arith.constant 0.000000e+00 : f32
    %neg3A_405 = vector.broadcast %neg3A_404 : f32 to vector<16xf32>
    %neg3A_406 = arith.subf %neg3A_405, %abs3A_403 : vector<16xf32>
    %exp3A_407 = math.exp %neg3A_406 : vector<16xf32>
    %mul3A_408 = arith.constant -0.0236892365 : f32
    %mul3A_409 = vector.broadcast %mul3A_408 : f32 to vector<16xf32>
    %mul3A_410 = arith.mulf %mul3A_409, %exp3A_407 : vector<16xf32>
    %add3A_411 = arith.constant 0.100287139 : f32
    %add3A_412 = vector.broadcast %add3A_411 : f32 to vector<16xf32>
    %add3A_413 = arith.addf %mul3A_410, %add3A_412 : vector<16xf32>
    %mul3A_414 = arith.mulf %add3A_413, %exp3A_407 : vector<16xf32>
    %add3A_415 = arith.constant -0.208669573 : f32
    %add3A_416 = vector.broadcast %add3A_415 : f32 to vector<16xf32>
    %add3A_417 = arith.addf %mul3A_414, %add3A_416 : vector<16xf32>
    %mul3A_418 = arith.mulf %add3A_417, %exp3A_407 : vector<16xf32>
    %add3A_419 = arith.constant 0.32441175 : f32
    %add3A_420 = vector.broadcast %add3A_419 : f32 to vector<16xf32>
    %add3A_421 = arith.addf %mul3A_418, %add3A_420 : vector<16xf32>
    %mul3A_422 = arith.mulf %add3A_421, %exp3A_407 : vector<16xf32>
    %add3A_423 = arith.constant -0.499187827 : f32
    %add3A_424 = vector.broadcast %add3A_423 : f32 to vector<16xf32>
    %add3A_425 = arith.addf %mul3A_422, %add3A_424 : vector<16xf32>
    %mul3A_426 = arith.mulf %add3A_425, %exp3A_407 : vector<16xf32>
    %add3A_427 = arith.constant 0.99998188 : f32
    %add3A_428 = vector.broadcast %add3A_427 : f32 to vector<16xf32>
    %add3A_429 = arith.addf %mul3A_426, %add3A_428 : vector<16xf32>
    %max3A_430 = arith.constant 0.000000e+00 : f32
    %max3A_431 = vector.broadcast %max3A_430 : f32 to vector<16xf32>
    %max3A_432 = arith.maximumf %get3A_402, %max3A_431 : vector<16xf32>
    %mul3A_433 = arith.mulf %exp3A_407, %add3A_429 : vector<16xf32>
    %add3A_434 = arith.addf %max3A_432, %mul3A_433 : vector<16xf32>
    %mul3A_435 = arith.mulf %add3A_399, %add3A_434 : vector<16xf32>
    %mul3A_436 = arith.mulf %get3A_368, %mul3A_435 : vector<16xf32>
    %swap3A_437 = arith.constant 0 : index
    %swap3A_438 = tpu.vector_load %arg13[%swap3A_437] {strides = array<i32>} : memref<512xf32, #tpu.memory_space<vmem>>, vector<16xf32>,
    %swap3A_439 = vector.shape_cast %swap3A_438 : vector<16xf32> to vector<16xf32>
    %swap3A_440 = vector.shape_cast %mul3A_436 : vector<16xf32> to vector<16xf32>
    tpu.vector_store %arg13[%swap3A_437], %swap3A_440 {strides = array<i32>} : memref<512xf32, #tpu.memory_space<vmem>>, vector<16xf32>,
    %get3A_441 = arith.constant 16 : index
    %get3A_442 = tpu.vector_load %arg10[%get3A_441] {strides = array<i32>} : memref<512xf32, #tpu.memory_space<vmem>>, vector<16xf32>,
    %get3A_443 = vector.shape_cast %get3A_442 : vector<16xf32> to vector<16xf32>
    %get3A_444 = arith.constant 16 : index
    %get3A_445 = tpu.vector_load %arg11[%get3A_444] {strides = array<i32>} : memref<512xf32, #tpu.memory_space<vmem>>, vector<16xf32>,
    %get3A_446 = vector.shape_cast %get3A_445 : vector<16xf32> to vector<16xf32>
    %abs3A_447 = math.absf %get3A_446 : vector<16xf32>
    %neg3A_448 = arith.constant 0.000000e+00 : f32
    %neg3A_449 = vector.broadcast %neg3A_448 : f32 to vector<16xf32>
    %neg3A_450 = arith.subf %neg3A_449, %abs3A_447 : vector<16xf32>
    %exp3A_451 = math.exp %neg3A_450 : vector<16xf32>
    %mul3A_452 = arith.constant -0.0236892365 : f32
    %mul3A_453 = vector.broadcast %mul3A_452 : f32 to vector<16xf32>
    %mul3A_454 = arith.mulf %mul3A_453, %exp3A_451 : vector<16xf32>
    %add3A_455 = arith.constant 0.100287139 : f32
    %add3A_456 = vector.broadcast %add3A_455 : f32 to vector<16xf32>
    %add3A_457 = arith.addf %mul3A_454, %add3A_456 : vector<16xf32>
    %mul3A_458 = arith.mulf %add3A_457, %exp3A_451 : vector<16xf32>
    %add3A_459 = arith.constant -0.208669573 : f32
    %add3A_460 = vector.broadcast %add3A_459 : f32 to vector<16xf32>
    %add3A_461 = arith.addf %mul3A_458, %add3A_460 : vector<16xf32>
    %mul3A_462 = arith.mulf %add3A_461, %exp3A_451 : vector<16xf32>
    %add3A_463 = arith.constant 0.32441175 : f32
    %add3A_464 = vector.broadcast %add3A_463 : f32 to vector<16xf32>
    %add3A_465 = arith.addf %mul3A_462, %add3A_464 : vector<16xf32>
    %mul3A_466 = arith.mulf %add3A_465, %exp3A_451 : vector<16xf32>
    %add3A_467 = arith.constant -0.499187827 : f32
    %add3A_468 = vector.broadcast %add3A_467 : f32 to vector<16xf32>
    %add3A_469 = arith.addf %mul3A_466, %add3A_468 : vector<16xf32>
    %mul3A_470 = arith.mulf %add3A_469, %exp3A_451 : vector<16xf32>
    %add3A_471 = arith.constant 0.99998188 : f32
    %add3A_472 = vector.broadcast %add3A_471 : f32 to vector<16xf32>
    %add3A_473 = arith.addf %mul3A_470, %add3A_472 : vector<16xf32>
    %max3A_474 = arith.constant 0.000000e+00 : f32
    %max3A_475 = vector.broadcast %max3A_474 : f32 to vector<16xf32>
    %max3A_476 = arith.maximumf %get3A_446, %max3A_475 : vector<16xf32>
    %mul3A_477 = arith.mulf %exp3A_451, %add3A_473 : vector<16xf32>
    %add3A_478 = arith.addf %max3A_476, %mul3A_477 : vector<16xf32>
    %get3A_479 = arith.constant 16 : index
    %get3A_480 = tpu.vector_load %arg12[%get3A_479] {strides = array<i32>} : memref<512xf32, #tpu.memory_space<vmem>>, vector<16xf32>,
    %get3A_481 = vector.shape_cast %get3A_480 : vector<16xf32> to vector<16xf32>
    %abs3A_482 = math.absf %get3A_481 : vector<16xf32>
    %neg3A_483 = arith.constant 0.000000e+00 : f32
    %neg3A_484 = vector.broadcast %neg3A_483 : f32 to vector<16xf32>
    %neg3A_485 = arith.subf %neg3A_484, %abs3A_482 : vector<16xf32>
    %exp3A_486 = math.exp %neg3A_485 : vector<16xf32>
    %mul3A_487 = arith.constant -0.0236892365 : f32
    %mul3A_488 = vector.broadcast %mul3A_487 : f32 to vector<16xf32>
    %mul3A_489 = arith.mulf %mul3A_488, %exp3A_486 : vector<16xf32>
    %add3A_490 = arith.constant 0.100287139 : f32
    %add3A_491 = vector.broadcast %add3A_490 : f32 to vector<16xf32>
    %add3A_492 = arith.addf %mul3A_489, %add3A_491 : vector<16xf32>
    %mul3A_493 = arith.mulf %add3A_492, %exp3A_486 : vector<16xf32>
    %add3A_494 = arith.constant -0.208669573 : f32
    %add3A_495 = vector.broadcast %add3A_494 : f32 to vector<16xf32>
    %add3A_496 = arith.addf %mul3A_493, %add3A_495 : vector<16xf32>
    %mul3A_497 = arith.mulf %add3A_496, %exp3A_486 : vector<16xf32>
    %add3A_498 = arith.constant 0.32441175 : f32
    %add3A_499 = vector.broadcast %add3A_498 : f32 to vector<16xf32>
    %add3A_500 = arith.addf %mul3A_497, %add3A_499 : vector<16xf32>
    %mul3A_501 = arith.mulf %add3A_500, %exp3A_486 : vector<16xf32>
    %add3A_502 = arith.constant -0.499187827 : f32
    %add3A_503 = vector.broadcast %add3A_502 : f32 to vector<16xf32>
    %add3A_504 = arith.addf %mul3A_501, %add3A_503 : vector<16xf32>
    %mul3A_505 = arith.mulf %add3A_504, %exp3A_486 : vector<16xf32>
    %add3A_506 = arith.constant 0.99998188 : f32
    %add3A_507 = vector.broadcast %add3A_506 : f32 to vector<16xf32>
    %add3A_508 = arith.addf %mul3A_505, %add3A_507 : vector<16xf32>
    %max3A_509 = arith.constant 0.000000e+00 : f32
    %max3A_510 = vector.broadcast %max3A_509 : f32 to vector<16xf32>
    %max3A_511 = arith.maximumf %get3A_481, %max3A_510 : vector<16xf32>
    %mul3A_512 = arith.mulf %exp3A_486, %add3A_508 : vector<16xf32>
    %add3A_513 = arith.addf %max3A_511, %mul3A_512 : vector<16xf32>
    %mul3A_514 = arith.mulf %add3A_478, %add3A_513 : vector<16xf32>
    %mul3A_515 = arith.mulf %get3A_443, %mul3A_514 : vector<16xf32>
    %swap3A_516 = arith.constant 16 : index
    %swap3A_517 = tpu.vector_load %arg13[%swap3A_516] {strides = array<i32>} : memref<512xf32, #tpu.memory_space<vmem>>, vector<16xf32>,
    %swap3A_518 = vector.shape_cast %swap3A_517 : vector<16xf32> to vector<16xf32>
    %swap3A_519 = vector.shape_cast %mul3A_515 : vector<16xf32> to vector<16xf32>
    tpu.vector_store %arg13[%swap3A_516], %swap3A_519 {strides = array<i32>} : memref<512xf32, #tpu.memory_space<vmem>>, vector<16xf32>,
    %get3A_520 = arith.constant 32 : index
    %get3A_521 = tpu.vector_load %arg10[%get3A_520] {strides = array<i32>} : memref<512xf32, #tpu.memory_space<vmem>>, vector<16xf32>,
    %get3A_522 = vector.shape_cast %get3A_521 : vector<16xf32> to vector<16xf32>
    %get3A_523 = arith.constant 32 : index
    %get3A_524 = tpu.vector_load %arg11[%get3A_523] {strides = array<i32>} : memref<512xf32, #tpu.memory_space<vmem>>, vector<16xf32>,
    %get3A_525 = vector.shape_cast %get3A_524 : vector<16xf32> to vector<16xf32>
    %abs3A_526 = math.absf %get3A_525 : vector<16xf32>
    %neg3A_527 = arith.constant 0.000000e+00 : f32
    %neg3A_528 = vector.broadcast %neg3A_527 : f32 to vector<16xf32>
    %neg3A_529 = arith.subf %neg3A_528, %abs3A_526 : vector<16xf32>
    %exp3A_530 = math.exp %neg3A_529 : vector<16xf32>
    %mul3A_531 = arith.constant -0.0236892365 : f32
    %mul3A_532 = vector.broadcast %mul3A_531 : f32 to vector<16xf32>
    %mul3A_533 = arith.mulf %mul3A_532, %exp3A_530 : vector<16xf32>
    %add3A_534 = arith.constant 0.100287139 : f32
    %add3A_535 = vector.broadcast %add3A_534 : f32 to vector<16xf32>
    %add3A_536 = arith.addf %mul3A_533, %add3A_535 : vector<16xf32>
    %mul3A_537 = arith.mulf %add3A_536, %exp3A_530 : vector<16xf32>
    %add3A_538 = arith.constant -0.208669573 : f32
    %add3A_539 = vector.broadcast %add3A_538 : f32 to vector<16xf32>
    %add3A_540 = arith.addf %mul3A_537, %add3A_539 : vector<16xf32>
    %mul3A_541 = arith.mulf %add3A_540, %exp3A_530 : vector<16xf32>
    %add3A_542 = arith.constant 0.32441175 : f32
    %add3A_543 = vector.broadcast %add3A_542 : f32 to vector<16xf32>
    %add3A_544 = arith.addf %mul3A_541, %add3A_543 : vector<16xf32>
    %mul3A_545 = arith.mulf %add3A_544, %exp3A_530 : vector<16xf32>
    %add3A_546 = arith.constant -0.499187827 : f32
    %add3A_547 = vector.broadcast %add3A_546 : f32 to vector<16xf32>
    %add3A_548 = arith.addf %mul3A_545, %add3A_547 : vector<16xf32>
    %mul3A_549 = arith.mulf %add3A_548, %exp3A_530 : vector<16xf32>
    %add3A_550 = arith.constant 0.99998188 : f32
    %add3A_551 = vector.broadcast %add3A_550 : f32 to vector<16xf32>
    %add3A_552 = arith.addf %mul3A_549, %add3A_551 : vector<16xf32>
    %max3A_553 = arith.constant 0.000000e+00 : f32
    %max3A_554 = vector.broadcast %max3A_553 : f32 to vector<16xf32>
    %max3A_555 = arith.maximumf %get3A_525, %max3A_554 : vector<16xf32>
    %mul3A_556 = arith.mulf %exp3A_530, %add3A_552 : vector<16xf32>
    %add3A_557 = arith.addf %max3A_555, %mul3A_556 : vector<16xf32>
    %get3A_558 = arith.constant 32 : index
    %get3A_559 = tpu.vector_load %arg12[%get3A_558] {strides = array<i32>} : memref<512xf32, #tpu.memory_space<vmem>>, vector<16xf32>,
    %get3A_560 = vector.shape_cast %get3A_559 : vector<16xf32> to vector<16xf32>
    %abs3A_561 = math.absf %get3A_560 : vector<16xf32>
    %neg3A_562 = arith.constant 0.000000e+00 : f32
    %neg3A_563 = vector.broadcast %neg3A_562 : f32 to vector<16xf32>
    %neg3A_564 = arith.subf %neg3A_563, %abs3A_561 : vector<16xf32>
    %exp3A_565 = math.exp %neg3A_564 : vector<16xf32>
    %mul3A_566 = arith.constant -0.0236892365 : f32
    %mul3A_567 = vector.broadcast %mul3A_566 : f32 to vector<16xf32>
    %mul3A_568 = arith.mulf %mul3A_567, %exp3A_565 : vector<16xf32>
    %add3A_569 = arith.constant 0.100287139 : f32
    %add3A_570 = vector.broadcast %add3A_569 : f32 to vector<16xf32>
    %add3A_571 = arith.addf %mul3A_568, %add3A_570 : vector<16xf32>
    %mul3A_572 = arith.mulf %add3A_571, %exp3A_565 : vector<16xf32>
    %add3A_573 = arith.constant -0.208669573 : f32
    %add3A_574 = vector.broadcast %add3A_573 : f32 to vector<16xf32>
    %add3A_575 = arith.addf %mul3A_572, %add3A_574 : vector<16xf32>
    %mul3A_576 = arith.mulf %add3A_575, %exp3A_565 : vector<16xf32>
    %add3A_577 = arith.constant 0.32441175 : f32
    %add3A_578 = vector.broadcast %add3A_577 : f32 to vector<16xf32>
    %add3A_579 = arith.addf %mul3A_576, %add3A_578 : vector<16xf32>
    %mul3A_580 = arith.mulf %add3A_579, %exp3A_565 : vector<16xf32>
    %add3A_581 = arith.constant -0.499187827 : f32
    %add3A_582 = vector.broadcast %add3A_581 : f32 to vector<16xf32>
    %add3A_583 = arith.addf %mul3A_580, %add3A_582 : vector<16xf32>
    %mul3A_584 = arith.mulf %add3A_583, %exp3A_565 : vector<16xf32>
    %add3A_585 = arith.constant 0.99998188 : f32
    %add3A_586 = vector.broadcast %add3A_585 : f32 to vector<16xf32>
    %add3A_587 = arith.addf %mul3A_584, %add3A_586 : vector<16xf32>
    %max3A_588 = arith.constant 0.000000e+00 : f32
    %max3A_589 = vector.broadcast %max3A_588 : f32 to vector<16xf32>
    %max3A_590 = arith.maximumf %get3A_560, %max3A_589 : vector<16xf32>
    %mul3A_591 = arith.mulf %exp3A_565, %add3A_587 : vector<16xf32>
    %add3A_592 = arith.addf %max3A_590, %mul3A_591 : vector<16xf32>
    %mul3A_593 = arith.mulf %add3A_557, %add3A_592 : vector<16xf32>
    %mul3A_594 = arith.mulf %get3A_522, %mul3A_593 : vector<16xf32>
    %swap3A_595 = arith.constant 32 : index
    %swap3A_596 = tpu.vector_load %arg13[%swap3A_595] {strides = array<i32>} : memref<512xf32, #tpu.memory_space<vmem>>, vector<16xf32>,
    %swap3A_597 = vector.shape_cast %swap3A_596 : vector<16xf32> to vector<16xf32>
    %swap3A_598 = vector.shape_cast %mul3A_594 : vector<16xf32> to vector<16xf32>
    tpu.vector_store %arg13[%swap3A_595], %swap3A_598 {strides = array<i32>} : memref<512xf32, #tpu.memory_space<vmem>>, vector<16xf32>,
    %get3A_599 = arith.constant 48 : index
    %get3A_600 = tpu.vector_load %arg10[%get3A_599] {strides = array<i32>} : memref<512xf32, #tpu.memory_space<vmem>>, vector<16xf32>,
    %get3A_601 = vector.shape_cast %get3A_600 : vector<16xf32> to vector<16xf32>
    %get3A_602 = arith.constant 48 : index
    %get3A_603 = tpu.vector_load %arg11[%get3A_602] {strides = array<i32>} : memref<512xf32, #tpu.memory_space<vmem>>, vector<16xf32>,
    %get3A_604 = vector.shape_cast %get3A_603 : vector<16xf32> to vector<16xf32>
    %abs3A_605 = math.absf %get3A_604 : vector<16xf32>
    %neg3A_606 = arith.constant 0.000000e+00 : f32
    %neg3A_607 = vector.broadcast %neg3A_606 : f32 to vector<16xf32>
    %neg3A_608 = arith.subf %neg3A_607, %abs3A_605 : vector<16xf32>
    %exp3A_609 = math.exp %neg3A_608 : vector<16xf32>
    %mul3A_610 = arith.constant -0.0236892365 : f32
    %mul3A_611 = vector.broadcast %mul3A_610 : f32 to vector<16xf32>
    %mul3A_612 = arith.mulf %mul3A_611, %exp3A_609 : vector<16xf32>
    %add3A_613 = arith.constant 0.100287139 : f32
    %add3A_614 = vector.broadcast %add3A_613 : f32 to vector<16xf32>
    %add3A_615 = arith.addf %mul3A_612, %add3A_614 : vector<16xf32>
    %mul3A_616 = arith.mulf %add3A_615, %exp3A_609 : vector<16xf32>
    %add3A_617 = arith.constant -0.208669573 : f32
    %add3A_618 = vector.broadcast %add3A_617 : f32 to vector<16xf32>
    %add3A_619 = arith.addf %mul3A_616, %add3A_618 : vector<16xf32>
    %mul3A_620 = arith.mulf %add3A_619, %exp3A_609 : vector<16xf32>
    %add3A_621 = arith.constant 0.32441175 : f32
    %add3A_622 = vector.broadcast %add3A_621 : f32 to vector<16xf32>
    %add3A_623 = arith.addf %mul3A_620, %add3A_622 : vector<16xf32>
    %mul3A_624 = arith.mulf %add3A_623, %exp3A_609 : vector<16xf32>
    %add3A_625 = arith.constant -0.499187827 : f32
    %add3A_626 = vector.broadcast %add3A_625 : f32 to vector<16xf32>
    %add3A_627 = arith.addf %mul3A_624, %add3A_626 : vector<16xf32>
    %mul3A_628 = arith.mulf %add3A_627, %exp3A_609 : vector<16xf32>
    %add3A_629 = arith.constant 0.99998188 : f32
    %add3A_630 = vector.broadcast %add3A_629 : f32 to vector<16xf32>
    %add3A_631 = arith.addf %mul3A_628, %add3A_630 : vector<16xf32>
    %max3A_632 = arith.constant 0.000000e+00 : f32
    %max3A_633 = vector.broadcast %max3A_632 : f32 to vector<16xf32>
    %max3A_634 = arith.maximumf %get3A_604, %max3A_633 : vector<16xf32>
    %mul3A_635 = arith.mulf %exp3A_609, %add3A_631 : vector<16xf32>
    %add3A_636 = arith.addf %max3A_634, %mul3A_635 : vector<16xf32>
    %get3A_637 = arith.constant 48 : index
    %get3A_638 = tpu.vector_load %arg12[%get3A_637] {strides = array<i32>} : memref<512xf32, #tpu.memory_space<vmem>>, vector<16xf32>,
    %get3A_639 = vector.shape_cast %get3A_638 : vector<16xf32> to vector<16xf32>
    %abs3A_640 = math.absf %get3A_639 : vector<16xf32>
    %neg3A_641 = arith.constant 0.000000e+00 : f32
    %neg3A_642 = vector.broadcast %neg3A_641 : f32 to vector<16xf32>
    %neg3A_643 = arith.subf %neg3A_642, %abs3A_640 : vector<16xf32>
    %exp3A_644 = math.exp %neg3A_643 : vector<16xf32>
    %mul3A_645 = arith.constant -0.0236892365 : f32
    %mul3A_646 = vector.broadcast %mul3A_645 : f32 to vector<16xf32>
    %mul3A_647 = arith.mulf %mul3A_646, %exp3A_644 : vector<16xf32>
    %add3A_648 = arith.constant 0.100287139 : f32
    %add3A_649 = vector.broadcast %add3A_648 : f32 to vector<16xf32>
    %add3A_650 = arith.addf %mul3A_647, %add3A_649 : vector<16xf32>
    %mul3A_651 = arith.mulf %add3A_650, %exp3A_644 : vector<16xf32>
    %add3A_652 = arith.constant -0.208669573 : f32
    %add3A_653 = vector.broadcast %add3A_652 : f32 to vector<16xf32>
    %add3A_654 = arith.addf %mul3A_651, %add3A_653 : vector<16xf32>
    %mul3A_655 = arith.mulf %add3A_654, %exp3A_644 : vector<16xf32>
    %add3A_656 = arith.constant 0.32441175 : f32
    %add3A_657 = vector.broadcast %add3A_656 : f32 to vector<16xf32>
    %add3A_658 = arith.addf %mul3A_655, %add3A_657 : vector<16xf32>
    %mul3A_659 = arith.mulf %add3A_658, %exp3A_644 : vector<16xf32>
    %add3A_660 = arith.constant -0.499187827 : f32
    %add3A_661 = vector.broadcast %add3A_660 : f32 to vector<16xf32>
    %add3A_662 = arith.addf %mul3A_659, %add3A_661 : vector<16xf32>
    %mul3A_663 = arith.mulf %add3A_662, %exp3A_644 : vector<16xf32>
    %add3A_664 = arith.constant 0.99998188 : f32
    %add3A_665 = vector.broadcast %add3A_664 : f32 to vector<16xf32>
    %add3A_666 = arith.addf %mul3A_663, %add3A_665 : vector<16xf32>
    %max3A_667 = arith.constant 0.000000e+00 : f32
    %max3A_668 = vector.broadcast %max3A_667 : f32 to vector<16xf32>
    %max3A_669 = arith.maximumf %get3A_639, %max3A_668 : vector<16xf32>
    %mul3A_670 = arith.mulf %exp3A_644, %add3A_666 : vector<16xf32>
    %add3A_671 = arith.addf %max3A_669, %mul3A_670 : vector<16xf32>
    %mul3A_672 = arith.mulf %add3A_636, %add3A_671 : vector<16xf32>
    %mul3A_673 = arith.mulf %get3A_601, %mul3A_672 : vector<16xf32>
    %swap3A_674 = arith.constant 48 : index
    %swap3A_675 = tpu.vector_load %arg13[%swap3A_674] {strides = array<i32>} : memref<512xf32, #tpu.memory_space<vmem>>, vector<16xf32>,
    %swap3A_676 = vector.shape_cast %swap3A_675 : vector<16xf32> to vector<16xf32>
    %swap3A_677 = vector.shape_cast %mul3A_673 : vector<16xf32> to vector<16xf32>
    tpu.vector_store %arg13[%swap3A_674], %swap3A_677 {strides = array<i32>} : memref<512xf32, #tpu.memory_space<vmem>>, vector<16xf32>,
    %get3A_678 = arith.constant 64 : index
    %get3A_679 = tpu.vector_load %arg10[%get3A_678] {strides = array<i32>} : memref<512xf32, #tpu.memory_space<vmem>>, vector<16xf32>,
    %get3A_680 = vector.shape_cast %get3A_679 : vector<16xf32> to vector<16xf32>
    %get3A_681 = arith.constant 64 : index
    %get3A_682 = tpu.vector_load %arg11[%get3A_681] {strides = array<i32>} : memref<512xf32, #tpu.memory_space<vmem>>, vector<16xf32>,
    %get3A_683 = vector.shape_cast %get3A_682 : vector<16xf32> to vector<16xf32>
    %abs3A_684 = math.absf %get3A_683 : vector<16xf32>
    %neg3A_685 = arith.constant 0.000000e+00 : f32
    %neg3A_686 = vector.broadcast %neg3A_685 : f32 to vector<16xf32>
    %neg3A_687 = arith.subf %neg3A_686, %abs3A_684 : vector<16xf32>
    %exp3A_688 = math.exp %neg3A_687 : vector<16xf32>
    %mul3A_689 = arith.constant -0.0236892365 : f32
    %mul3A_690 = vector.broadcast %mul3A_689 : f32 to vector<16xf32>
    %mul3A_691 = arith.mulf %mul3A_690, %exp3A_688 : vector<16xf32>
    %add3A_692 = arith.constant 0.100287139 : f32
    %add3A_693 = vector.broadcast %add3A_692 : f32 to vector<16xf32>
    %add3A_694 = arith.addf %mul3A_691, %add3A_693 : vector<16xf32>
    %mul3A_695 = arith.mulf %add3A_694, %exp3A_688 : vector<16xf32>
    %add3A_696 = arith.constant -0.208669573 : f32
    %add3A_697 = vector.broadcast %add3A_696 : f32 to vector<16xf32>
    %add3A_698 = arith.addf %mul3A_695, %add3A_697 : vector<16xf32>
    %mul3A_699 = arith.mulf %add3A_698, %exp3A_688 : vector<16xf32>
    %add3A_700 = arith.constant 0.32441175 : f32
    %add3A_701 = vector.broadcast %add3A_700 : f32 to vector<16xf32>
    %add3A_702 = arith.addf %mul3A_699, %add3A_701 : vector<16xf32>
    %mul3A_703 = arith.mulf %add3A_702, %exp3A_688 : vector<16xf32>
    %add3A_704 = arith.constant -0.499187827 : f32
    %add3A_705 = vector.broadcast %add3A_704 : f32 to vector<16xf32>
    %add3A_706 = arith.addf %mul3A_703, %add3A_705 : vector<16xf32>
    %mul3A_707 = arith.mulf %add3A_706, %exp3A_688 : vector<16xf32>
    %add3A_708 = arith.constant 0.99998188 : f32
    %add3A_709 = vector.broadcast %add3A_708 : f32 to vector<16xf32>
    %add3A_710 = arith.addf %mul3A_707, %add3A_709 : vector<16xf32>
    %max3A_711 = arith.constant 0.000000e+00 : f32
    %max3A_712 = vector.broadcast %max3A_711 : f32 to vector<16xf32>
    %max3A_713 = arith.maximumf %get3A_683, %max3A_712 : vector<16xf32>
    %mul3A_714 = arith.mulf %exp3A_688, %add3A_710 : vector<16xf32>
    %add3A_715 = arith.addf %max3A_713, %mul3A_714 : vector<16xf32>
    %get3A_716 = arith.constant 64 : index
    %get3A_717 = tpu.vector_load %arg12[%get3A_716] {strides = array<i32>} : memref<512xf32, #tpu.memory_space<vmem>>, vector<16xf32>,
    %get3A_718 = vector.shape_cast %get3A_717 : vector<16xf32> to vector<16xf32>
    %abs3A_719 = math.absf %get3A_718 : vector<16xf32>
    %neg3A_720 = arith.constant 0.000000e+00 : f32
    %neg3A_721 = vector.broadcast %neg3A_720 : f32 to vector<16xf32>
    %neg3A_722 = arith.subf %neg3A_721, %abs3A_719 : vector<16xf32>
    %exp3A_723 = math.exp %neg3A_722 : vector<16xf32>
    %mul3A_724 = arith.constant -0.0236892365 : f32
    %mul3A_725 = vector.broadcast %mul3A_724 : f32 to vector<16xf32>
    %mul3A_726 = arith.mulf %mul3A_725, %exp3A_723 : vector<16xf32>
    %add3A_727 = arith.constant 0.100287139 : f32
    %add3A_728 = vector.broadcast %add3A_727 : f32 to vector<16xf32>
    %add3A_729 = arith.addf %mul3A_726, %add3A_728 : vector<16xf32>
    %mul3A_730 = arith.mulf %add3A_729, %exp3A_723 : vector<16xf32>
    %add3A_731 = arith.constant -0.208669573 : f32
    %add3A_732 = vector.broadcast %add3A_731 : f32 to vector<16xf32>
    %add3A_733 = arith.addf %mul3A_730, %add3A_732 : vector<16xf32>
    %mul3A_734 = arith.mulf %add3A_733, %exp3A_723 : vector<16xf32>
    %add3A_735 = arith.constant 0.32441175 : f32
    %add3A_736 = vector.broadcast %add3A_735 : f32 to vector<16xf32>
    %add3A_737 = arith.addf %mul3A_734, %add3A_736 : vector<16xf32>
    %mul3A_738 = arith.mulf %add3A_737, %exp3A_723 : vector<16xf32>
    %add3A_739 = arith.constant -0.499187827 : f32
    %add3A_740 = vector.broadcast %add3A_739 : f32 to vector<16xf32>
    %add3A_741 = arith.addf %mul3A_738, %add3A_740 : vector<16xf32>
    %mul3A_742 = arith.mulf %add3A_741, %exp3A_723 : vector<16xf32>
    %add3A_743 = arith.constant 0.99998188 : f32
    %add3A_744 = vector.broadcast %add3A_743 : f32 to vector<16xf32>
    %add3A_745 = arith.addf %mul3A_742, %add3A_744 : vector<16xf32>
    %max3A_746 = arith.constant 0.000000e+00 : f32
    %max3A_747 = vector.broadcast %max3A_746 : f32 to vector<16xf32>
    %max3A_748 = arith.maximumf %get3A_718, %max3A_747 : vector<16xf32>
    %mul3A_749 = arith.mulf %exp3A_723, %add3A_745 : vector<16xf32>
    %add3A_750 = arith.addf %max3A_748, %mul3A_749 : vector<16xf32>
    %mul3A_751 = arith.mulf %add3A_715, %add3A_750 : vector<16xf32>
    %mul3A_752 = arith.mulf %get3A_680, %mul3A_751 : vector<16xf32>
    %swap3A_753 = arith.constant 64 : index
    %swap3A_754 = tpu.vector_load %arg13[%swap3A_753] {strides = array<i32>} : memref<512xf32, #tpu.memory_space<vmem>>, vector<16xf32>,
    %swap3A_755 = vector.shape_cast %swap3A_754 : vector<16xf32> to vector<16xf32>
    %swap3A_756 = vector.shape_cast %mul3A_752 : vector<16xf32> to vector<16xf32>
    tpu.vector_store %arg13[%swap3A_753], %swap3A_756 {strides = array<i32>} : memref<512xf32, #tpu.memory_space<vmem>>, vector<16xf32>,
    %get3A_757 = arith.constant 80 : index
    %get3A_758 = tpu.vector_load %arg10[%get3A_757] {strides = array<i32>} : memref<512xf32, #tpu.memory_space<vmem>>, vector<16xf32>,
    %get3A_759 = vector.shape_cast %get3A_758 : vector<16xf32> to vector<16xf32>
    %get3A_760 = arith.constant 80 : index
    %get3A_761 = tpu.vector_load %arg11[%get3A_760] {strides = array<i32>} : memref<512xf32, #tpu.memory_space<vmem>>, vector<16xf32>,
    %get3A_762 = vector.shape_cast %get3A_761 : vector<16xf32> to vector<16xf32>
    %abs3A_763 = math.absf %get3A_762 : vector<16xf32>
    %neg3A_764 = arith.constant 0.000000e+00 : f32
    %neg3A_765 = vector.broadcast %neg3A_764 : f32 to vector<16xf32>
    %neg3A_766 = arith.subf %neg3A_765, %abs3A_763 : vector<16xf32>
    %exp3A_767 = math.exp %neg3A_766 : vector<16xf32>
    %mul3A_768 = arith.constant -0.0236892365 : f32
    %mul3A_769 = vector.broadcast %mul3A_768 : f32 to vector<16xf32>
    %mul3A_770 = arith.mulf %mul3A_769, %exp3A_767 : vector<16xf32>
    %add3A_771 = arith.constant 0.100287139 : f32
    %add3A_772 = vector.broadcast %add3A_771 : f32 to vector<16xf32>
    %add3A_773 = arith.addf %mul3A_770, %add3A_772 : vector<16xf32>
    %mul3A_774 = arith.mulf %add3A_773, %exp3A_767 : vector<16xf32>
    %add3A_775 = arith.constant -0.208669573 : f32
    %add3A_776 = vector.broadcast %add3A_775 : f32 to vector<16xf32>
    %add3A_777 = arith.addf %mul3A_774, %add3A_776 : vector<16xf32>
    %mul3A_778 = arith.mulf %add3A_777, %exp3A_767 : vector<16xf32>
    %add3A_779 = arith.constant 0.32441175 : f32
    %add3A_780 = vector.broadcast %add3A_779 : f32 to vector<16xf32>
    %add3A_781 = arith.addf %mul3A_778, %add3A_780 : vector<16xf32>
    %mul3A_782 = arith.mulf %add3A_781, %exp3A_767 : vector<16xf32>
    %add3A_783 = arith.constant -0.499187827 : f32
    %add3A_784 = vector.broadcast %add3A_783 : f32 to vector<16xf32>
    %add3A_785 = arith.addf %mul3A_782, %add3A_784 : vector<16xf32>
    %mul3A_786 = arith.mulf %add3A_785, %exp3A_767 : vector<16xf32>
    %add3A_787 = arith.constant 0.99998188 : f32
    %add3A_788 = vector.broadcast %add3A_787 : f32 to vector<16xf32>
    %add3A_789 = arith.addf %mul3A_786, %add3A_788 : vector<16xf32>
    %max3A_790 = arith.constant 0.000000e+00 : f32
    %max3A_791 = vector.broadcast %max3A_790 : f32 to vector<16xf32>
    %max3A_792 = arith.maximumf %get3A_762, %max3A_791 : vector<16xf32>
    %mul3A_793 = arith.mulf %exp3A_767, %add3A_789 : vector<16xf32>
    %add3A_794 = arith.addf %max3A_792, %mul3A_793 : vector<16xf32>
    %get3A_795 = arith.constant 80 : index
    %get3A_796 = tpu.vector_load %arg12[%get3A_795] {strides = array<i32>} : memref<512xf32, #tpu.memory_space<vmem>>, vector<16xf32>,
    %get3A_797 = vector.shape_cast %get3A_796 : vector<16xf32> to vector<16xf32>
    %abs3A_798 = math.absf %get3A_797 : vector<16xf32>
    %neg3A_799 = arith.constant 0.000000e+00 : f32
    %neg3A_800 = vector.broadcast %neg3A_799 : f32 to vector<16xf32>
    %neg3A_801 = arith.subf %neg3A_800, %abs3A_798 : vector<16xf32>
    %exp3A_802 = math.exp %neg3A_801 : vector<16xf32>
    %mul3A_803 = arith.constant -0.0236892365 : f32
    %mul3A_804 = vector.broadcast %mul3A_803 : f32 to vector<16xf32>
    %mul3A_805 = arith.mulf %mul3A_804, %exp3A_802 : vector<16xf32>
    %add3A_806 = arith.constant 0.100287139 : f32
    %add3A_807 = vector.broadcast %add3A_806 : f32 to vector<16xf32>
    %add3A_808 = arith.addf %mul3A_805, %add3A_807 : vector<16xf32>
    %mul3A_809 = arith.mulf %add3A_808, %exp3A_802 : vector<16xf32>
    %add3A_810 = arith.constant -0.208669573 : f32
    %add3A_811 = vector.broadcast %add3A_810 : f32 to vector<16xf32>
    %add3A_812 = arith.addf %mul3A_809, %add3A_811 : vector<16xf32>
    %mul3A_813 = arith.mulf %add3A_812, %exp3A_802 : vector<16xf32>
    %add3A_814 = arith.constant 0.32441175 : f32
    %add3A_815 = vector.broadcast %add3A_814 : f32 to vector<16xf32>
    %add3A_816 = arith.addf %mul3A_813, %add3A_815 : vector<16xf32>
    %mul3A_817 = arith.mulf %add3A_816, %exp3A_802 : vector<16xf32>
    %add3A_818 = arith.constant -0.499187827 : f32
    %add3A_819 = vector.broadcast %add3A_818 : f32 to vector<16xf32>
    %add3A_820 = arith.addf %mul3A_817, %add3A_819 : vector<16xf32>
    %mul3A_821 = arith.mulf %add3A_820, %exp3A_802 : vector<16xf32>
    %add3A_822 = arith.constant 0.99998188 : f32
    %add3A_823 = vector.broadcast %add3A_822 : f32 to vector<16xf32>
    %add3A_824 = arith.addf %mul3A_821, %add3A_823 : vector<16xf32>
    %max3A_825 = arith.constant 0.000000e+00 : f32
    %max3A_826 = vector.broadcast %max3A_825 : f32 to vector<16xf32>
    %max3A_827 = arith.maximumf %get3A_797, %max3A_826 : vector<16xf32>
    %mul3A_828 = arith.mulf %exp3A_802, %add3A_824 : vector<16xf32>
    %add3A_829 = arith.addf %max3A_827, %mul3A_828 : vector<16xf32>
    %mul3A_830 = arith.mulf %add3A_794, %add3A_829 : vector<16xf32>
    %mul3A_831 = arith.mulf %get3A_759, %mul3A_830 : vector<16xf32>
    %swap3A_832 = arith.constant 80 : index
    %swap3A_833 = tpu.vector_load %arg13[%swap3A_832] {strides = array<i32>} : memref<512xf32, #tpu.memory_space<vmem>>, vector<16xf32>,
    %swap3A_834 = vector.shape_cast %swap3A_833 : vector<16xf32> to vector<16xf32>
    %swap3A_835 = vector.shape_cast %mul3A_831 : vector<16xf32> to vector<16xf32>
    tpu.vector_store %arg13[%swap3A_832], %swap3A_835 {strides = array<i32>} : memref<512xf32, #tpu.memory_space<vmem>>, vector<16xf32>,
    %get3A_836 = arith.constant 96 : index
    %get3A_837 = tpu.vector_load %arg10[%get3A_836] {strides = array<i32>} : memref<512xf32, #tpu.memory_space<vmem>>, vector<16xf32>,
    %get3A_838 = vector.shape_cast %get3A_837 : vector<16xf32> to vector<16xf32>
    %get3A_839 = arith.constant 96 : index
    %get3A_840 = tpu.vector_load %arg11[%get3A_839] {strides = array<i32>} : memref<512xf32, #tpu.memory_space<vmem>>, vector<16xf32>,
    %get3A_841 = vector.shape_cast %get3A_840 : vector<16xf32> to vector<16xf32>
    %abs3A_842 = math.absf %get3A_841 : vector<16xf32>
    %neg3A_843 = arith.constant 0.000000e+00 : f32
    %neg3A_844 = vector.broadcast %neg3A_843 : f32 to vector<16xf32>
    %neg3A_845 = arith.subf %neg3A_844, %abs3A_842 : vector<16xf32>
    %exp3A_846 = math.exp %neg3A_845 : vector<16xf32>
    %mul3A_847 = arith.constant -0.0236892365 : f32
    %mul3A_848 = vector.broadcast %mul3A_847 : f32 to vector<16xf32>
    %mul3A_849 = arith.mulf %mul3A_848, %exp3A_846 : vector<16xf32>
    %add3A_850 = arith.constant 0.100287139 : f32
    %add3A_851 = vector.broadcast %add3A_850 : f32 to vector<16xf32>
    %add3A_852 = arith.addf %mul3A_849, %add3A_851 : vector<16xf32>
    %mul3A_853 = arith.mulf %add3A_852, %exp3A_846 : vector<16xf32>
    %add3A_854 = arith.constant -0.208669573 : f32
    %add3A_855 = vector.broadcast %add3A_854 : f32 to vector<16xf32>
    %add3A_856 = arith.addf %mul3A_853, %add3A_855 : vector<16xf32>
    %mul3A_857 = arith.mulf %add3A_856, %exp3A_846 : vector<16xf32>
    %add3A_858 = arith.constant 0.32441175 : f32
    %add3A_859 = vector.broadcast %add3A_858 : f32 to vector<16xf32>
    %add3A_860 = arith.addf %mul3A_857, %add3A_859 : vector<16xf32>
    %mul3A_861 = arith.mulf %add3A_860, %exp3A_846 : vector<16xf32>
    %add3A_862 = arith.constant -0.499187827 : f32
    %add3A_863 = vector.broadcast %add3A_862 : f32 to vector<16xf32>
    %add3A_864 = arith.addf %mul3A_861, %add3A_863 : vector<16xf32>
    %mul3A_865 = arith.mulf %add3A_864, %exp3A_846 : vector<16xf32>
    %add3A_866 = arith.constant 0.99998188 : f32
    %add3A_867 = vector.broadcast %add3A_866 : f32 to vector<16xf32>
    %add3A_868 = arith.addf %mul3A_865, %add3A_867 : vector<16xf32>
    %max3A_869 = arith.constant 0.000000e+00 : f32
    %max3A_870 = vector.broadcast %max3A_869 : f32 to vector<16xf32>
    %max3A_871 = arith.maximumf %get3A_841, %max3A_870 : vector<16xf32>
    %mul3A_872 = arith.mulf %exp3A_846, %add3A_868 : vector<16xf32>
    %add3A_873 = arith.addf %max3A_871, %mul3A_872 : vector<16xf32>
    %get3A_874 = arith.constant 96 : index
    %get3A_875 = tpu.vector_load %arg12[%get3A_874] {strides = array<i32>} : memref<512xf32, #tpu.memory_space<vmem>>, vector<16xf32>,
    %get3A_876 = vector.shape_cast %get3A_875 : vector<16xf32> to vector<16xf32>
    %abs3A_877 = math.absf %get3A_876 : vector<16xf32>
    %neg3A_878 = arith.constant 0.000000e+00 : f32
    %neg3A_879 = vector.broadcast %neg3A_878 : f32 to vector<16xf32>
    %neg3A_880 = arith.subf %neg3A_879, %abs3A_877 : vector<16xf32>
    %exp3A_881 = math.exp %neg3A_880 : vector<16xf32>
    %mul3A_882 = arith.constant -0.0236892365 : f32
    %mul3A_883 = vector.broadcast %mul3A_882 : f32 to vector<16xf32>
    %mul3A_884 = arith.mulf %mul3A_883, %exp3A_881 : vector<16xf32>
    %add3A_885 = arith.constant 0.100287139 : f32
    %add3A_886 = vector.broadcast %add3A_885 : f32 to vector<16xf32>
    %add3A_887 = arith.addf %mul3A_884, %add3A_886 : vector<16xf32>
    %mul3A_888 = arith.mulf %add3A_887, %exp3A_881 : vector<16xf32>
    %add3A_889 = arith.constant -0.208669573 : f32
    %add3A_890 = vector.broadcast %add3A_889 : f32 to vector<16xf32>
    %add3A_891 = arith.addf %mul3A_888, %add3A_890 : vector<16xf32>
    %mul3A_892 = arith.mulf %add3A_891, %exp3A_881 : vector<16xf32>
    %add3A_893 = arith.constant 0.32441175 : f32
    %add3A_894 = vector.broadcast %add3A_893 : f32 to vector<16xf32>
    %add3A_895 = arith.addf %mul3A_892, %add3A_894 : vector<16xf32>
    %mul3A_896 = arith.mulf %add3A_895, %exp3A_881 : vector<16xf32>
    %add3A_897 = arith.constant -0.499187827 : f32
    %add3A_898 = vector.broadcast %add3A_897 : f32 to vector<16xf32>
    %add3A_899 = arith.addf %mul3A_896, %add3A_898 : vector<16xf32>
    %mul3A_900 = arith.mulf %add3A_899, %exp3A_881 : vector<16xf32>
    %add3A_901 = arith.constant 0.99998188 : f32
    %add3A_902 = vector.broadcast %add3A_901 : f32 to vector<16xf32>
    %add3A_903 = arith.addf %mul3A_900, %add3A_902 : vector<16xf32>
    %max3A_904 = arith.constant 0.000000e+00 : f32
    %max3A_905 = vector.broadcast %max3A_904 : f32 to vector<16xf32>
    %max3A_906 = arith.maximumf %get3A_876, %max3A_905 : vector<16xf32>
    %mul3A_907 = arith.mulf %exp3A_881, %add3A_903 : vector<16xf32>
    %add3A_908 = arith.addf %max3A_906, %mul3A_907 : vector<16xf32>
    %mul3A_909 = arith.mulf %add3A_873, %add3A_908 : vector<16xf32>
    %mul3A_910 = arith.mulf %get3A_838, %mul3A_909 : vector<16xf32>
    %swap3A_911 = arith.constant 96 : index
    %swap3A_912 = tpu.vector_load %arg13[%swap3A_911] {strides = array<i32>} : memref<512xf32, #tpu.memory_space<vmem>>, vector<16xf32>,
    %swap3A_913 = vector.shape_cast %swap3A_912 : vector<16xf32> to vector<16xf32>
    %swap3A_914 = vector.shape_cast %mul3A_910 : vector<16xf32> to vector<16xf32>
    tpu.vector_store %arg13[%swap3A_911], %swap3A_914 {strides = array<i32>} : memref<512xf32, #tpu.memory_space<vmem>>, vector<16xf32>,
    %get3A_915 = arith.constant 112 : index
    %get3A_916 = tpu.vector_load %arg10[%get3A_915] {strides = array<i32>} : memref<512xf32, #tpu.memory_space<vmem>>, vector<16xf32>,
    %get3A_917 = vector.shape_cast %get3A_916 : vector<16xf32> to vector<16xf32>
    %get3A_918 = arith.constant 112 : index
    %get3A_919 = tpu.vector_load %arg11[%get3A_918] {strides = array<i32>} : memref<512xf32, #tpu.memory_space<vmem>>, vector<16xf32>,
    %get3A_920 = vector.shape_cast %get3A_919 : vector<16xf32> to vector<16xf32>
    %abs3A_921 = math.absf %get3A_920 : vector<16xf32>
    %neg3A_922 = arith.constant 0.000000e+00 : f32
    %neg3A_923 = vector.broadcast %neg3A_922 : f32 to vector<16xf32>
    %neg3A_924 = arith.subf %neg3A_923, %abs3A_921 : vector<16xf32>
    %exp3A_925 = math.exp %neg3A_924 : vector<16xf32>
    %mul3A_926 = arith.constant -0.0236892365 : f32
    %mul3A_927 = vector.broadcast %mul3A_926 : f32 to vector<16xf32>
    %mul3A_928 = arith.mulf %mul3A_927, %exp3A_925 : vector<16xf32>
    %add3A_929 = arith.constant 0.100287139 : f32
    %add3A_930 = vector.broadcast %add3A_929 : f32 to vector<16xf32>
    %add3A_931 = arith.addf %mul3A_928, %add3A_930 : vector<16xf32>
    %mul3A_932 = arith.mulf %add3A_931, %exp3A_925 : vector<16xf32>
    %add3A_933 = arith.constant -0.208669573 : f32
    %add3A_934 = vector.broadcast %add3A_933 : f32 to vector<16xf32>
    %add3A_935 = arith.addf %mul3A_932, %add3A_934 : vector<16xf32>
    %mul3A_936 = arith.mulf %add3A_935, %exp3A_925 : vector<16xf32>
    %add3A_937 = arith.constant 0.32441175 : f32
    %add3A_938 = vector.broadcast %add3A_937 : f32 to vector<16xf32>
    %add3A_939 = arith.addf %mul3A_936, %add3A_938 : vector<16xf32>
    %mul3A_940 = arith.mulf %add3A_939, %exp3A_925 : vector<16xf32>
    %add3A_941 = arith.constant -0.499187827 : f32
    %add3A_942 = vector.broadcast %add3A_941 : f32 to vector<16xf32>
    %add3A_943 = arith.addf %mul3A_940, %add3A_942 : vector<16xf32>
    %mul3A_944 = arith.mulf %add3A_943, %exp3A_925 : vector<16xf32>
    %add3A_945 = arith.constant 0.99998188 : f32
    %add3A_946 = vector.broadcast %add3A_945 : f32 to vector<16xf32>
    %add3A_947 = arith.addf %mul3A_944, %add3A_946 : vector<16xf32>
    %max3A_948 = arith.constant 0.000000e+00 : f32
    %max3A_949 = vector.broadcast %max3A_948 : f32 to vector<16xf32>
    %max3A_950 = arith.maximumf %get3A_920, %max3A_949 : vector<16xf32>
    %mul3A_951 = arith.mulf %exp3A_925, %add3A_947 : vector<16xf32>
    %add3A_952 = arith.addf %max3A_950, %mul3A_951 : vector<16xf32>
    %get3A_953 = arith.constant 112 : index
    %get3A_954 = tpu.vector_load %arg12[%get3A_953] {strides = array<i32>} : memref<512xf32, #tpu.memory_space<vmem>>, vector<16xf32>,
    %get3A_955 = vector.shape_cast %get3A_954 : vector<16xf32> to vector<16xf32>
    %abs3A_956 = math.absf %get3A_955 : vector<16xf32>
    %neg3A_957 = arith.constant 0.000000e+00 : f32
    %neg3A_958 = vector.broadcast %neg3A_957 : f32 to vector<16xf32>
    %neg3A_959 = arith.subf %neg3A_958, %abs3A_956 : vector<16xf32>
    %exp3A_960 = math.exp %neg3A_959 : vector<16xf32>
    %mul3A_961 = arith.constant -0.0236892365 : f32
    %mul3A_962 = vector.broadcast %mul3A_961 : f32 to vector<16xf32>
    %mul3A_963 = arith.mulf %mul3A_962, %exp3A_960 : vector<16xf32>
    %add3A_964 = arith.constant 0.100287139 : f32
    %add3A_965 = vector.broadcast %add3A_964 : f32 to vector<16xf32>
    %add3A_966 = arith.addf %mul3A_963, %add3A_965 : vector<16xf32>
    %mul3A_967 = arith.mulf %add3A_966, %exp3A_960 : vector<16xf32>
    %add3A_968 = arith.constant -0.208669573 : f32
    %add3A_969 = vector.broadcast %add3A_968 : f32 to vector<16xf32>
    %add3A_970 = arith.addf %mul3A_967, %add3A_969 : vector<16xf32>
    %mul3A_971 = arith.mulf %add3A_970, %exp3A_960 : vector<16xf32>
    %add3A_972 = arith.constant 0.32441175 : f32
    %add3A_973 = vector.broadcast %add3A_972 : f32 to vector<16xf32>
    %add3A_974 = arith.addf %mul3A_971, %add3A_973 : vector<16xf32>
    %mul3A_975 = arith.mulf %add3A_974, %exp3A_960 : vector<16xf32>
    %add3A_976 = arith.constant -0.499187827 : f32
    %add3A_977 = vector.broadcast %add3A_976 : f32 to vector<16xf32>
    %add3A_978 = arith.addf %mul3A_975, %add3A_977 : vector<16xf32>
    %mul3A_979 = arith.mulf %add3A_978, %exp3A_960 : vector<16xf32>
    %add3A_980 = arith.constant 0.99998188 : f32
    %add3A_981 = vector.broadcast %add3A_980 : f32 to vector<16xf32>
    %add3A_982 = arith.addf %mul3A_979, %add3A_981 : vector<16xf32>
    %max3A_983 = arith.constant 0.000000e+00 : f32
    %max3A_984 = vector.broadcast %max3A_983 : f32 to vector<16xf32>
    %max3A_985 = arith.maximumf %get3A_955, %max3A_984 : vector<16xf32>
    %mul3A_986 = arith.mulf %exp3A_960, %add3A_982 : vector<16xf32>
    %add3A_987 = arith.addf %max3A_985, %mul3A_986 : vector<16xf32>
    %mul3A_988 = arith.mulf %add3A_952, %add3A_987 : vector<16xf32>
    %mul3A_989 = arith.mulf %get3A_917, %mul3A_988 : vector<16xf32>
    %swap3A_990 = arith.constant 112 : index
    %swap3A_991 = tpu.vector_load %arg13[%swap3A_990] {strides = array<i32>} : memref<512xf32, #tpu.memory_space<vmem>>, vector<16xf32>,
    %swap3A_992 = vector.shape_cast %swap3A_991 : vector<16xf32> to vector<16xf32>
    %swap3A_993 = vector.shape_cast %mul3A_989 : vector<16xf32> to vector<16xf32>
    tpu.vector_store %arg13[%swap3A_990], %swap3A_993 {strides = array<i32>} : memref<512xf32, #tpu.memory_space<vmem>>, vector<16xf32>,
    %get3A_994 = arith.constant 128 : index
    %get3A_995 = tpu.vector_load %arg10[%get3A_994] {strides = array<i32>} : memref<512xf32, #tpu.memory_space<vmem>>, vector<16xf32>,
    %get3A_996 = vector.shape_cast %get3A_995 : vector<16xf32> to vector<16xf32>
    %get3A_997 = arith.constant 128 : index
    %get3A_998 = tpu.vector_load %arg11[%get3A_997] {strides = array<i32>} : memref<512xf32, #tpu.memory_space<vmem>>, vector<16xf32>,
    %get3A_999 = vector.shape_cast %get3A_998 : vector<16xf32> to vector<16xf32>
    %abs3A_1000 = math.absf %get3A_999 : vector<16xf32>
    %neg3A_1001 = arith.constant 0.000000e+00 : f32
    %neg3A_1002 = vector.broadcast %neg3A_1001 : f32 to vector<16xf32>
    %neg3A_1003 = arith.subf %neg3A_1002, %abs3A_1000 : vector<16xf32>
    %exp3A_1004 = math.exp %neg3A_1003 : vector<16xf32>
    %mul3A_1005 = arith.constant -0.0236892365 : f32
    %mul3A_1006 = vector.broadcast %mul3A_1005 : f32 to vector<16xf32>
    %mul3A_1007 = arith.mulf %mul3A_1006, %exp3A_1004 : vector<16xf32>
    %add3A_1008 = arith.constant 0.100287139 : f32
    %add3A_1009 = vector.broadcast %add3A_1008 : f32 to vector<16xf32>
    %add3A_1010 = arith.addf %mul3A_1007, %add3A_1009 : vector<16xf32>
    %mul3A_1011 = arith.mulf %add3A_1010, %exp3A_1004 : vector<16xf32>
    %add3A_1012 = arith.constant -0.208669573 : f32
    %add3A_1013 = vector.broadcast %add3A_1012 : f32 to vector<16xf32>
    %add3A_1014 = arith.addf %mul3A_1011, %add3A_1013 : vector<16xf32>
    %mul3A_1015 = arith.mulf %add3A_1014, %exp3A_1004 : vector<16xf32>
    %add3A_1016 = arith.constant 0.32441175 : f32
    %add3A_1017 = vector.broadcast %add3A_1016 : f32 to vector<16xf32>
    %add3A_1018 = arith.addf %mul3A_1015, %add3A_1017 : vector<16xf32>
    %mul3A_1019 = arith.mulf %add3A_1018, %exp3A_1004 : vector<16xf32>
    %add3A_1020 = arith.constant -0.499187827 : f32
    %add3A_1021 = vector.broadcast %add3A_1020 : f32 to vector<16xf32>
    %add3A_1022 = arith.addf %mul3A_1019, %add3A_1021 : vector<16xf32>
    %mul3A_1023 = arith.mulf %add3A_1022, %exp3A_1004 : vector<16xf32>
    %add3A_1024 = arith.constant 0.99998188 : f32
    %add3A_1025 = vector.broadcast %add3A_1024 : f32 to vector<16xf32>
    %add3A_1026 = arith.addf %mul3A_1023, %add3A_1025 : vector<16xf32>
    %max3A_1027 = arith.constant 0.000000e+00 : f32
    %max3A_1028 = vector.broadcast %max3A_1027 : f32 to vector<16xf32>
    %max3A_1029 = arith.maximumf %get3A_999, %max3A_1028 : vector<16xf32>
    %mul3A_1030 = arith.mulf %exp3A_1004, %add3A_1026 : vector<16xf32>
    %add3A_1031 = arith.addf %max3A_1029, %mul3A_1030 : vector<16xf32>
    %get3A_1032 = arith.constant 128 : index
    %get3A_1033 = tpu.vector_load %arg12[%get3A_1032] {strides = array<i32>} : memref<512xf32, #tpu.memory_space<vmem>>, vector<16xf32>,
    %get3A_1034 = vector.shape_cast %get3A_1033 : vector<16xf32> to vector<16xf32>
    %abs3A_1035 = math.absf %get3A_1034 : vector<16xf32>
    %neg3A_1036 = arith.constant 0.000000e+00 : f32
    %neg3A_1037 = vector.broadcast %neg3A_1036 : f32 to vector<16xf32>
    %neg3A_1038 = arith.subf %neg3A_1037, %abs3A_1035 : vector<16xf32>
    %exp3A_1039 = math.exp %neg3A_1038 : vector<16xf32>
    %mul3A_1040 = arith.constant -0.0236892365 : f32
    %mul3A_1041 = vector.broadcast %mul3A_1040 : f32 to vector<16xf32>
    %mul3A_1042 = arith.mulf %mul3A_1041, %exp3A_1039 : vector<16xf32>
    %add3A_1043 = arith.constant 0.100287139 : f32
    %add3A_1044 = vector.broadcast %add3A_1043 : f32 to vector<16xf32>
    %add3A_1045 = arith.addf %mul3A_1042, %add3A_1044 : vector<16xf32>
    %mul3A_1046 = arith.mulf %add3A_1045, %exp3A_1039 : vector<16xf32>
    %add3A_1047 = arith.constant -0.208669573 : f32
    %add3A_1048 = vector.broadcast %add3A_1047 : f32 to vector<16xf32>
    %add3A_1049 = arith.addf %mul3A_1046, %add3A_1048 : vector<16xf32>
    %mul3A_1050 = arith.mulf %add3A_1049, %exp3A_1039 : vector<16xf32>
    %add3A_1051 = arith.constant 0.32441175 : f32
    %add3A_1052 = vector.broadcast %add3A_1051 : f32 to vector<16xf32>
    %add3A_1053 = arith.addf %mul3A_1050, %add3A_1052 : vector<16xf32>
    %mul3A_1054 = arith.mulf %add3A_1053, %exp3A_1039 : vector<16xf32>
    %add3A_1055 = arith.constant -0.499187827 : f32
    %add3A_1056 = vector.broadcast %add3A_1055 : f32 to vector<16xf32>
    %add3A_1057 = arith.addf %mul3A_1054, %add3A_1056 : vector<16xf32>
    %mul3A_1058 = arith.mulf %add3A_1057, %exp3A_1039 : vector<16xf32>
    %add3A_1059 = arith.constant 0.99998188 : f32
    %add3A_1060 = vector.broadcast %add3A_1059 : f32 to vector<16xf32>
    %add3A_1061 = arith.addf %mul3A_1058, %add3A_1060 : vector<16xf32>
    %max3A_1062 = arith.constant 0.000000e+00 : f32
    %max3A_1063 = vector.broadcast %max3A_1062 : f32 to vector<16xf32>
    %max3A_1064 = arith.maximumf %get3A_1034, %max3A_1063 : vector<16xf32>
    %mul3A_1065 = arith.mulf %exp3A_1039, %add3A_1061 : vector<16xf32>
    %add3A_1066 = arith.addf %max3A_1064, %mul3A_1065 : vector<16xf32>
    %mul3A_1067 = arith.mulf %add3A_1031, %add3A_1066 : vector<16xf32>
    %mul3A_1068 = arith.mulf %get3A_996, %mul3A_1067 : vector<16xf32>
    %swap3A_1069 = arith.constant 128 : index
    %swap3A_1070 = tpu.vector_load %arg13[%swap3A_1069] {strides = array<i32>} : memref<512xf32, #tpu.memory_space<vmem>>, vector<16xf32>,
    %swap3A_1071 = vector.shape_cast %swap3A_1070 : vector<16xf32> to vector<16xf32>
    %swap3A_1072 = vector.shape_cast %mul3A_1068 : vector<16xf32> to vector<16xf32>
    tpu.vector_store %arg13[%swap3A_1069], %swap3A_1072 {strides = array<i32>} : memref<512xf32, #tpu.memory_space<vmem>>, vector<16xf32>,
    %get3A_1073 = arith.constant 144 : index
    %get3A_1074 = tpu.vector_load %arg10[%get3A_1073] {strides = array<i32>} : memref<512xf32, #tpu.memory_space<vmem>>, vector<16xf32>,
    %get3A_1075 = vector.shape_cast %get3A_1074 : vector<16xf32> to vector<16xf32>
    %get3A_1076 = arith.constant 144 : index
    %get3A_1077 = tpu.vector_load %arg11[%get3A_1076] {strides = array<i32>} : memref<512xf32, #tpu.memory_space<vmem>>, vector<16xf32>,
    %get3A_1078 = vector.shape_cast %get3A_1077 : vector<16xf32> to vector<16xf32>
    %abs3A_1079 = math.absf %get3A_1078 : vector<16xf32>
    %neg3A_1080 = arith.constant 0.000000e+00 : f32
    %neg3A_1081 = vector.broadcast %neg3A_1080 : f32 to vector<16xf32>
    %neg3A_1082 = arith.subf %neg3A_1081, %abs3A_1079 : vector<16xf32>
    %exp3A_1083 = math.exp %neg3A_1082 : vector<16xf32>
    %mul3A_1084 = arith.constant -0.0236892365 : f32
    %mul3A_1085 = vector.broadcast %mul3A_1084 : f32 to vector<16xf32>
    %mul3A_1086 = arith.mulf %mul3A_1085, %exp3A_1083 : vector<16xf32>
    %add3A_1087 = arith.constant 0.100287139 : f32
    %add3A_1088 = vector.broadcast %add3A_1087 : f32 to vector<16xf32>
    %add3A_1089 = arith.addf %mul3A_1086, %add3A_1088 : vector<16xf32>
    %mul3A_1090 = arith.mulf %add3A_1089, %exp3A_1083 : vector<16xf32>
    %add3A_1091 = arith.constant -0.208669573 : f32
    %add3A_1092 = vector.broadcast %add3A_1091 : f32 to vector<16xf32>
    %add3A_1093 = arith.addf %mul3A_1090, %add3A_1092 : vector<16xf32>
    %mul3A_1094 = arith.mulf %add3A_1093, %exp3A_1083 : vector<16xf32>
    %add3A_1095 = arith.constant 0.32441175 : f32
    %add3A_1096 = vector.broadcast %add3A_1095 : f32 to vector<16xf32>
    %add3A_1097 = arith.addf %mul3A_1094, %add3A_1096 : vector<16xf32>
    %mul3A_1098 = arith.mulf %add3A_1097, %exp3A_1083 : vector<16xf32>
    %add3A_1099 = arith.constant -0.499187827 : f32
    %add3A_1100 = vector.broadcast %add3A_1099 : f32 to vector<16xf32>
    %add3A_1101 = arith.addf %mul3A_1098, %add3A_1100 : vector<16xf32>
    %mul3A_1102 = arith.mulf %add3A_1101, %exp3A_1083 : vector<16xf32>
    %add3A_1103 = arith.constant 0.99998188 : f32
    %add3A_1104 = vector.broadcast %add3A_1103 : f32 to vector<16xf32>
    %add3A_1105 = arith.addf %mul3A_1102, %add3A_1104 : vector<16xf32>
    %max3A_1106 = arith.constant 0.000000e+00 : f32
    %max3A_1107 = vector.broadcast %max3A_1106 : f32 to vector<16xf32>
    %max3A_1108 = arith.maximumf %get3A_1078, %max3A_1107 : vector<16xf32>
    %mul3A_1109 = arith.mulf %exp3A_1083, %add3A_1105 : vector<16xf32>
    %add3A_1110 = arith.addf %max3A_1108, %mul3A_1109 : vector<16xf32>
    %get3A_1111 = arith.constant 144 : index
    %get3A_1112 = tpu.vector_load %arg12[%get3A_1111] {strides = array<i32>} : memref<512xf32, #tpu.memory_space<vmem>>, vector<16xf32>,
    %get3A_1113 = vector.shape_cast %get3A_1112 : vector<16xf32> to vector<16xf32>
    %abs3A_1114 = math.absf %get3A_1113 : vector<16xf32>
    %neg3A_1115 = arith.constant 0.000000e+00 : f32
    %neg3A_1116 = vector.broadcast %neg3A_1115 : f32 to vector<16xf32>
    %neg3A_1117 = arith.subf %neg3A_1116, %abs3A_1114 : vector<16xf32>
    %exp3A_1118 = math.exp %neg3A_1117 : vector<16xf32>
    %mul3A_1119 = arith.constant -0.0236892365 : f32
    %mul3A_1120 = vector.broadcast %mul3A_1119 : f32 to vector<16xf32>
    %mul3A_1121 = arith.mulf %mul3A_1120, %exp3A_1118 : vector<16xf32>
    %add3A_1122 = arith.constant 0.100287139 : f32
    %add3A_1123 = vector.broadcast %add3A_1122 : f32 to vector<16xf32>
    %add3A_1124 = arith.addf %mul3A_1121, %add3A_1123 : vector<16xf32>
    %mul3A_1125 = arith.mulf %add3A_1124, %exp3A_1118 : vector<16xf32>
    %add3A_1126 = arith.constant -0.208669573 : f32
    %add3A_1127 = vector.broadcast %add3A_1126 : f32 to vector<16xf32>
    %add3A_1128 = arith.addf %mul3A_1125, %add3A_1127 : vector<16xf32>
    %mul3A_1129 = arith.mulf %add3A_1128, %exp3A_1118 : vector<16xf32>
    %add3A_1130 = arith.constant 0.32441175 : f32
    %add3A_1131 = vector.broadcast %add3A_1130 : f32 to vector<16xf32>
    %add3A_1132 = arith.addf %mul3A_1129, %add3A_1131 : vector<16xf32>
    %mul3A_1133 = arith.mulf %add3A_1132, %exp3A_1118 : vector<16xf32>
    %add3A_1134 = arith.constant -0.499187827 : f32
    %add3A_1135 = vector.broadcast %add3A_1134 : f32 to vector<16xf32>
    %add3A_1136 = arith.addf %mul3A_1133, %add3A_1135 : vector<16xf32>
    %mul3A_1137 = arith.mulf %add3A_1136, %exp3A_1118 : vector<16xf32>
    %add3A_1138 = arith.constant 0.99998188 : f32
    %add3A_1139 = vector.broadcast %add3A_1138 : f32 to vector<16xf32>
    %add3A_1140 = arith.addf %mul3A_1137, %add3A_1139 : vector<16xf32>
    %max3A_1141 = arith.constant 0.000000e+00 : f32
    %max3A_1142 = vector.broadcast %max3A_1141 : f32 to vector<16xf32>
    %max3A_1143 = arith.maximumf %get3A_1113, %max3A_1142 : vector<16xf32>
    %mul3A_1144 = arith.mulf %exp3A_1118, %add3A_1140 : vector<16xf32>
    %add3A_1145 = arith.addf %max3A_1143, %mul3A_1144 : vector<16xf32>
    %mul3A_1146 = arith.mulf %add3A_1110, %add3A_1145 : vector<16xf32>
    %mul3A_1147 = arith.mulf %get3A_1075, %mul3A_1146 : vector<16xf32>
    %swap3A_1148 = arith.constant 144 : index
    %swap3A_1149 = tpu.vector_load %arg13[%swap3A_1148] {strides = array<i32>} : memref<512xf32, #tpu.memory_space<vmem>>, vector<16xf32>,
    %swap3A_1150 = vector.shape_cast %swap3A_1149 : vector<16xf32> to vector<16xf32>
    %swap3A_1151 = vector.shape_cast %mul3A_1147 : vector<16xf32> to vector<16xf32>
    tpu.vector_store %arg13[%swap3A_1148], %swap3A_1151 {strides = array<i32>} : memref<512xf32, #tpu.memory_space<vmem>>, vector<16xf32>,
    %get3A_1152 = arith.constant 160 : index
    %get3A_1153 = tpu.vector_load %arg10[%get3A_1152] {strides = array<i32>} : memref<512xf32, #tpu.memory_space<vmem>>, vector<16xf32>,
    %get3A_1154 = vector.shape_cast %get3A_1153 : vector<16xf32> to vector<16xf32>
    %get3A_1155 = arith.constant 160 : index
    %get3A_1156 = tpu.vector_load %arg11[%get3A_1155] {strides = array<i32>} : memref<512xf32, #tpu.memory_space<vmem>>, vector<16xf32>,
    %get3A_1157 = vector.shape_cast %get3A_1156 : vector<16xf32> to vector<16xf32>
    %abs3A_1158 = math.absf %get3A_1157 : vector<16xf32>
    %neg3A_1159 = arith.constant 0.000000e+00 : f32
    %neg3A_1160 = vector.broadcast %neg3A_1159 : f32 to vector<16xf32>
    %neg3A_1161 = arith.subf %neg3A_1160, %abs3A_1158 : vector<16xf32>
    %exp3A_1162 = math.exp %neg3A_1161 : vector<16xf32>
    %mul3A_1163 = arith.constant -0.0236892365 : f32
    %mul3A_1164 = vector.broadcast %mul3A_1163 : f32 to vector<16xf32>
    %mul3A_1165 = arith.mulf %mul3A_1164, %exp3A_1162 : vector<16xf32>
    %add3A_1166 = arith.constant 0.100287139 : f32
    %add3A_1167 = vector.broadcast %add3A_1166 : f32 to vector<16xf32>
    %add3A_1168 = arith.addf %mul3A_1165, %add3A_1167 : vector<16xf32>
    %mul3A_1169 = arith.mulf %add3A_1168, %exp3A_1162 : vector<16xf32>
    %add3A_1170 = arith.constant -0.208669573 : f32
    %add3A_1171 = vector.broadcast %add3A_1170 : f32 to vector<16xf32>
    %add3A_1172 = arith.addf %mul3A_1169, %add3A_1171 : vector<16xf32>
    %mul3A_1173 = arith.mulf %add3A_1172, %exp3A_1162 : vector<16xf32>
    %add3A_1174 = arith.constant 0.32441175 : f32
    %add3A_1175 = vector.broadcast %add3A_1174 : f32 to vector<16xf32>
    %add3A_1176 = arith.addf %mul3A_1173, %add3A_1175 : vector<16xf32>
    %mul3A_1177 = arith.mulf %add3A_1176, %exp3A_1162 : vector<16xf32>
    %add3A_1178 = arith.constant -0.499187827 : f32
    %add3A_1179 = vector.broadcast %add3A_1178 : f32 to vector<16xf32>
    %add3A_1180 = arith.addf %mul3A_1177, %add3A_1179 : vector<16xf32>
    %mul3A_1181 = arith.mulf %add3A_1180, %exp3A_1162 : vector<16xf32>
    %add3A_1182 = arith.constant 0.99998188 : f32
    %add3A_1183 = vector.broadcast %add3A_1182 : f32 to vector<16xf32>
    %add3A_1184 = arith.addf %mul3A_1181, %add3A_1183 : vector<16xf32>
    %max3A_1185 = arith.constant 0.000000e+00 : f32
    %max3A_1186 = vector.broadcast %max3A_1185 : f32 to vector<16xf32>
    %max3A_1187 = arith.maximumf %get3A_1157, %max3A_1186 : vector<16xf32>
    %mul3A_1188 = arith.mulf %exp3A_1162, %add3A_1184 : vector<16xf32>
    %add3A_1189 = arith.addf %max3A_1187, %mul3A_1188 : vector<16xf32>
    %get3A_1190 = arith.constant 160 : index
    %get3A_1191 = tpu.vector_load %arg12[%get3A_1190] {strides = array<i32>} : memref<512xf32, #tpu.memory_space<vmem>>, vector<16xf32>,
    %get3A_1192 = vector.shape_cast %get3A_1191 : vector<16xf32> to vector<16xf32>
    %abs3A_1193 = math.absf %get3A_1192 : vector<16xf32>
    %neg3A_1194 = arith.constant 0.000000e+00 : f32
    %neg3A_1195 = vector.broadcast %neg3A_1194 : f32 to vector<16xf32>
    %neg3A_1196 = arith.subf %neg3A_1195, %abs3A_1193 : vector<16xf32>
    %exp3A_1197 = math.exp %neg3A_1196 : vector<16xf32>
    %mul3A_1198 = arith.constant -0.0236892365 : f32
    %mul3A_1199 = vector.broadcast %mul3A_1198 : f32 to vector<16xf32>
    %mul3A_1200 = arith.mulf %mul3A_1199, %exp3A_1197 : vector<16xf32>
    %add3A_1201 = arith.constant 0.100287139 : f32
    %add3A_1202 = vector.broadcast %add3A_1201 : f32 to vector<16xf32>
    %add3A_1203 = arith.addf %mul3A_1200, %add3A_1202 : vector<16xf32>
    %mul3A_1204 = arith.mulf %add3A_1203, %exp3A_1197 : vector<16xf32>
    %add3A_1205 = arith.constant -0.208669573 : f32
    %add3A_1206 = vector.broadcast %add3A_1205 : f32 to vector<16xf32>
    %add3A_1207 = arith.addf %mul3A_1204, %add3A_1206 : vector<16xf32>
    %mul3A_1208 = arith.mulf %add3A_1207, %exp3A_1197 : vector<16xf32>
    %add3A_1209 = arith.constant 0.32441175 : f32
    %add3A_1210 = vector.broadcast %add3A_1209 : f32 to vector<16xf32>
    %add3A_1211 = arith.addf %mul3A_1208, %add3A_1210 : vector<16xf32>
    %mul3A_1212 = arith.mulf %add3A_1211, %exp3A_1197 : vector<16xf32>
    %add3A_1213 = arith.constant -0.499187827 : f32
    %add3A_1214 = vector.broadcast %add3A_1213 : f32 to vector<16xf32>
    %add3A_1215 = arith.addf %mul3A_1212, %add3A_1214 : vector<16xf32>
    %mul3A_1216 = arith.mulf %add3A_1215, %exp3A_1197 : vector<16xf32>
    %add3A_1217 = arith.constant 0.99998188 : f32
    %add3A_1218 = vector.broadcast %add3A_1217 : f32 to vector<16xf32>
    %add3A_1219 = arith.addf %mul3A_1216, %add3A_1218 : vector<16xf32>
    %max3A_1220 = arith.constant 0.000000e+00 : f32
    %max3A_1221 = vector.broadcast %max3A_1220 : f32 to vector<16xf32>
    %max3A_1222 = arith.maximumf %get3A_1192, %max3A_1221 : vector<16xf32>
    %mul3A_1223 = arith.mulf %exp3A_1197, %add3A_1219 : vector<16xf32>
    %add3A_1224 = arith.addf %max3A_1222, %mul3A_1223 : vector<16xf32>
    %mul3A_1225 = arith.mulf %add3A_1189, %add3A_1224 : vector<16xf32>
    %mul3A_1226 = arith.mulf %get3A_1154, %mul3A_1225 : vector<16xf32>
    %swap3A_1227 = arith.constant 160 : index
    %swap3A_1228 = tpu.vector_load %arg13[%swap3A_1227] {strides = array<i32>} : memref<512xf32, #tpu.memory_space<vmem>>, vector<16xf32>,
    %swap3A_1229 = vector.shape_cast %swap3A_1228 : vector<16xf32> to vector<16xf32>
    %swap3A_1230 = vector.shape_cast %mul3A_1226 : vector<16xf32> to vector<16xf32>
    tpu.vector_store %arg13[%swap3A_1227], %swap3A_1230 {strides = array<i32>} : memref<512xf32, #tpu.memory_space<vmem>>, vector<16xf32>,
    %get3A_1231 = arith.constant 176 : index
    %get3A_1232 = tpu.vector_load %arg10[%get3A_1231] {strides = array<i32>} : memref<512xf32, #tpu.memory_space<vmem>>, vector<16xf32>,
    %get3A_1233 = vector.shape_cast %get3A_1232 : vector<16xf32> to vector<16xf32>
    %get3A_1234 = arith.constant 176 : index
    %get3A_1235 = tpu.vector_load %arg11[%get3A_1234] {strides = array<i32>} : memref<512xf32, #tpu.memory_space<vmem>>, vector<16xf32>,
    %get3A_1236 = vector.shape_cast %get3A_1235 : vector<16xf32> to vector<16xf32>
    %abs3A_1237 = math.absf %get3A_1236 : vector<16xf32>
    %neg3A_1238 = arith.constant 0.000000e+00 : f32
    %neg3A_1239 = vector.broadcast %neg3A_1238 : f32 to vector<16xf32>
    %neg3A_1240 = arith.subf %neg3A_1239, %abs3A_1237 : vector<16xf32>
    %exp3A_1241 = math.exp %neg3A_1240 : vector<16xf32>
    %mul3A_1242 = arith.constant -0.0236892365 : f32
    %mul3A_1243 = vector.broadcast %mul3A_1242 : f32 to vector<16xf32>
    %mul3A_1244 = arith.mulf %mul3A_1243, %exp3A_1241 : vector<16xf32>
    %add3A_1245 = arith.constant 0.100287139 : f32
    %add3A_1246 = vector.broadcast %add3A_1245 : f32 to vector<16xf32>
    %add3A_1247 = arith.addf %mul3A_1244, %add3A_1246 : vector<16xf32>
    %mul3A_1248 = arith.mulf %add3A_1247, %exp3A_1241 : vector<16xf32>
    %add3A_1249 = arith.constant -0.208669573 : f32
    %add3A_1250 = vector.broadcast %add3A_1249 : f32 to vector<16xf32>
    %add3A_1251 = arith.addf %mul3A_1248, %add3A_1250 : vector<16xf32>
    %mul3A_1252 = arith.mulf %add3A_1251, %exp3A_1241 : vector<16xf32>
    %add3A_1253 = arith.constant 0.32441175 : f32
    %add3A_1254 = vector.broadcast %add3A_1253 : f32 to vector<16xf32>
    %add3A_1255 = arith.addf %mul3A_1252, %add3A_1254 : vector<16xf32>
    %mul3A_1256 = arith.mulf %add3A_1255, %exp3A_1241 : vector<16xf32>
    %add3A_1257 = arith.constant -0.499187827 : f32
    %add3A_1258 = vector.broadcast %add3A_1257 : f32 to vector<16xf32>
    %add3A_1259 = arith.addf %mul3A_1256, %add3A_1258 : vector<16xf32>
    %mul3A_1260 = arith.mulf %add3A_1259, %exp3A_1241 : vector<16xf32>
    %add3A_1261 = arith.constant 0.99998188 : f32
    %add3A_1262 = vector.broadcast %add3A_1261 : f32 to vector<16xf32>
    %add3A_1263 = arith.addf %mul3A_1260, %add3A_1262 : vector<16xf32>
    %max3A_1264 = arith.constant 0.000000e+00 : f32
    %max3A_1265 = vector.broadcast %max3A_1264 : f32 to vector<16xf32>
    %max3A_1266 = arith.maximumf %get3A_1236, %max3A_1265 : vector<16xf32>
    %mul3A_1267 = arith.mulf %exp3A_1241, %add3A_1263 : vector<16xf32>
    %add3A_1268 = arith.addf %max3A_1266, %mul3A_1267 : vector<16xf32>
    %get3A_1269 = arith.constant 176 : index
    %get3A_1270 = tpu.vector_load %arg12[%get3A_1269] {strides = array<i32>} : memref<512xf32, #tpu.memory_space<vmem>>, vector<16xf32>,
    %get3A_1271 = vector.shape_cast %get3A_1270 : vector<16xf32> to vector<16xf32>
    %abs3A_1272 = math.absf %get3A_1271 : vector<16xf32>
    %neg3A_1273 = arith.constant 0.000000e+00 : f32
    %neg3A_1274 = vector.broadcast %neg3A_1273 : f32 to vector<16xf32>
    %neg3A_1275 = arith.subf %neg3A_1274, %abs3A_1272 : vector<16xf32>
    %exp3A_1276 = math.exp %neg3A_1275 : vector<16xf32>
    %mul3A_1277 = arith.constant -0.0236892365 : f32
    %mul3A_1278 = vector.broadcast %mul3A_1277 : f32 to vector<16xf32>
    %mul3A_1279 = arith.mulf %mul3A_1278, %exp3A_1276 : vector<16xf32>
    %add3A_1280 = arith.constant 0.100287139 : f32
    %add3A_1281 = vector.broadcast %add3A_1280 : f32 to vector<16xf32>
    %add3A_1282 = arith.addf %mul3A_1279, %add3A_1281 : vector<16xf32>
    %mul3A_1283 = arith.mulf %add3A_1282, %exp3A_1276 : vector<16xf32>
    %add3A_1284 = arith.constant -0.208669573 : f32
    %add3A_1285 = vector.broadcast %add3A_1284 : f32 to vector<16xf32>
    %add3A_1286 = arith.addf %mul3A_1283, %add3A_1285 : vector<16xf32>
    %mul3A_1287 = arith.mulf %add3A_1286, %exp3A_1276 : vector<16xf32>
    %add3A_1288 = arith.constant 0.32441175 : f32
    %add3A_1289 = vector.broadcast %add3A_1288 : f32 to vector<16xf32>
    %add3A_1290 = arith.addf %mul3A_1287, %add3A_1289 : vector<16xf32>
    %mul3A_1291 = arith.mulf %add3A_1290, %exp3A_1276 : vector<16xf32>
    %add3A_1292 = arith.constant -0.499187827 : f32
    %add3A_1293 = vector.broadcast %add3A_1292 : f32 to vector<16xf32>
    %add3A_1294 = arith.addf %mul3A_1291, %add3A_1293 : vector<16xf32>
    %mul3A_1295 = arith.mulf %add3A_1294, %exp3A_1276 : vector<16xf32>
    %add3A_1296 = arith.constant 0.99998188 : f32
    %add3A_1297 = vector.broadcast %add3A_1296 : f32 to vector<16xf32>
    %add3A_1298 = arith.addf %mul3A_1295, %add3A_1297 : vector<16xf32>
    %max3A_1299 = arith.constant 0.000000e+00 : f32
    %max3A_1300 = vector.broadcast %max3A_1299 : f32 to vector<16xf32>
    %max3A_1301 = arith.maximumf %get3A_1271, %max3A_1300 : vector<16xf32>
    %mul3A_1302 = arith.mulf %exp3A_1276, %add3A_1298 : vector<16xf32>
    %add3A_1303 = arith.addf %max3A_1301, %mul3A_1302 : vector<16xf32>
    %mul3A_1304 = arith.mulf %add3A_1268, %add3A_1303 : vector<16xf32>
    %mul3A_1305 = arith.mulf %get3A_1233, %mul3A_1304 : vector<16xf32>
    %swap3A_1306 = arith.constant 176 : index
    %swap3A_1307 = tpu.vector_load %arg13[%swap3A_1306] {strides = array<i32>} : memref<512xf32, #tpu.memory_space<vmem>>, vector<16xf32>,
    %swap3A_1308 = vector.shape_cast %swap3A_1307 : vector<16xf32> to vector<16xf32>
    %swap3A_1309 = vector.shape_cast %mul3A_1305 : vector<16xf32> to vector<16xf32>
    tpu.vector_store %arg13[%swap3A_1306], %swap3A_1309 {strides = array<i32>} : memref<512xf32, #tpu.memory_space<vmem>>, vector<16xf32>,
    %get3A_1310 = arith.constant 192 : index
    %get3A_1311 = tpu.vector_load %arg10[%get3A_1310] {strides = array<i32>} : memref<512xf32, #tpu.memory_space<vmem>>, vector<16xf32>,
    %get3A_1312 = vector.shape_cast %get3A_1311 : vector<16xf32> to vector<16xf32>
    %get3A_1313 = arith.constant 192 : index
    %get3A_1314 = tpu.vector_load %arg11[%get3A_1313] {strides = array<i32>} : memref<512xf32, #tpu.memory_space<vmem>>, vector<16xf32>,
    %get3A_1315 = vector.shape_cast %get3A_1314 : vector<16xf32> to vector<16xf32>
    %abs3A_1316 = math.absf %get3A_1315 : vector<16xf32>
    %neg3A_1317 = arith.constant 0.000000e+00 : f32
    %neg3A_1318 = vector.broadcast %neg3A_1317 : f32 to vector<16xf32>
    %neg3A_1319 = arith.subf %neg3A_1318, %abs3A_1316 : vector<16xf32>
    %exp3A_1320 = math.exp %neg3A_1319 : vector<16xf32>
    %mul3A_1321 = arith.constant -0.0236892365 : f32
    %mul3A_1322 = vector.broadcast %mul3A_1321 : f32 to vector<16xf32>
    %mul3A_1323 = arith.mulf %mul3A_1322, %exp3A_1320 : vector<16xf32>
    %add3A_1324 = arith.constant 0.100287139 : f32
    %add3A_1325 = vector.broadcast %add3A_1324 : f32 to vector<16xf32>
    %add3A_1326 = arith.addf %mul3A_1323, %add3A_1325 : vector<16xf32>
    %mul3A_1327 = arith.mulf %add3A_1326, %exp3A_1320 : vector<16xf32>
    %add3A_1328 = arith.constant -0.208669573 : f32
    %add3A_1329 = vector.broadcast %add3A_1328 : f32 to vector<16xf32>
    %add3A_1330 = arith.addf %mul3A_1327, %add3A_1329 : vector<16xf32>
    %mul3A_1331 = arith.mulf %add3A_1330, %exp3A_1320 : vector<16xf32>
    %add3A_1332 = arith.constant 0.32441175 : f32
    %add3A_1333 = vector.broadcast %add3A_1332 : f32 to vector<16xf32>
    %add3A_1334 = arith.addf %mul3A_1331, %add3A_1333 : vector<16xf32>
    %mul3A_1335 = arith.mulf %add3A_1334, %exp3A_1320 : vector<16xf32>
    %add3A_1336 = arith.constant -0.499187827 : f32
    %add3A_1337 = vector.broadcast %add3A_1336 : f32 to vector<16xf32>
    %add3A_1338 = arith.addf %mul3A_1335, %add3A_1337 : vector<16xf32>
    %mul3A_1339 = arith.mulf %add3A_1338, %exp3A_1320 : vector<16xf32>
    %add3A_1340 = arith.constant 0.99998188 : f32
    %add3A_1341 = vector.broadcast %add3A_1340 : f32 to vector<16xf32>
    %add3A_1342 = arith.addf %mul3A_1339, %add3A_1341 : vector<16xf32>
    %max3A_1343 = arith.constant 0.000000e+00 : f32
    %max3A_1344 = vector.broadcast %max3A_1343 : f32 to vector<16xf32>
    %max3A_1345 = arith.maximumf %get3A_1315, %max3A_1344 : vector<16xf32>
    %mul3A_1346 = arith.mulf %exp3A_1320, %add3A_1342 : vector<16xf32>
    %add3A_1347 = arith.addf %max3A_1345, %mul3A_1346 : vector<16xf32>
    %get3A_1348 = arith.constant 192 : index
    %get3A_1349 = tpu.vector_load %arg12[%get3A_1348] {strides = array<i32>} : memref<512xf32, #tpu.memory_space<vmem>>, vector<16xf32>,
    %get3A_1350 = vector.shape_cast %get3A_1349 : vector<16xf32> to vector<16xf32>
    %abs3A_1351 = math.absf %get3A_1350 : vector<16xf32>
    %neg3A_1352 = arith.constant 0.000000e+00 : f32
    %neg3A_1353 = vector.broadcast %neg3A_1352 : f32 to vector<16xf32>
    %neg3A_1354 = arith.subf %neg3A_1353, %abs3A_1351 : vector<16xf32>
    %exp3A_1355 = math.exp %neg3A_1354 : vector<16xf32>
    %mul3A_1356 = arith.constant -0.0236892365 : f32
    %mul3A_1357 = vector.broadcast %mul3A_1356 : f32 to vector<16xf32>
    %mul3A_1358 = arith.mulf %mul3A_1357, %exp3A_1355 : vector<16xf32>
    %add3A_1359 = arith.constant 0.100287139 : f32
    %add3A_1360 = vector.broadcast %add3A_1359 : f32 to vector<16xf32>
    %add3A_1361 = arith.addf %mul3A_1358, %add3A_1360 : vector<16xf32>
    %mul3A_1362 = arith.mulf %add3A_1361, %exp3A_1355 : vector<16xf32>
    %add3A_1363 = arith.constant -0.208669573 : f32
    %add3A_1364 = vector.broadcast %add3A_1363 : f32 to vector<16xf32>
    %add3A_1365 = arith.addf %mul3A_1362, %add3A_1364 : vector<16xf32>
    %mul3A_1366 = arith.mulf %add3A_1365, %exp3A_1355 : vector<16xf32>
    %add3A_1367 = arith.constant 0.32441175 : f32
    %add3A_1368 = vector.broadcast %add3A_1367 : f32 to vector<16xf32>
    %add3A_1369 = arith.addf %mul3A_1366, %add3A_1368 : vector<16xf32>
    %mul3A_1370 = arith.mulf %add3A_1369, %exp3A_1355 : vector<16xf32>
    %add3A_1371 = arith.constant -0.499187827 : f32
    %add3A_1372 = vector.broadcast %add3A_1371 : f32 to vector<16xf32>
    %add3A_1373 = arith.addf %mul3A_1370, %add3A_1372 : vector<16xf32>
    %mul3A_1374 = arith.mulf %add3A_1373, %exp3A_1355 : vector<16xf32>
    %add3A_1375 = arith.constant 0.99998188 : f32
    %add3A_1376 = vector.broadcast %add3A_1375 : f32 to vector<16xf32>
    %add3A_1377 = arith.addf %mul3A_1374, %add3A_1376 : vector<16xf32>
    %max3A_1378 = arith.constant 0.000000e+00 : f32
    %max3A_1379 = vector.broadcast %max3A_1378 : f32 to vector<16xf32>
    %max3A_1380 = arith.maximumf %get3A_1350, %max3A_1379 : vector<16xf32>
    %mul3A_1381 = arith.mulf %exp3A_1355, %add3A_1377 : vector<16xf32>
    %add3A_1382 = arith.addf %max3A_1380, %mul3A_1381 : vector<16xf32>
    %mul3A_1383 = arith.mulf %add3A_1347, %add3A_1382 : vector<16xf32>
    %mul3A_1384 = arith.mulf %get3A_1312, %mul3A_1383 : vector<16xf32>
    %swap3A_1385 = arith.constant 192 : index
    %swap3A_1386 = tpu.vector_load %arg13[%swap3A_1385] {strides = array<i32>} : memref<512xf32, #tpu.memory_space<vmem>>, vector<16xf32>,
    %swap3A_1387 = vector.shape_cast %swap3A_1386 : vector<16xf32> to vector<16xf32>
    %swap3A_1388 = vector.shape_cast %mul3A_1384 : vector<16xf32> to vector<16xf32>
    tpu.vector_store %arg13[%swap3A_1385], %swap3A_1388 {strides = array<i32>} : memref<512xf32, #tpu.memory_space<vmem>>, vector<16xf32>,
    %get3A_1389 = arith.constant 208 : index
    %get3A_1390 = tpu.vector_load %arg10[%get3A_1389] {strides = array<i32>} : memref<512xf32, #tpu.memory_space<vmem>>, vector<16xf32>,
    %get3A_1391 = vector.shape_cast %get3A_1390 : vector<16xf32> to vector<16xf32>
    %get3A_1392 = arith.constant 208 : index
    %get3A_1393 = tpu.vector_load %arg11[%get3A_1392] {strides = array<i32>} : memref<512xf32, #tpu.memory_space<vmem>>, vector<16xf32>,
    %get3A_1394 = vector.shape_cast %get3A_1393 : vector<16xf32> to vector<16xf32>
    %abs3A_1395 = math.absf %get3A_1394 : vector<16xf32>
    %neg3A_1396 = arith.constant 0.000000e+00 : f32
    %neg3A_1397 = vector.broadcast %neg3A_1396 : f32 to vector<16xf32>
    %neg3A_1398 = arith.subf %neg3A_1397, %abs3A_1395 : vector<16xf32>
    %exp3A_1399 = math.exp %neg3A_1398 : vector<16xf32>
    %mul3A_1400 = arith.constant -0.0236892365 : f32
    %mul3A_1401 = vector.broadcast %mul3A_1400 : f32 to vector<16xf32>
    %mul3A_1402 = arith.mulf %mul3A_1401, %exp3A_1399 : vector<16xf32>
    %add3A_1403 = arith.constant 0.100287139 : f32
    %add3A_1404 = vector.broadcast %add3A_1403 : f32 to vector<16xf32>
    %add3A_1405 = arith.addf %mul3A_1402, %add3A_1404 : vector<16xf32>
    %mul3A_1406 = arith.mulf %add3A_1405, %exp3A_1399 : vector<16xf32>
    %add3A_1407 = arith.constant -0.208669573 : f32
    %add3A_1408 = vector.broadcast %add3A_1407 : f32 to vector<16xf32>
    %add3A_1409 = arith.addf %mul3A_1406, %add3A_1408 : vector<16xf32>
    %mul3A_1410 = arith.mulf %add3A_1409, %exp3A_1399 : vector<16xf32>
    %add3A_1411 = arith.constant 0.32441175 : f32
    %add3A_1412 = vector.broadcast %add3A_1411 : f32 to vector<16xf32>
    %add3A_1413 = arith.addf %mul3A_1410, %add3A_1412 : vector<16xf32>
    %mul3A_1414 = arith.mulf %add3A_1413, %exp3A_1399 : vector<16xf32>
    %add3A_1415 = arith.constant -0.499187827 : f32
    %add3A_1416 = vector.broadcast %add3A_1415 : f32 to vector<16xf32>
    %add3A_1417 = arith.addf %mul3A_1414, %add3A_1416 : vector<16xf32>
    %mul3A_1418 = arith.mulf %add3A_1417, %exp3A_1399 : vector<16xf32>
    %add3A_1419 = arith.constant 0.99998188 : f32
    %add3A_1420 = vector.broadcast %add3A_1419 : f32 to vector<16xf32>
    %add3A_1421 = arith.addf %mul3A_1418, %add3A_1420 : vector<16xf32>
    %max3A_1422 = arith.constant 0.000000e+00 : f32
    %max3A_1423 = vector.broadcast %max3A_1422 : f32 to vector<16xf32>
    %max3A_1424 = arith.maximumf %get3A_1394, %max3A_1423 : vector<16xf32>
    %mul3A_1425 = arith.mulf %exp3A_1399, %add3A_1421 : vector<16xf32>
    %add3A_1426 = arith.addf %max3A_1424, %mul3A_1425 : vector<16xf32>
    %get3A_1427 = arith.constant 208 : index
    %get3A_1428 = tpu.vector_load %arg12[%get3A_1427] {strides = array<i32>} : memref<512xf32, #tpu.memory_space<vmem>>, vector<16xf32>,
    %get3A_1429 = vector.shape_cast %get3A_1428 : vector<16xf32> to vector<16xf32>
    %abs3A_1430 = math.absf %get3A_1429 : vector<16xf32>
    %neg3A_1431 = arith.constant 0.000000e+00 : f32
    %neg3A_1432 = vector.broadcast %neg3A_1431 : f32 to vector<16xf32>
    %neg3A_1433 = arith.subf %neg3A_1432, %abs3A_1430 : vector<16xf32>
    %exp3A_1434 = math.exp %neg3A_1433 : vector<16xf32>
    %mul3A_1435 = arith.constant -0.0236892365 : f32
    %mul3A_1436 = vector.broadcast %mul3A_1435 : f32 to vector<16xf32>
    %mul3A_1437 = arith.mulf %mul3A_1436, %exp3A_1434 : vector<16xf32>
    %add3A_1438 = arith.constant 0.100287139 : f32
    %add3A_1439 = vector.broadcast %add3A_1438 : f32 to vector<16xf32>
    %add3A_1440 = arith.addf %mul3A_1437, %add3A_1439 : vector<16xf32>
    %mul3A_1441 = arith.mulf %add3A_1440, %exp3A_1434 : vector<16xf32>
    %add3A_1442 = arith.constant -0.208669573 : f32
    %add3A_1443 = vector.broadcast %add3A_1442 : f32 to vector<16xf32>
    %add3A_1444 = arith.addf %mul3A_1441, %add3A_1443 : vector<16xf32>
    %mul3A_1445 = arith.mulf %add3A_1444, %exp3A_1434 : vector<16xf32>
    %add3A_1446 = arith.constant 0.32441175 : f32
    %add3A_1447 = vector.broadcast %add3A_1446 : f32 to vector<16xf32>
    %add3A_1448 = arith.addf %mul3A_1445, %add3A_1447 : vector<16xf32>
    %mul3A_1449 = arith.mulf %add3A_1448, %exp3A_1434 : vector<16xf32>
    %add3A_1450 = arith.constant -0.499187827 : f32
    %add3A_1451 = vector.broadcast %add3A_1450 : f32 to vector<16xf32>
    %add3A_1452 = arith.addf %mul3A_1449, %add3A_1451 : vector<16xf32>
    %mul3A_1453 = arith.mulf %add3A_1452, %exp3A_1434 : vector<16xf32>
    %add3A_1454 = arith.constant 0.99998188 : f32
    %add3A_1455 = vector.broadcast %add3A_1454 : f32 to vector<16xf32>
    %add3A_1456 = arith.addf %mul3A_1453, %add3A_1455 : vector<16xf32>
    %max3A_1457 = arith.constant 0.000000e+00 : f32
    %max3A_1458 = vector.broadcast %max3A_1457 : f32 to vector<16xf32>
    %max3A_1459 = arith.maximumf %get3A_1429, %max3A_1458 : vector<16xf32>
    %mul3A_1460 = arith.mulf %exp3A_1434, %add3A_1456 : vector<16xf32>
    %add3A_1461 = arith.addf %max3A_1459, %mul3A_1460 : vector<16xf32>
    %mul3A_1462 = arith.mulf %add3A_1426, %add3A_1461 : vector<16xf32>
    %mul3A_1463 = arith.mulf %get3A_1391, %mul3A_1462 : vector<16xf32>
    %swap3A_1464 = arith.constant 208 : index
    %swap3A_1465 = tpu.vector_load %arg13[%swap3A_1464] {strides = array<i32>} : memref<512xf32, #tpu.memory_space<vmem>>, vector<16xf32>,
    %swap3A_1466 = vector.shape_cast %swap3A_1465 : vector<16xf32> to vector<16xf32>
    %swap3A_1467 = vector.shape_cast %mul3A_1463 : vector<16xf32> to vector<16xf32>
    tpu.vector_store %arg13[%swap3A_1464], %swap3A_1467 {strides = array<i32>} : memref<512xf32, #tpu.memory_space<vmem>>, vector<16xf32>,
    %get3A_1468 = arith.constant 224 : index
    %get3A_1469 = tpu.vector_load %arg10[%get3A_1468] {strides = array<i32>} : memref<512xf32, #tpu.memory_space<vmem>>, vector<16xf32>,
    %get3A_1470 = vector.shape_cast %get3A_1469 : vector<16xf32> to vector<16xf32>
    %get3A_1471 = arith.constant 224 : index
    %get3A_1472 = tpu.vector_load %arg11[%get3A_1471] {strides = array<i32>} : memref<512xf32, #tpu.memory_space<vmem>>, vector<16xf32>,
    %get3A_1473 = vector.shape_cast %get3A_1472 : vector<16xf32> to vector<16xf32>
    %abs3A_1474 = math.absf %get3A_1473 : vector<16xf32>
    %neg3A_1475 = arith.constant 0.000000e+00 : f32
    %neg3A_1476 = vector.broadcast %neg3A_1475 : f32 to vector<16xf32>
    %neg3A_1477 = arith.subf %neg3A_1476, %abs3A_1474 : vector<16xf32>
    %exp3A_1478 = math.exp %neg3A_1477 : vector<16xf32>
    %mul3A_1479 = arith.constant -0.0236892365 : f32
    %mul3A_1480 = vector.broadcast %mul3A_1479 : f32 to vector<16xf32>
    %mul3A_1481 = arith.mulf %mul3A_1480, %exp3A_1478 : vector<16xf32>
    %add3A_1482 = arith.constant 0.100287139 : f32
    %add3A_1483 = vector.broadcast %add3A_1482 : f32 to vector<16xf32>
    %add3A_1484 = arith.addf %mul3A_1481, %add3A_1483 : vector<16xf32>
    %mul3A_1485 = arith.mulf %add3A_1484, %exp3A_1478 : vector<16xf32>
    %add3A_1486 = arith.constant -0.208669573 : f32
    %add3A_1487 = vector.broadcast %add3A_1486 : f32 to vector<16xf32>
    %add3A_1488 = arith.addf %mul3A_1485, %add3A_1487 : vector<16xf32>
    %mul3A_1489 = arith.mulf %add3A_1488, %exp3A_1478 : vector<16xf32>
    %add3A_1490 = arith.constant 0.32441175 : f32
    %add3A_1491 = vector.broadcast %add3A_1490 : f32 to vector<16xf32>
    %add3A_1492 = arith.addf %mul3A_1489, %add3A_1491 : vector<16xf32>
    %mul3A_1493 = arith.mulf %add3A_1492, %exp3A_1478 : vector<16xf32>
    %add3A_1494 = arith.constant -0.499187827 : f32
    %add3A_1495 = vector.broadcast %add3A_1494 : f32 to vector<16xf32>
    %add3A_1496 = arith.addf %mul3A_1493, %add3A_1495 : vector<16xf32>
    %mul3A_1497 = arith.mulf %add3A_1496, %exp3A_1478 : vector<16xf32>
    %add3A_1498 = arith.constant 0.99998188 : f32
    %add3A_1499 = vector.broadcast %add3A_1498 : f32 to vector<16xf32>
    %add3A_1500 = arith.addf %mul3A_1497, %add3A_1499 : vector<16xf32>
    %max3A_1501 = arith.constant 0.000000e+00 : f32
    %max3A_1502 = vector.broadcast %max3A_1501 : f32 to vector<16xf32>
    %max3A_1503 = arith.maximumf %get3A_1473, %max3A_1502 : vector<16xf32>
    %mul3A_1504 = arith.mulf %exp3A_1478, %add3A_1500 : vector<16xf32>
    %add3A_1505 = arith.addf %max3A_1503, %mul3A_1504 : vector<16xf32>
    %get3A_1506 = arith.constant 224 : index
    %get3A_1507 = tpu.vector_load %arg12[%get3A_1506] {strides = array<i32>} : memref<512xf32, #tpu.memory_space<vmem>>, vector<16xf32>,
    %get3A_1508 = vector.shape_cast %get3A_1507 : vector<16xf32> to vector<16xf32>
    %abs3A_1509 = math.absf %get3A_1508 : vector<16xf32>
    %neg3A_1510 = arith.constant 0.000000e+00 : f32
    %neg3A_1511 = vector.broadcast %neg3A_1510 : f32 to vector<16xf32>
    %neg3A_1512 = arith.subf %neg3A_1511, %abs3A_1509 : vector<16xf32>
    %exp3A_1513 = math.exp %neg3A_1512 : vector<16xf32>
    %mul3A_1514 = arith.constant -0.0236892365 : f32
    %mul3A_1515 = vector.broadcast %mul3A_1514 : f32 to vector<16xf32>
    %mul3A_1516 = arith.mulf %mul3A_1515, %exp3A_1513 : vector<16xf32>
    %add3A_1517 = arith.constant 0.100287139 : f32
    %add3A_1518 = vector.broadcast %add3A_1517 : f32 to vector<16xf32>
    %add3A_1519 = arith.addf %mul3A_1516, %add3A_1518 : vector<16xf32>
    %mul3A_1520 = arith.mulf %add3A_1519, %exp3A_1513 : vector<16xf32>
    %add3A_1521 = arith.constant -0.208669573 : f32
    %add3A_1522 = vector.broadcast %add3A_1521 : f32 to vector<16xf32>
    %add3A_1523 = arith.addf %mul3A_1520, %add3A_1522 : vector<16xf32>
    %mul3A_1524 = arith.mulf %add3A_1523, %exp3A_1513 : vector<16xf32>
    %add3A_1525 = arith.constant 0.32441175 : f32
    %add3A_1526 = vector.broadcast %add3A_1525 : f32 to vector<16xf32>
    %add3A_1527 = arith.addf %mul3A_1524, %add3A_1526 : vector<16xf32>
    %mul3A_1528 = arith.mulf %add3A_1527, %exp3A_1513 : vector<16xf32>
    %add3A_1529 = arith.constant -0.499187827 : f32
    %add3A_1530 = vector.broadcast %add3A_1529 : f32 to vector<16xf32>
    %add3A_1531 = arith.addf %mul3A_1528, %add3A_1530 : vector<16xf32>
    %mul3A_1532 = arith.mulf %add3A_1531, %exp3A_1513 : vector<16xf32>
    %add3A_1533 = arith.constant 0.99998188 : f32
    %add3A_1534 = vector.broadcast %add3A_1533 : f32 to vector<16xf32>
    %add3A_1535 = arith.addf %mul3A_1532, %add3A_1534 : vector<16xf32>
    %max3A_1536 = arith.constant 0.000000e+00 : f32
    %max3A_1537 = vector.broadcast %max3A_1536 : f32 to vector<16xf32>
    %max3A_1538 = arith.maximumf %get3A_1508, %max3A_1537 : vector<16xf32>
    %mul3A_1539 = arith.mulf %exp3A_1513, %add3A_1535 : vector<16xf32>
    %add3A_1540 = arith.addf %max3A_1538, %mul3A_1539 : vector<16xf32>
    %mul3A_1541 = arith.mulf %add3A_1505, %add3A_1540 : vector<16xf32>
    %mul3A_1542 = arith.mulf %get3A_1470, %mul3A_1541 : vector<16xf32>
    %swap3A_1543 = arith.constant 224 : index
    %swap3A_1544 = tpu.vector_load %arg13[%swap3A_1543] {strides = array<i32>} : memref<512xf32, #tpu.memory_space<vmem>>, vector<16xf32>,
    %swap3A_1545 = vector.shape_cast %swap3A_1544 : vector<16xf32> to vector<16xf32>
    %swap3A_1546 = vector.shape_cast %mul3A_1542 : vector<16xf32> to vector<16xf32>
    tpu.vector_store %arg13[%swap3A_1543], %swap3A_1546 {strides = array<i32>} : memref<512xf32, #tpu.memory_space<vmem>>, vector<16xf32>,
    %get3A_1547 = arith.constant 240 : index
    %get3A_1548 = tpu.vector_load %arg10[%get3A_1547] {strides = array<i32>} : memref<512xf32, #tpu.memory_space<vmem>>, vector<16xf32>,
    %get3A_1549 = vector.shape_cast %get3A_1548 : vector<16xf32> to vector<16xf32>
    %get3A_1550 = arith.constant 240 : index
    %get3A_1551 = tpu.vector_load %arg11[%get3A_1550] {strides = array<i32>} : memref<512xf32, #tpu.memory_space<vmem>>, vector<16xf32>,
    %get3A_1552 = vector.shape_cast %get3A_1551 : vector<16xf32> to vector<16xf32>
    %abs3A_1553 = math.absf %get3A_1552 : vector<16xf32>
    %neg3A_1554 = arith.constant 0.000000e+00 : f32
    %neg3A_1555 = vector.broadcast %neg3A_1554 : f32 to vector<16xf32>
    %neg3A_1556 = arith.subf %neg3A_1555, %abs3A_1553 : vector<16xf32>
    %exp3A_1557 = math.exp %neg3A_1556 : vector<16xf32>
    %mul3A_1558 = arith.constant -0.0236892365 : f32
    %mul3A_1559 = vector.broadcast %mul3A_1558 : f32 to vector<16xf32>
    %mul3A_1560 = arith.mulf %mul3A_1559, %exp3A_1557 : vector<16xf32>
    %add3A_1561 = arith.constant 0.100287139 : f32
    %add3A_1562 = vector.broadcast %add3A_1561 : f32 to vector<16xf32>
    %add3A_1563 = arith.addf %mul3A_1560, %add3A_1562 : vector<16xf32>
    %mul3A_1564 = arith.mulf %add3A_1563, %exp3A_1557 : vector<16xf32>
    %add3A_1565 = arith.constant -0.208669573 : f32
    %add3A_1566 = vector.broadcast %add3A_1565 : f32 to vector<16xf32>
    %add3A_1567 = arith.addf %mul3A_1564, %add3A_1566 : vector<16xf32>
    %mul3A_1568 = arith.mulf %add3A_1567, %exp3A_1557 : vector<16xf32>
    %add3A_1569 = arith.constant 0.32441175 : f32
    %add3A_1570 = vector.broadcast %add3A_1569 : f32 to vector<16xf32>
    %add3A_1571 = arith.addf %mul3A_1568, %add3A_1570 : vector<16xf32>
    %mul3A_1572 = arith.mulf %add3A_1571, %exp3A_1557 : vector<16xf32>
    %add3A_1573 = arith.constant -0.499187827 : f32
    %add3A_1574 = vector.broadcast %add3A_1573 : f32 to vector<16xf32>
    %add3A_1575 = arith.addf %mul3A_1572, %add3A_1574 : vector<16xf32>
    %mul3A_1576 = arith.mulf %add3A_1575, %exp3A_1557 : vector<16xf32>
    %add3A_1577 = arith.constant 0.99998188 : f32
    %add3A_1578 = vector.broadcast %add3A_1577 : f32 to vector<16xf32>
    %add3A_1579 = arith.addf %mul3A_1576, %add3A_1578 : vector<16xf32>
    %max3A_1580 = arith.constant 0.000000e+00 : f32
    %max3A_1581 = vector.broadcast %max3A_1580 : f32 to vector<16xf32>
    %max3A_1582 = arith.maximumf %get3A_1552, %max3A_1581 : vector<16xf32>
    %mul3A_1583 = arith.mulf %exp3A_1557, %add3A_1579 : vector<16xf32>
    %add3A_1584 = arith.addf %max3A_1582, %mul3A_1583 : vector<16xf32>
    %get3A_1585 = arith.constant 240 : index
    %get3A_1586 = tpu.vector_load %arg12[%get3A_1585] {strides = array<i32>} : memref<512xf32, #tpu.memory_space<vmem>>, vector<16xf32>,
    %get3A_1587 = vector.shape_cast %get3A_1586 : vector<16xf32> to vector<16xf32>
    %abs3A_1588 = math.absf %get3A_1587 : vector<16xf32>
    %neg3A_1589 = arith.constant 0.000000e+00 : f32
    %neg3A_1590 = vector.broadcast %neg3A_1589 : f32 to vector<16xf32>
    %neg3A_1591 = arith.subf %neg3A_1590, %abs3A_1588 : vector<16xf32>
    %exp3A_1592 = math.exp %neg3A_1591 : vector<16xf32>
    %mul3A_1593 = arith.constant -0.0236892365 : f32
    %mul3A_1594 = vector.broadcast %mul3A_1593 : f32 to vector<16xf32>
    %mul3A_1595 = arith.mulf %mul3A_1594, %exp3A_1592 : vector<16xf32>
    %add3A_1596 = arith.constant 0.100287139 : f32
    %add3A_1597 = vector.broadcast %add3A_1596 : f32 to vector<16xf32>
    %add3A_1598 = arith.addf %mul3A_1595, %add3A_1597 : vector<16xf32>
    %mul3A_1599 = arith.mulf %add3A_1598, %exp3A_1592 : vector<16xf32>
    %add3A_1600 = arith.constant -0.208669573 : f32
    %add3A_1601 = vector.broadcast %add3A_1600 : f32 to vector<16xf32>
    %add3A_1602 = arith.addf %mul3A_1599, %add3A_1601 : vector<16xf32>
    %mul3A_1603 = arith.mulf %add3A_1602, %exp3A_1592 : vector<16xf32>
    %add3A_1604 = arith.constant 0.32441175 : f32
    %add3A_1605 = vector.broadcast %add3A_1604 : f32 to vector<16xf32>
    %add3A_1606 = arith.addf %mul3A_1603, %add3A_1605 : vector<16xf32>
    %mul3A_1607 = arith.mulf %add3A_1606, %exp3A_1592 : vector<16xf32>
    %add3A_1608 = arith.constant -0.499187827 : f32
    %add3A_1609 = vector.broadcast %add3A_1608 : f32 to vector<16xf32>
    %add3A_1610 = arith.addf %mul3A_1607, %add3A_1609 : vector<16xf32>
    %mul3A_1611 = arith.mulf %add3A_1610, %exp3A_1592 : vector<16xf32>
    %add3A_1612 = arith.constant 0.99998188 : f32
    %add3A_1613 = vector.broadcast %add3A_1612 : f32 to vector<16xf32>
    %add3A_1614 = arith.addf %mul3A_1611, %add3A_1613 : vector<16xf32>
    %max3A_1615 = arith.constant 0.000000e+00 : f32
    %max3A_1616 = vector.broadcast %max3A_1615 : f32 to vector<16xf32>
    %max3A_1617 = arith.maximumf %get3A_1587, %max3A_1616 : vector<16xf32>
    %mul3A_1618 = arith.mulf %exp3A_1592, %add3A_1614 : vector<16xf32>
    %add3A_1619 = arith.addf %max3A_1617, %mul3A_1618 : vector<16xf32>
    %mul3A_1620 = arith.mulf %add3A_1584, %add3A_1619 : vector<16xf32>
    %mul3A_1621 = arith.mulf %get3A_1549, %mul3A_1620 : vector<16xf32>
    %swap3A_1622 = arith.constant 240 : index
    %swap3A_1623 = tpu.vector_load %arg13[%swap3A_1622] {strides = array<i32>} : memref<512xf32, #tpu.memory_space<vmem>>, vector<16xf32>,
    %swap3A_1624 = vector.shape_cast %swap3A_1623 : vector<16xf32> to vector<16xf32>
    %swap3A_1625 = vector.shape_cast %mul3A_1621 : vector<16xf32> to vector<16xf32>
    tpu.vector_store %arg13[%swap3A_1622], %swap3A_1625 {strides = array<i32>} : memref<512xf32, #tpu.memory_space<vmem>>, vector<16xf32>,
    %add3A_1626 = arith.constant 0 : i32
    %add3A_1627 = arith.addi %mul3A_2, %add3A_1626 : i32
    %dma_start3A_1628 = arith.constant 0 : i32
    %dma_start3A_1629 = tpu.memref_slice %arg13[%dma_start3A_1628] : memref<512xf32, #tpu.memory_space<vmem>> -> memref<256xf32, #tpu.memory_space<vmem>>
    %dma_start3A_1630 = tpu.memref_slice %arg7[%add3A_1627] : memref<16384xf32, #tpu.memory_space<hbm>> -> memref<256xf32, #tpu.memory_space<hbm>>
    %dma_start3A_1631 = tpu.memref_slice %arg7[%add3A_1627] : memref<16384xf32, #tpu.memory_space<hbm>> -> memref<256xf32, #tpu.memory_space<hbm>>
    %dma_start3A_1632 = arith.constant 0 : i32
    %dma_start3A_1633 = tpu.memref_slice %arg13[%dma_start3A_1632] : memref<512xf32, #tpu.memory_space<vmem>> -> memref<256xf32, #tpu.memory_space<vmem>>
    tpu.enqueue_dma source(%dma_start3A_1633 : memref<256xf32, #tpu.memory_space<vmem>>) target(%dma_start3A_1631 : memref<256xf32, #tpu.memory_space<hbm>>) target_semaphore(%arg19 : memref<!tpu.dma_semaphore, #tpu.memory_space<semaphore_mem>>)
    %dma_wait3A_1634 = arith.constant 256 : i32
    %dma_wait3A_1635 = tpu.memref_slice %arg11[%dma_wait3A_1634] : memref<512xf32, #tpu.memory_space<vmem>> -> memref<256xf32, #tpu.memory_space<vmem>>
    %dma_wait3A_1636 = arith.constant 256 : i32
    %dma_wait3A_1637 = tpu.memref_slice %arg8[%dma_wait3A_1636] : memref<512xi32, #tpu.memory_space<vmem>> -> memref<256xi32, #tpu.memory_space<vmem>>
    %dma_wait3A_1638 = arith.constant 0 : i32
    %dma_wait3A_1639 = tpu.memref_slice %arg5[%dma_wait3A_1638] : memref<1000000xf32, #tpu.memory_space<hbm>> -> memref<1000000xf32, #tpu.memory_space<hbm>>
    tpu.wait_indirect_dma semaphore(%arg18 : memref<!tpu.dma_semaphore, #tpu.memory_space<semaphore_mem>>) src(%dma_wait3A_1639 : memref<1000000xf32, #tpu.memory_space<hbm>>) dst(%dma_wait3A_1635 : memref<256xf32, #tpu.memory_space<vmem>>)
    %dma_wait3A_1640 = arith.constant 256 : i32
    %dma_wait3A_1641 = tpu.memref_slice %arg12[%dma_wait3A_1640] : memref<512xf32, #tpu.memory_space<vmem>> -> memref<256xf32, #tpu.memory_space<vmem>>
    %dma_wait3A_1642 = arith.constant 256 : i32
    %dma_wait3A_1643 = tpu.memref_slice %arg9[%dma_wait3A_1642] : memref<512xi32, #tpu.memory_space<vmem>> -> memref<256xi32, #tpu.memory_space<vmem>>
    %dma_wait3A_1644 = arith.constant 0 : i32
    %dma_wait3A_1645 = tpu.memref_slice %arg6[%dma_wait3A_1644] : memref<1000000xf32, #tpu.memory_space<hbm>> -> memref<1000000xf32, #tpu.memory_space<hbm>>
    tpu.wait_indirect_dma semaphore(%arg18 : memref<!tpu.dma_semaphore, #tpu.memory_space<semaphore_mem>>) src(%dma_wait3A_1645 : memref<1000000xf32, #tpu.memory_space<hbm>>) dst(%dma_wait3A_1641 : memref<256xf32, #tpu.memory_space<vmem>>)
    %get3A_1646 = arith.constant 256 : index
    %get3A_1647 = tpu.vector_load %arg10[%get3A_1646] {strides = array<i32>} : memref<512xf32, #tpu.memory_space<vmem>>, vector<16xf32>,
    %get3A_1648 = vector.shape_cast %get3A_1647 : vector<16xf32> to vector<16xf32>
    %get3A_1649 = arith.constant 256 : index
    %get3A_1650 = tpu.vector_load %arg11[%get3A_1649] {strides = array<i32>} : memref<512xf32, #tpu.memory_space<vmem>>, vector<16xf32>,
    %get3A_1651 = vector.shape_cast %get3A_1650 : vector<16xf32> to vector<16xf32>
    %abs3A_1652 = math.absf %get3A_1651 : vector<16xf32>
    %neg3A_1653 = arith.constant 0.000000e+00 : f32
    %neg3A_1654 = vector.broadcast %neg3A_1653 : f32 to vector<16xf32>
    %neg3A_1655 = arith.subf %neg3A_1654, %abs3A_1652 : vector<16xf32>
    %exp3A_1656 = math.exp %neg3A_1655 : vector<16xf32>
    %mul3A_1657 = arith.constant -0.0236892365 : f32
    %mul3A_1658 = vector.broadcast %mul3A_1657 : f32 to vector<16xf32>
    %mul3A_1659 = arith.mulf %mul3A_1658, %exp3A_1656 : vector<16xf32>
    %add3A_1660 = arith.constant 0.100287139 : f32
    %add3A_1661 = vector.broadcast %add3A_1660 : f32 to vector<16xf32>
    %add3A_1662 = arith.addf %mul3A_1659, %add3A_1661 : vector<16xf32>
    %mul3A_1663 = arith.mulf %add3A_1662, %exp3A_1656 : vector<16xf32>
    %add3A_1664 = arith.constant -0.208669573 : f32
    %add3A_1665 = vector.broadcast %add3A_1664 : f32 to vector<16xf32>
    %add3A_1666 = arith.addf %mul3A_1663, %add3A_1665 : vector<16xf32>
    %mul3A_1667 = arith.mulf %add3A_1666, %exp3A_1656 : vector<16xf32>
    %add3A_1668 = arith.constant 0.32441175 : f32
    %add3A_1669 = vector.broadcast %add3A_1668 : f32 to vector<16xf32>
    %add3A_1670 = arith.addf %mul3A_1667, %add3A_1669 : vector<16xf32>
    %mul3A_1671 = arith.mulf %add3A_1670, %exp3A_1656 : vector<16xf32>
    %add3A_1672 = arith.constant -0.499187827 : f32
    %add3A_1673 = vector.broadcast %add3A_1672 : f32 to vector<16xf32>
    %add3A_1674 = arith.addf %mul3A_1671, %add3A_1673 : vector<16xf32>
    %mul3A_1675 = arith.mulf %add3A_1674, %exp3A_1656 : vector<16xf32>
    %add3A_1676 = arith.constant 0.99998188 : f32
    %add3A_1677 = vector.broadcast %add3A_1676 : f32 to vector<16xf32>
    %add3A_1678 = arith.addf %mul3A_1675, %add3A_1677 : vector<16xf32>
    %max3A_1679 = arith.constant 0.000000e+00 : f32
    %max3A_1680 = vector.broadcast %max3A_1679 : f32 to vector<16xf32>
    %max3A_1681 = arith.maximumf %get3A_1651, %max3A_1680 : vector<16xf32>
    %mul3A_1682 = arith.mulf %exp3A_1656, %add3A_1678 : vector<16xf32>
    %add3A_1683 = arith.addf %max3A_1681, %mul3A_1682 : vector<16xf32>
    %get3A_1684 = arith.constant 256 : index
    %get3A_1685 = tpu.vector_load %arg12[%get3A_1684] {strides = array<i32>} : memref<512xf32, #tpu.memory_space<vmem>>, vector<16xf32>,
    %get3A_1686 = vector.shape_cast %get3A_1685 : vector<16xf32> to vector<16xf32>
    %abs3A_1687 = math.absf %get3A_1686 : vector<16xf32>
    %neg3A_1688 = arith.constant 0.000000e+00 : f32
    %neg3A_1689 = vector.broadcast %neg3A_1688 : f32 to vector<16xf32>
    %neg3A_1690 = arith.subf %neg3A_1689, %abs3A_1687 : vector<16xf32>
    %exp3A_1691 = math.exp %neg3A_1690 : vector<16xf32>
    %mul3A_1692 = arith.constant -0.0236892365 : f32
    %mul3A_1693 = vector.broadcast %mul3A_1692 : f32 to vector<16xf32>
    %mul3A_1694 = arith.mulf %mul3A_1693, %exp3A_1691 : vector<16xf32>
    %add3A_1695 = arith.constant 0.100287139 : f32
    %add3A_1696 = vector.broadcast %add3A_1695 : f32 to vector<16xf32>
    %add3A_1697 = arith.addf %mul3A_1694, %add3A_1696 : vector<16xf32>
    %mul3A_1698 = arith.mulf %add3A_1697, %exp3A_1691 : vector<16xf32>
    %add3A_1699 = arith.constant -0.208669573 : f32
    %add3A_1700 = vector.broadcast %add3A_1699 : f32 to vector<16xf32>
    %add3A_1701 = arith.addf %mul3A_1698, %add3A_1700 : vector<16xf32>
    %mul3A_1702 = arith.mulf %add3A_1701, %exp3A_1691 : vector<16xf32>
    %add3A_1703 = arith.constant 0.32441175 : f32
    %add3A_1704 = vector.broadcast %add3A_1703 : f32 to vector<16xf32>
    %add3A_1705 = arith.addf %mul3A_1702, %add3A_1704 : vector<16xf32>
    %mul3A_1706 = arith.mulf %add3A_1705, %exp3A_1691 : vector<16xf32>
    %add3A_1707 = arith.constant -0.499187827 : f32
    %add3A_1708 = vector.broadcast %add3A_1707 : f32 to vector<16xf32>
    %add3A_1709 = arith.addf %mul3A_1706, %add3A_1708 : vector<16xf32>
    %mul3A_1710 = arith.mulf %add3A_1709, %exp3A_1691 : vector<16xf32>
    %add3A_1711 = arith.constant 0.99998188 : f32
    %add3A_1712 = vector.broadcast %add3A_1711 : f32 to vector<16xf32>
    %add3A_1713 = arith.addf %mul3A_1710, %add3A_1712 : vector<16xf32>
    %max3A_1714 = arith.constant 0.000000e+00 : f32
    %max3A_1715 = vector.broadcast %max3A_1714 : f32 to vector<16xf32>
    %max3A_1716 = arith.maximumf %get3A_1686, %max3A_1715 : vector<16xf32>
    %mul3A_1717 = arith.mulf %exp3A_1691, %add3A_1713 : vector<16xf32>
    %add3A_1718 = arith.addf %max3A_1716, %mul3A_1717 : vector<16xf32>
    %mul3A_1719 = arith.mulf %add3A_1683, %add3A_1718 : vector<16xf32>
    %mul3A_1720 = arith.mulf %get3A_1648, %mul3A_1719 : vector<16xf32>
    %swap3A_1721 = arith.constant 256 : index
    %swap3A_1722 = tpu.vector_load %arg13[%swap3A_1721] {strides = array<i32>} : memref<512xf32, #tpu.memory_space<vmem>>, vector<16xf32>,
    %swap3A_1723 = vector.shape_cast %swap3A_1722 : vector<16xf32> to vector<16xf32>
    %swap3A_1724 = vector.shape_cast %mul3A_1720 : vector<16xf32> to vector<16xf32>
    tpu.vector_store %arg13[%swap3A_1721], %swap3A_1724 {strides = array<i32>} : memref<512xf32, #tpu.memory_space<vmem>>, vector<16xf32>,
    %get3A_1725 = arith.constant 272 : index
    %get3A_1726 = tpu.vector_load %arg10[%get3A_1725] {strides = array<i32>} : memref<512xf32, #tpu.memory_space<vmem>>, vector<16xf32>,
    %get3A_1727 = vector.shape_cast %get3A_1726 : vector<16xf32> to vector<16xf32>
    %get3A_1728 = arith.constant 272 : index
    %get3A_1729 = tpu.vector_load %arg11[%get3A_1728] {strides = array<i32>} : memref<512xf32, #tpu.memory_space<vmem>>, vector<16xf32>,
    %get3A_1730 = vector.shape_cast %get3A_1729 : vector<16xf32> to vector<16xf32>
    %abs3A_1731 = math.absf %get3A_1730 : vector<16xf32>
    %neg3A_1732 = arith.constant 0.000000e+00 : f32
    %neg3A_1733 = vector.broadcast %neg3A_1732 : f32 to vector<16xf32>
    %neg3A_1734 = arith.subf %neg3A_1733, %abs3A_1731 : vector<16xf32>
    %exp3A_1735 = math.exp %neg3A_1734 : vector<16xf32>
    %mul3A_1736 = arith.constant -0.0236892365 : f32
    %mul3A_1737 = vector.broadcast %mul3A_1736 : f32 to vector<16xf32>
    %mul3A_1738 = arith.mulf %mul3A_1737, %exp3A_1735 : vector<16xf32>
    %add3A_1739 = arith.constant 0.100287139 : f32
    %add3A_1740 = vector.broadcast %add3A_1739 : f32 to vector<16xf32>
    %add3A_1741 = arith.addf %mul3A_1738, %add3A_1740 : vector<16xf32>
    %mul3A_1742 = arith.mulf %add3A_1741, %exp3A_1735 : vector<16xf32>
    %add3A_1743 = arith.constant -0.208669573 : f32
    %add3A_1744 = vector.broadcast %add3A_1743 : f32 to vector<16xf32>
    %add3A_1745 = arith.addf %mul3A_1742, %add3A_1744 : vector<16xf32>
    %mul3A_1746 = arith.mulf %add3A_1745, %exp3A_1735 : vector<16xf32>
    %add3A_1747 = arith.constant 0.32441175 : f32
    %add3A_1748 = vector.broadcast %add3A_1747 : f32 to vector<16xf32>
    %add3A_1749 = arith.addf %mul3A_1746, %add3A_1748 : vector<16xf32>
    %mul3A_1750 = arith.mulf %add3A_1749, %exp3A_1735 : vector<16xf32>
    %add3A_1751 = arith.constant -0.499187827 : f32
    %add3A_1752 = vector.broadcast %add3A_1751 : f32 to vector<16xf32>
    %add3A_1753 = arith.addf %mul3A_1750, %add3A_1752 : vector<16xf32>
    %mul3A_1754 = arith.mulf %add3A_1753, %exp3A_1735 : vector<16xf32>
    %add3A_1755 = arith.constant 0.99998188 : f32
    %add3A_1756 = vector.broadcast %add3A_1755 : f32 to vector<16xf32>
    %add3A_1757 = arith.addf %mul3A_1754, %add3A_1756 : vector<16xf32>
    %max3A_1758 = arith.constant 0.000000e+00 : f32
    %max3A_1759 = vector.broadcast %max3A_1758 : f32 to vector<16xf32>
    %max3A_1760 = arith.maximumf %get3A_1730, %max3A_1759 : vector<16xf32>
    %mul3A_1761 = arith.mulf %exp3A_1735, %add3A_1757 : vector<16xf32>
    %add3A_1762 = arith.addf %max3A_1760, %mul3A_1761 : vector<16xf32>
    %get3A_1763 = arith.constant 272 : index
    %get3A_1764 = tpu.vector_load %arg12[%get3A_1763] {strides = array<i32>} : memref<512xf32, #tpu.memory_space<vmem>>, vector<16xf32>,
    %get3A_1765 = vector.shape_cast %get3A_1764 : vector<16xf32> to vector<16xf32>
    %abs3A_1766 = math.absf %get3A_1765 : vector<16xf32>
    %neg3A_1767 = arith.constant 0.000000e+00 : f32
    %neg3A_1768 = vector.broadcast %neg3A_1767 : f32 to vector<16xf32>
    %neg3A_1769 = arith.subf %neg3A_1768, %abs3A_1766 : vector<16xf32>
    %exp3A_1770 = math.exp %neg3A_1769 : vector<16xf32>
    %mul3A_1771 = arith.constant -0.0236892365 : f32
    %mul3A_1772 = vector.broadcast %mul3A_1771 : f32 to vector<16xf32>
    %mul3A_1773 = arith.mulf %mul3A_1772, %exp3A_1770 : vector<16xf32>
    %add3A_1774 = arith.constant 0.100287139 : f32
    %add3A_1775 = vector.broadcast %add3A_1774 : f32 to vector<16xf32>
    %add3A_1776 = arith.addf %mul3A_1773, %add3A_1775 : vector<16xf32>
    %mul3A_1777 = arith.mulf %add3A_1776, %exp3A_1770 : vector<16xf32>
    %add3A_1778 = arith.constant -0.208669573 : f32
    %add3A_1779 = vector.broadcast %add3A_1778 : f32 to vector<16xf32>
    %add3A_1780 = arith.addf %mul3A_1777, %add3A_1779 : vector<16xf32>
    %mul3A_1781 = arith.mulf %add3A_1780, %exp3A_1770 : vector<16xf32>
    %add3A_1782 = arith.constant 0.32441175 : f32
    %add3A_1783 = vector.broadcast %add3A_1782 : f32 to vector<16xf32>
    %add3A_1784 = arith.addf %mul3A_1781, %add3A_1783 : vector<16xf32>
    %mul3A_1785 = arith.mulf %add3A_1784, %exp3A_1770 : vector<16xf32>
    %add3A_1786 = arith.constant -0.499187827 : f32
    %add3A_1787 = vector.broadcast %add3A_1786 : f32 to vector<16xf32>
    %add3A_1788 = arith.addf %mul3A_1785, %add3A_1787 : vector<16xf32>
    %mul3A_1789 = arith.mulf %add3A_1788, %exp3A_1770 : vector<16xf32>
    %add3A_1790 = arith.constant 0.99998188 : f32
    %add3A_1791 = vector.broadcast %add3A_1790 : f32 to vector<16xf32>
    %add3A_1792 = arith.addf %mul3A_1789, %add3A_1791 : vector<16xf32>
    %max3A_1793 = arith.constant 0.000000e+00 : f32
    %max3A_1794 = vector.broadcast %max3A_1793 : f32 to vector<16xf32>
    %max3A_1795 = arith.maximumf %get3A_1765, %max3A_1794 : vector<16xf32>
    %mul3A_1796 = arith.mulf %exp3A_1770, %add3A_1792 : vector<16xf32>
    %add3A_1797 = arith.addf %max3A_1795, %mul3A_1796 : vector<16xf32>
    %mul3A_1798 = arith.mulf %add3A_1762, %add3A_1797 : vector<16xf32>
    %mul3A_1799 = arith.mulf %get3A_1727, %mul3A_1798 : vector<16xf32>
    %swap3A_1800 = arith.constant 272 : index
    %swap3A_1801 = tpu.vector_load %arg13[%swap3A_1800] {strides = array<i32>} : memref<512xf32, #tpu.memory_space<vmem>>, vector<16xf32>,
    %swap3A_1802 = vector.shape_cast %swap3A_1801 : vector<16xf32> to vector<16xf32>
    %swap3A_1803 = vector.shape_cast %mul3A_1799 : vector<16xf32> to vector<16xf32>
    tpu.vector_store %arg13[%swap3A_1800], %swap3A_1803 {strides = array<i32>} : memref<512xf32, #tpu.memory_space<vmem>>, vector<16xf32>,
    %get3A_1804 = arith.constant 288 : index
    %get3A_1805 = tpu.vector_load %arg10[%get3A_1804] {strides = array<i32>} : memref<512xf32, #tpu.memory_space<vmem>>, vector<16xf32>,
    %get3A_1806 = vector.shape_cast %get3A_1805 : vector<16xf32> to vector<16xf32>
    %get3A_1807 = arith.constant 288 : index
    %get3A_1808 = tpu.vector_load %arg11[%get3A_1807] {strides = array<i32>} : memref<512xf32, #tpu.memory_space<vmem>>, vector<16xf32>,
    %get3A_1809 = vector.shape_cast %get3A_1808 : vector<16xf32> to vector<16xf32>
    %abs3A_1810 = math.absf %get3A_1809 : vector<16xf32>
    %neg3A_1811 = arith.constant 0.000000e+00 : f32
    %neg3A_1812 = vector.broadcast %neg3A_1811 : f32 to vector<16xf32>
    %neg3A_1813 = arith.subf %neg3A_1812, %abs3A_1810 : vector<16xf32>
    %exp3A_1814 = math.exp %neg3A_1813 : vector<16xf32>
    %mul3A_1815 = arith.constant -0.0236892365 : f32
    %mul3A_1816 = vector.broadcast %mul3A_1815 : f32 to vector<16xf32>
    %mul3A_1817 = arith.mulf %mul3A_1816, %exp3A_1814 : vector<16xf32>
    %add3A_1818 = arith.constant 0.100287139 : f32
    %add3A_1819 = vector.broadcast %add3A_1818 : f32 to vector<16xf32>
    %add3A_1820 = arith.addf %mul3A_1817, %add3A_1819 : vector<16xf32>
    %mul3A_1821 = arith.mulf %add3A_1820, %exp3A_1814 : vector<16xf32>
    %add3A_1822 = arith.constant -0.208669573 : f32
    %add3A_1823 = vector.broadcast %add3A_1822 : f32 to vector<16xf32>
    %add3A_1824 = arith.addf %mul3A_1821, %add3A_1823 : vector<16xf32>
    %mul3A_1825 = arith.mulf %add3A_1824, %exp3A_1814 : vector<16xf32>
    %add3A_1826 = arith.constant 0.32441175 : f32
    %add3A_1827 = vector.broadcast %add3A_1826 : f32 to vector<16xf32>
    %add3A_1828 = arith.addf %mul3A_1825, %add3A_1827 : vector<16xf32>
    %mul3A_1829 = arith.mulf %add3A_1828, %exp3A_1814 : vector<16xf32>
    %add3A_1830 = arith.constant -0.499187827 : f32
    %add3A_1831 = vector.broadcast %add3A_1830 : f32 to vector<16xf32>
    %add3A_1832 = arith.addf %mul3A_1829, %add3A_1831 : vector<16xf32>
    %mul3A_1833 = arith.mulf %add3A_1832, %exp3A_1814 : vector<16xf32>
    %add3A_1834 = arith.constant 0.99998188 : f32
    %add3A_1835 = vector.broadcast %add3A_1834 : f32 to vector<16xf32>
    %add3A_1836 = arith.addf %mul3A_1833, %add3A_1835 : vector<16xf32>
    %max3A_1837 = arith.constant 0.000000e+00 : f32
    %max3A_1838 = vector.broadcast %max3A_1837 : f32 to vector<16xf32>
    %max3A_1839 = arith.maximumf %get3A_1809, %max3A_1838 : vector<16xf32>
    %mul3A_1840 = arith.mulf %exp3A_1814, %add3A_1836 : vector<16xf32>
    %add3A_1841 = arith.addf %max3A_1839, %mul3A_1840 : vector<16xf32>
    %get3A_1842 = arith.constant 288 : index
    %get3A_1843 = tpu.vector_load %arg12[%get3A_1842] {strides = array<i32>} : memref<512xf32, #tpu.memory_space<vmem>>, vector<16xf32>,
    %get3A_1844 = vector.shape_cast %get3A_1843 : vector<16xf32> to vector<16xf32>
    %abs3A_1845 = math.absf %get3A_1844 : vector<16xf32>
    %neg3A_1846 = arith.constant 0.000000e+00 : f32
    %neg3A_1847 = vector.broadcast %neg3A_1846 : f32 to vector<16xf32>
    %neg3A_1848 = arith.subf %neg3A_1847, %abs3A_1845 : vector<16xf32>
    %exp3A_1849 = math.exp %neg3A_1848 : vector<16xf32>
    %mul3A_1850 = arith.constant -0.0236892365 : f32
    %mul3A_1851 = vector.broadcast %mul3A_1850 : f32 to vector<16xf32>
    %mul3A_1852 = arith.mulf %mul3A_1851, %exp3A_1849 : vector<16xf32>
    %add3A_1853 = arith.constant 0.100287139 : f32
    %add3A_1854 = vector.broadcast %add3A_1853 : f32 to vector<16xf32>
    %add3A_1855 = arith.addf %mul3A_1852, %add3A_1854 : vector<16xf32>
    %mul3A_1856 = arith.mulf %add3A_1855, %exp3A_1849 : vector<16xf32>
    %add3A_1857 = arith.constant -0.208669573 : f32
    %add3A_1858 = vector.broadcast %add3A_1857 : f32 to vector<16xf32>
    %add3A_1859 = arith.addf %mul3A_1856, %add3A_1858 : vector<16xf32>
    %mul3A_1860 = arith.mulf %add3A_1859, %exp3A_1849 : vector<16xf32>
    %add3A_1861 = arith.constant 0.32441175 : f32
    %add3A_1862 = vector.broadcast %add3A_1861 : f32 to vector<16xf32>
    %add3A_1863 = arith.addf %mul3A_1860, %add3A_1862 : vector<16xf32>
    %mul3A_1864 = arith.mulf %add3A_1863, %exp3A_1849 : vector<16xf32>
    %add3A_1865 = arith.constant -0.499187827 : f32
    %add3A_1866 = vector.broadcast %add3A_1865 : f32 to vector<16xf32>
    %add3A_1867 = arith.addf %mul3A_1864, %add3A_1866 : vector<16xf32>
    %mul3A_1868 = arith.mulf %add3A_1867, %exp3A_1849 : vector<16xf32>
    %add3A_1869 = arith.constant 0.99998188 : f32
    %add3A_1870 = vector.broadcast %add3A_1869 : f32 to vector<16xf32>
    %add3A_1871 = arith.addf %mul3A_1868, %add3A_1870 : vector<16xf32>
    %max3A_1872 = arith.constant 0.000000e+00 : f32
    %max3A_1873 = vector.broadcast %max3A_1872 : f32 to vector<16xf32>
    %max3A_1874 = arith.maximumf %get3A_1844, %max3A_1873 : vector<16xf32>
    %mul3A_1875 = arith.mulf %exp3A_1849, %add3A_1871 : vector<16xf32>
    %add3A_1876 = arith.addf %max3A_1874, %mul3A_1875 : vector<16xf32>
    %mul3A_1877 = arith.mulf %add3A_1841, %add3A_1876 : vector<16xf32>
    %mul3A_1878 = arith.mulf %get3A_1806, %mul3A_1877 : vector<16xf32>
    %swap3A_1879 = arith.constant 288 : index
    %swap3A_1880 = tpu.vector_load %arg13[%swap3A_1879] {strides = array<i32>} : memref<512xf32, #tpu.memory_space<vmem>>, vector<16xf32>,
    %swap3A_1881 = vector.shape_cast %swap3A_1880 : vector<16xf32> to vector<16xf32>
    %swap3A_1882 = vector.shape_cast %mul3A_1878 : vector<16xf32> to vector<16xf32>
    tpu.vector_store %arg13[%swap3A_1879], %swap3A_1882 {strides = array<i32>} : memref<512xf32, #tpu.memory_space<vmem>>, vector<16xf32>,
    %get3A_1883 = arith.constant 304 : index
    %get3A_1884 = tpu.vector_load %arg10[%get3A_1883] {strides = array<i32>} : memref<512xf32, #tpu.memory_space<vmem>>, vector<16xf32>,
    %get3A_1885 = vector.shape_cast %get3A_1884 : vector<16xf32> to vector<16xf32>
    %get3A_1886 = arith.constant 304 : index
    %get3A_1887 = tpu.vector_load %arg11[%get3A_1886] {strides = array<i32>} : memref<512xf32, #tpu.memory_space<vmem>>, vector<16xf32>,
    %get3A_1888 = vector.shape_cast %get3A_1887 : vector<16xf32> to vector<16xf32>
    %abs3A_1889 = math.absf %get3A_1888 : vector<16xf32>
    %neg3A_1890 = arith.constant 0.000000e+00 : f32
    %neg3A_1891 = vector.broadcast %neg3A_1890 : f32 to vector<16xf32>
    %neg3A_1892 = arith.subf %neg3A_1891, %abs3A_1889 : vector<16xf32>
    %exp3A_1893 = math.exp %neg3A_1892 : vector<16xf32>
    %mul3A_1894 = arith.constant -0.0236892365 : f32
    %mul3A_1895 = vector.broadcast %mul3A_1894 : f32 to vector<16xf32>
    %mul3A_1896 = arith.mulf %mul3A_1895, %exp3A_1893 : vector<16xf32>
    %add3A_1897 = arith.constant 0.100287139 : f32
    %add3A_1898 = vector.broadcast %add3A_1897 : f32 to vector<16xf32>
    %add3A_1899 = arith.addf %mul3A_1896, %add3A_1898 : vector<16xf32>
    %mul3A_1900 = arith.mulf %add3A_1899, %exp3A_1893 : vector<16xf32>
    %add3A_1901 = arith.constant -0.208669573 : f32
    %add3A_1902 = vector.broadcast %add3A_1901 : f32 to vector<16xf32>
    %add3A_1903 = arith.addf %mul3A_1900, %add3A_1902 : vector<16xf32>
    %mul3A_1904 = arith.mulf %add3A_1903, %exp3A_1893 : vector<16xf32>
    %add3A_1905 = arith.constant 0.32441175 : f32
    %add3A_1906 = vector.broadcast %add3A_1905 : f32 to vector<16xf32>
    %add3A_1907 = arith.addf %mul3A_1904, %add3A_1906 : vector<16xf32>
    %mul3A_1908 = arith.mulf %add3A_1907, %exp3A_1893 : vector<16xf32>
    %add3A_1909 = arith.constant -0.499187827 : f32
    %add3A_1910 = vector.broadcast %add3A_1909 : f32 to vector<16xf32>
    %add3A_1911 = arith.addf %mul3A_1908, %add3A_1910 : vector<16xf32>
    %mul3A_1912 = arith.mulf %add3A_1911, %exp3A_1893 : vector<16xf32>
    %add3A_1913 = arith.constant 0.99998188 : f32
    %add3A_1914 = vector.broadcast %add3A_1913 : f32 to vector<16xf32>
    %add3A_1915 = arith.addf %mul3A_1912, %add3A_1914 : vector<16xf32>
    %max3A_1916 = arith.constant 0.000000e+00 : f32
    %max3A_1917 = vector.broadcast %max3A_1916 : f32 to vector<16xf32>
    %max3A_1918 = arith.maximumf %get3A_1888, %max3A_1917 : vector<16xf32>
    %mul3A_1919 = arith.mulf %exp3A_1893, %add3A_1915 : vector<16xf32>
    %add3A_1920 = arith.addf %max3A_1918, %mul3A_1919 : vector<16xf32>
    %get3A_1921 = arith.constant 304 : index
    %get3A_1922 = tpu.vector_load %arg12[%get3A_1921] {strides = array<i32>} : memref<512xf32, #tpu.memory_space<vmem>>, vector<16xf32>,
    %get3A_1923 = vector.shape_cast %get3A_1922 : vector<16xf32> to vector<16xf32>
    %abs3A_1924 = math.absf %get3A_1923 : vector<16xf32>
    %neg3A_1925 = arith.constant 0.000000e+00 : f32
    %neg3A_1926 = vector.broadcast %neg3A_1925 : f32 to vector<16xf32>
    %neg3A_1927 = arith.subf %neg3A_1926, %abs3A_1924 : vector<16xf32>
    %exp3A_1928 = math.exp %neg3A_1927 : vector<16xf32>
    %mul3A_1929 = arith.constant -0.0236892365 : f32
    %mul3A_1930 = vector.broadcast %mul3A_1929 : f32 to vector<16xf32>
    %mul3A_1931 = arith.mulf %mul3A_1930, %exp3A_1928 : vector<16xf32>
    %add3A_1932 = arith.constant 0.100287139 : f32
    %add3A_1933 = vector.broadcast %add3A_1932 : f32 to vector<16xf32>
    %add3A_1934 = arith.addf %mul3A_1931, %add3A_1933 : vector<16xf32>
    %mul3A_1935 = arith.mulf %add3A_1934, %exp3A_1928 : vector<16xf32>
    %add3A_1936 = arith.constant -0.208669573 : f32
    %add3A_1937 = vector.broadcast %add3A_1936 : f32 to vector<16xf32>
    %add3A_1938 = arith.addf %mul3A_1935, %add3A_1937 : vector<16xf32>
    %mul3A_1939 = arith.mulf %add3A_1938, %exp3A_1928 : vector<16xf32>
    %add3A_1940 = arith.constant 0.32441175 : f32
    %add3A_1941 = vector.broadcast %add3A_1940 : f32 to vector<16xf32>
    %add3A_1942 = arith.addf %mul3A_1939, %add3A_1941 : vector<16xf32>
    %mul3A_1943 = arith.mulf %add3A_1942, %exp3A_1928 : vector<16xf32>
    %add3A_1944 = arith.constant -0.499187827 : f32
    %add3A_1945 = vector.broadcast %add3A_1944 : f32 to vector<16xf32>
    %add3A_1946 = arith.addf %mul3A_1943, %add3A_1945 : vector<16xf32>
    %mul3A_1947 = arith.mulf %add3A_1946, %exp3A_1928 : vector<16xf32>
    %add3A_1948 = arith.constant 0.99998188 : f32
    %add3A_1949 = vector.broadcast %add3A_1948 : f32 to vector<16xf32>
    %add3A_1950 = arith.addf %mul3A_1947, %add3A_1949 : vector<16xf32>
    %max3A_1951 = arith.constant 0.000000e+00 : f32
    %max3A_1952 = vector.broadcast %max3A_1951 : f32 to vector<16xf32>
    %max3A_1953 = arith.maximumf %get3A_1923, %max3A_1952 : vector<16xf32>
    %mul3A_1954 = arith.mulf %exp3A_1928, %add3A_1950 : vector<16xf32>
    %add3A_1955 = arith.addf %max3A_1953, %mul3A_1954 : vector<16xf32>
    %mul3A_1956 = arith.mulf %add3A_1920, %add3A_1955 : vector<16xf32>
    %mul3A_1957 = arith.mulf %get3A_1885, %mul3A_1956 : vector<16xf32>
    %swap3A_1958 = arith.constant 304 : index
    %swap3A_1959 = tpu.vector_load %arg13[%swap3A_1958] {strides = array<i32>} : memref<512xf32, #tpu.memory_space<vmem>>, vector<16xf32>,
    %swap3A_1960 = vector.shape_cast %swap3A_1959 : vector<16xf32> to vector<16xf32>
    %swap3A_1961 = vector.shape_cast %mul3A_1957 : vector<16xf32> to vector<16xf32>
    tpu.vector_store %arg13[%swap3A_1958], %swap3A_1961 {strides = array<i32>} : memref<512xf32, #tpu.memory_space<vmem>>, vector<16xf32>,
    %get3A_1962 = arith.constant 320 : index
    %get3A_1963 = tpu.vector_load %arg10[%get3A_1962] {strides = array<i32>} : memref<512xf32, #tpu.memory_space<vmem>>, vector<16xf32>,
    %get3A_1964 = vector.shape_cast %get3A_1963 : vector<16xf32> to vector<16xf32>
    %get3A_1965 = arith.constant 320 : index
    %get3A_1966 = tpu.vector_load %arg11[%get3A_1965] {strides = array<i32>} : memref<512xf32, #tpu.memory_space<vmem>>, vector<16xf32>,
    %get3A_1967 = vector.shape_cast %get3A_1966 : vector<16xf32> to vector<16xf32>
    %abs3A_1968 = math.absf %get3A_1967 : vector<16xf32>
    %neg3A_1969 = arith.constant 0.000000e+00 : f32
    %neg3A_1970 = vector.broadcast %neg3A_1969 : f32 to vector<16xf32>
    %neg3A_1971 = arith.subf %neg3A_1970, %abs3A_1968 : vector<16xf32>
    %exp3A_1972 = math.exp %neg3A_1971 : vector<16xf32>
    %mul3A_1973 = arith.constant -0.0236892365 : f32
    %mul3A_1974 = vector.broadcast %mul3A_1973 : f32 to vector<16xf32>
    %mul3A_1975 = arith.mulf %mul3A_1974, %exp3A_1972 : vector<16xf32>
    %add3A_1976 = arith.constant 0.100287139 : f32
    %add3A_1977 = vector.broadcast %add3A_1976 : f32 to vector<16xf32>
    %add3A_1978 = arith.addf %mul3A_1975, %add3A_1977 : vector<16xf32>
    %mul3A_1979 = arith.mulf %add3A_1978, %exp3A_1972 : vector<16xf32>
    %add3A_1980 = arith.constant -0.208669573 : f32
    %add3A_1981 = vector.broadcast %add3A_1980 : f32 to vector<16xf32>
    %add3A_1982 = arith.addf %mul3A_1979, %add3A_1981 : vector<16xf32>
    %mul3A_1983 = arith.mulf %add3A_1982, %exp3A_1972 : vector<16xf32>
    %add3A_1984 = arith.constant 0.32441175 : f32
    %add3A_1985 = vector.broadcast %add3A_1984 : f32 to vector<16xf32>
    %add3A_1986 = arith.addf %mul3A_1983, %add3A_1985 : vector<16xf32>
    %mul3A_1987 = arith.mulf %add3A_1986, %exp3A_1972 : vector<16xf32>
    %add3A_1988 = arith.constant -0.499187827 : f32
    %add3A_1989 = vector.broadcast %add3A_1988 : f32 to vector<16xf32>
    %add3A_1990 = arith.addf %mul3A_1987, %add3A_1989 : vector<16xf32>
    %mul3A_1991 = arith.mulf %add3A_1990, %exp3A_1972 : vector<16xf32>
    %add3A_1992 = arith.constant 0.99998188 : f32
    %add3A_1993 = vector.broadcast %add3A_1992 : f32 to vector<16xf32>
    %add3A_1994 = arith.addf %mul3A_1991, %add3A_1993 : vector<16xf32>
    %max3A_1995 = arith.constant 0.000000e+00 : f32
    %max3A_1996 = vector.broadcast %max3A_1995 : f32 to vector<16xf32>
    %max3A_1997 = arith.maximumf %get3A_1967, %max3A_1996 : vector<16xf32>
    %mul3A_1998 = arith.mulf %exp3A_1972, %add3A_1994 : vector<16xf32>
    %add3A_1999 = arith.addf %max3A_1997, %mul3A_1998 : vector<16xf32>
    %get3A_2000 = arith.constant 320 : index
    %get3A_2001 = tpu.vector_load %arg12[%get3A_2000] {strides = array<i32>} : memref<512xf32, #tpu.memory_space<vmem>>, vector<16xf32>,
    %get3A_2002 = vector.shape_cast %get3A_2001 : vector<16xf32> to vector<16xf32>
    %abs3A_2003 = math.absf %get3A_2002 : vector<16xf32>
    %neg3A_2004 = arith.constant 0.000000e+00 : f32
    %neg3A_2005 = vector.broadcast %neg3A_2004 : f32 to vector<16xf32>
    %neg3A_2006 = arith.subf %neg3A_2005, %abs3A_2003 : vector<16xf32>
    %exp3A_2007 = math.exp %neg3A_2006 : vector<16xf32>
    %mul3A_2008 = arith.constant -0.0236892365 : f32
    %mul3A_2009 = vector.broadcast %mul3A_2008 : f32 to vector<16xf32>
    %mul3A_2010 = arith.mulf %mul3A_2009, %exp3A_2007 : vector<16xf32>
    %add3A_2011 = arith.constant 0.100287139 : f32
    %add3A_2012 = vector.broadcast %add3A_2011 : f32 to vector<16xf32>
    %add3A_2013 = arith.addf %mul3A_2010, %add3A_2012 : vector<16xf32>
    %mul3A_2014 = arith.mulf %add3A_2013, %exp3A_2007 : vector<16xf32>
    %add3A_2015 = arith.constant -0.208669573 : f32
    %add3A_2016 = vector.broadcast %add3A_2015 : f32 to vector<16xf32>
    %add3A_2017 = arith.addf %mul3A_2014, %add3A_2016 : vector<16xf32>
    %mul3A_2018 = arith.mulf %add3A_2017, %exp3A_2007 : vector<16xf32>
    %add3A_2019 = arith.constant 0.32441175 : f32
    %add3A_2020 = vector.broadcast %add3A_2019 : f32 to vector<16xf32>
    %add3A_2021 = arith.addf %mul3A_2018, %add3A_2020 : vector<16xf32>
    %mul3A_2022 = arith.mulf %add3A_2021, %exp3A_2007 : vector<16xf32>
    %add3A_2023 = arith.constant -0.499187827 : f32
    %add3A_2024 = vector.broadcast %add3A_2023 : f32 to vector<16xf32>
    %add3A_2025 = arith.addf %mul3A_2022, %add3A_2024 : vector<16xf32>
    %mul3A_2026 = arith.mulf %add3A_2025, %exp3A_2007 : vector<16xf32>
    %add3A_2027 = arith.constant 0.99998188 : f32
    %add3A_2028 = vector.broadcast %add3A_2027 : f32 to vector<16xf32>
    %add3A_2029 = arith.addf %mul3A_2026, %add3A_2028 : vector<16xf32>
    %max3A_2030 = arith.constant 0.000000e+00 : f32
    %max3A_2031 = vector.broadcast %max3A_2030 : f32 to vector<16xf32>
    %max3A_2032 = arith.maximumf %get3A_2002, %max3A_2031 : vector<16xf32>
    %mul3A_2033 = arith.mulf %exp3A_2007, %add3A_2029 : vector<16xf32>
    %add3A_2034 = arith.addf %max3A_2032, %mul3A_2033 : vector<16xf32>
    %mul3A_2035 = arith.mulf %add3A_1999, %add3A_2034 : vector<16xf32>
    %mul3A_2036 = arith.mulf %get3A_1964, %mul3A_2035 : vector<16xf32>
    %swap3A_2037 = arith.constant 320 : index
    %swap3A_2038 = tpu.vector_load %arg13[%swap3A_2037] {strides = array<i32>} : memref<512xf32, #tpu.memory_space<vmem>>, vector<16xf32>,
    %swap3A_2039 = vector.shape_cast %swap3A_2038 : vector<16xf32> to vector<16xf32>
    %swap3A_2040 = vector.shape_cast %mul3A_2036 : vector<16xf32> to vector<16xf32>
    tpu.vector_store %arg13[%swap3A_2037], %swap3A_2040 {strides = array<i32>} : memref<512xf32, #tpu.memory_space<vmem>>, vector<16xf32>,
    %get3A_2041 = arith.constant 336 : index
    %get3A_2042 = tpu.vector_load %arg10[%get3A_2041] {strides = array<i32>} : memref<512xf32, #tpu.memory_space<vmem>>, vector<16xf32>,
    %get3A_2043 = vector.shape_cast %get3A_2042 : vector<16xf32> to vector<16xf32>
    %get3A_2044 = arith.constant 336 : index
    %get3A_2045 = tpu.vector_load %arg11[%get3A_2044] {strides = array<i32>} : memref<512xf32, #tpu.memory_space<vmem>>, vector<16xf32>,
    %get3A_2046 = vector.shape_cast %get3A_2045 : vector<16xf32> to vector<16xf32>
    %abs3A_2047 = math.absf %get3A_2046 : vector<16xf32>
    %neg3A_2048 = arith.constant 0.000000e+00 : f32
    %neg3A_2049 = vector.broadcast %neg3A_2048 : f32 to vector<16xf32>
    %neg3A_2050 = arith.subf %neg3A_2049, %abs3A_2047 : vector<16xf32>
    %exp3A_2051 = math.exp %neg3A_2050 : vector<16xf32>
    %mul3A_2052 = arith.constant -0.0236892365 : f32
    %mul3A_2053 = vector.broadcast %mul3A_2052 : f32 to vector<16xf32>
    %mul3A_2054 = arith.mulf %mul3A_2053, %exp3A_2051 : vector<16xf32>
    %add3A_2055 = arith.constant 0.100287139 : f32
    %add3A_2056 = vector.broadcast %add3A_2055 : f32 to vector<16xf32>
    %add3A_2057 = arith.addf %mul3A_2054, %add3A_2056 : vector<16xf32>
    %mul3A_2058 = arith.mulf %add3A_2057, %exp3A_2051 : vector<16xf32>
    %add3A_2059 = arith.constant -0.208669573 : f32
    %add3A_2060 = vector.broadcast %add3A_2059 : f32 to vector<16xf32>
    %add3A_2061 = arith.addf %mul3A_2058, %add3A_2060 : vector<16xf32>
    %mul3A_2062 = arith.mulf %add3A_2061, %exp3A_2051 : vector<16xf32>
    %add3A_2063 = arith.constant 0.32441175 : f32
    %add3A_2064 = vector.broadcast %add3A_2063 : f32 to vector<16xf32>
    %add3A_2065 = arith.addf %mul3A_2062, %add3A_2064 : vector<16xf32>
    %mul3A_2066 = arith.mulf %add3A_2065, %exp3A_2051 : vector<16xf32>
    %add3A_2067 = arith.constant -0.499187827 : f32
    %add3A_2068 = vector.broadcast %add3A_2067 : f32 to vector<16xf32>
    %add3A_2069 = arith.addf %mul3A_2066, %add3A_2068 : vector<16xf32>
    %mul3A_2070 = arith.mulf %add3A_2069, %exp3A_2051 : vector<16xf32>
    %add3A_2071 = arith.constant 0.99998188 : f32
    %add3A_2072 = vector.broadcast %add3A_2071 : f32 to vector<16xf32>
    %add3A_2073 = arith.addf %mul3A_2070, %add3A_2072 : vector<16xf32>
    %max3A_2074 = arith.constant 0.000000e+00 : f32
    %max3A_2075 = vector.broadcast %max3A_2074 : f32 to vector<16xf32>
    %max3A_2076 = arith.maximumf %get3A_2046, %max3A_2075 : vector<16xf32>
    %mul3A_2077 = arith.mulf %exp3A_2051, %add3A_2073 : vector<16xf32>
    %add3A_2078 = arith.addf %max3A_2076, %mul3A_2077 : vector<16xf32>
    %get3A_2079 = arith.constant 336 : index
    %get3A_2080 = tpu.vector_load %arg12[%get3A_2079] {strides = array<i32>} : memref<512xf32, #tpu.memory_space<vmem>>, vector<16xf32>,
    %get3A_2081 = vector.shape_cast %get3A_2080 : vector<16xf32> to vector<16xf32>
    %abs3A_2082 = math.absf %get3A_2081 : vector<16xf32>
    %neg3A_2083 = arith.constant 0.000000e+00 : f32
    %neg3A_2084 = vector.broadcast %neg3A_2083 : f32 to vector<16xf32>
    %neg3A_2085 = arith.subf %neg3A_2084, %abs3A_2082 : vector<16xf32>
    %exp3A_2086 = math.exp %neg3A_2085 : vector<16xf32>
    %mul3A_2087 = arith.constant -0.0236892365 : f32
    %mul3A_2088 = vector.broadcast %mul3A_2087 : f32 to vector<16xf32>
    %mul3A_2089 = arith.mulf %mul3A_2088, %exp3A_2086 : vector<16xf32>
    %add3A_2090 = arith.constant 0.100287139 : f32
    %add3A_2091 = vector.broadcast %add3A_2090 : f32 to vector<16xf32>
    %add3A_2092 = arith.addf %mul3A_2089, %add3A_2091 : vector<16xf32>
    %mul3A_2093 = arith.mulf %add3A_2092, %exp3A_2086 : vector<16xf32>
    %add3A_2094 = arith.constant -0.208669573 : f32
    %add3A_2095 = vector.broadcast %add3A_2094 : f32 to vector<16xf32>
    %add3A_2096 = arith.addf %mul3A_2093, %add3A_2095 : vector<16xf32>
    %mul3A_2097 = arith.mulf %add3A_2096, %exp3A_2086 : vector<16xf32>
    %add3A_2098 = arith.constant 0.32441175 : f32
    %add3A_2099 = vector.broadcast %add3A_2098 : f32 to vector<16xf32>
    %add3A_2100 = arith.addf %mul3A_2097, %add3A_2099 : vector<16xf32>
    %mul3A_2101 = arith.mulf %add3A_2100, %exp3A_2086 : vector<16xf32>
    %add3A_2102 = arith.constant -0.499187827 : f32
    %add3A_2103 = vector.broadcast %add3A_2102 : f32 to vector<16xf32>
    %add3A_2104 = arith.addf %mul3A_2101, %add3A_2103 : vector<16xf32>
    %mul3A_2105 = arith.mulf %add3A_2104, %exp3A_2086 : vector<16xf32>
    %add3A_2106 = arith.constant 0.99998188 : f32
    %add3A_2107 = vector.broadcast %add3A_2106 : f32 to vector<16xf32>
    %add3A_2108 = arith.addf %mul3A_2105, %add3A_2107 : vector<16xf32>
    %max3A_2109 = arith.constant 0.000000e+00 : f32
    %max3A_2110 = vector.broadcast %max3A_2109 : f32 to vector<16xf32>
    %max3A_2111 = arith.maximumf %get3A_2081, %max3A_2110 : vector<16xf32>
    %mul3A_2112 = arith.mulf %exp3A_2086, %add3A_2108 : vector<16xf32>
    %add3A_2113 = arith.addf %max3A_2111, %mul3A_2112 : vector<16xf32>
    %mul3A_2114 = arith.mulf %add3A_2078, %add3A_2113 : vector<16xf32>
    %mul3A_2115 = arith.mulf %get3A_2043, %mul3A_2114 : vector<16xf32>
    %swap3A_2116 = arith.constant 336 : index
    %swap3A_2117 = tpu.vector_load %arg13[%swap3A_2116] {strides = array<i32>} : memref<512xf32, #tpu.memory_space<vmem>>, vector<16xf32>,
    %swap3A_2118 = vector.shape_cast %swap3A_2117 : vector<16xf32> to vector<16xf32>
    %swap3A_2119 = vector.shape_cast %mul3A_2115 : vector<16xf32> to vector<16xf32>
    tpu.vector_store %arg13[%swap3A_2116], %swap3A_2119 {strides = array<i32>} : memref<512xf32, #tpu.memory_space<vmem>>, vector<16xf32>,
    %get3A_2120 = arith.constant 352 : index
    %get3A_2121 = tpu.vector_load %arg10[%get3A_2120] {strides = array<i32>} : memref<512xf32, #tpu.memory_space<vmem>>, vector<16xf32>,
    %get3A_2122 = vector.shape_cast %get3A_2121 : vector<16xf32> to vector<16xf32>
    %get3A_2123 = arith.constant 352 : index
    %get3A_2124 = tpu.vector_load %arg11[%get3A_2123] {strides = array<i32>} : memref<512xf32, #tpu.memory_space<vmem>>, vector<16xf32>,
    %get3A_2125 = vector.shape_cast %get3A_2124 : vector<16xf32> to vector<16xf32>
    %abs3A_2126 = math.absf %get3A_2125 : vector<16xf32>
    %neg3A_2127 = arith.constant 0.000000e+00 : f32
    %neg3A_2128 = vector.broadcast %neg3A_2127 : f32 to vector<16xf32>
    %neg3A_2129 = arith.subf %neg3A_2128, %abs3A_2126 : vector<16xf32>
    %exp3A_2130 = math.exp %neg3A_2129 : vector<16xf32>
    %mul3A_2131 = arith.constant -0.0236892365 : f32
    %mul3A_2132 = vector.broadcast %mul3A_2131 : f32 to vector<16xf32>
    %mul3A_2133 = arith.mulf %mul3A_2132, %exp3A_2130 : vector<16xf32>
    %add3A_2134 = arith.constant 0.100287139 : f32
    %add3A_2135 = vector.broadcast %add3A_2134 : f32 to vector<16xf32>
    %add3A_2136 = arith.addf %mul3A_2133, %add3A_2135 : vector<16xf32>
    %mul3A_2137 = arith.mulf %add3A_2136, %exp3A_2130 : vector<16xf32>
    %add3A_2138 = arith.constant -0.208669573 : f32
    %add3A_2139 = vector.broadcast %add3A_2138 : f32 to vector<16xf32>
    %add3A_2140 = arith.addf %mul3A_2137, %add3A_2139 : vector<16xf32>
    %mul3A_2141 = arith.mulf %add3A_2140, %exp3A_2130 : vector<16xf32>
    %add3A_2142 = arith.constant 0.32441175 : f32
    %add3A_2143 = vector.broadcast %add3A_2142 : f32 to vector<16xf32>
    %add3A_2144 = arith.addf %mul3A_2141, %add3A_2143 : vector<16xf32>
    %mul3A_2145 = arith.mulf %add3A_2144, %exp3A_2130 : vector<16xf32>
    %add3A_2146 = arith.constant -0.499187827 : f32
    %add3A_2147 = vector.broadcast %add3A_2146 : f32 to vector<16xf32>
    %add3A_2148 = arith.addf %mul3A_2145, %add3A_2147 : vector<16xf32>
    %mul3A_2149 = arith.mulf %add3A_2148, %exp3A_2130 : vector<16xf32>
    %add3A_2150 = arith.constant 0.99998188 : f32
    %add3A_2151 = vector.broadcast %add3A_2150 : f32 to vector<16xf32>
    %add3A_2152 = arith.addf %mul3A_2149, %add3A_2151 : vector<16xf32>
    %max3A_2153 = arith.constant 0.000000e+00 : f32
    %max3A_2154 = vector.broadcast %max3A_2153 : f32 to vector<16xf32>
    %max3A_2155 = arith.maximumf %get3A_2125, %max3A_2154 : vector<16xf32>
    %mul3A_2156 = arith.mulf %exp3A_2130, %add3A_2152 : vector<16xf32>
    %add3A_2157 = arith.addf %max3A_2155, %mul3A_2156 : vector<16xf32>
    %get3A_2158 = arith.constant 352 : index
    %get3A_2159 = tpu.vector_load %arg12[%get3A_2158] {strides = array<i32>} : memref<512xf32, #tpu.memory_space<vmem>>, vector<16xf32>,
    %get3A_2160 = vector.shape_cast %get3A_2159 : vector<16xf32> to vector<16xf32>
    %abs3A_2161 = math.absf %get3A_2160 : vector<16xf32>
    %neg3A_2162 = arith.constant 0.000000e+00 : f32
    %neg3A_2163 = vector.broadcast %neg3A_2162 : f32 to vector<16xf32>
    %neg3A_2164 = arith.subf %neg3A_2163, %abs3A_2161 : vector<16xf32>
    %exp3A_2165 = math.exp %neg3A_2164 : vector<16xf32>
    %mul3A_2166 = arith.constant -0.0236892365 : f32
    %mul3A_2167 = vector.broadcast %mul3A_2166 : f32 to vector<16xf32>
    %mul3A_2168 = arith.mulf %mul3A_2167, %exp3A_2165 : vector<16xf32>
    %add3A_2169 = arith.constant 0.100287139 : f32
    %add3A_2170 = vector.broadcast %add3A_2169 : f32 to vector<16xf32>
    %add3A_2171 = arith.addf %mul3A_2168, %add3A_2170 : vector<16xf32>
    %mul3A_2172 = arith.mulf %add3A_2171, %exp3A_2165 : vector<16xf32>
    %add3A_2173 = arith.constant -0.208669573 : f32
    %add3A_2174 = vector.broadcast %add3A_2173 : f32 to vector<16xf32>
    %add3A_2175 = arith.addf %mul3A_2172, %add3A_2174 : vector<16xf32>
    %mul3A_2176 = arith.mulf %add3A_2175, %exp3A_2165 : vector<16xf32>
    %add3A_2177 = arith.constant 0.32441175 : f32
    %add3A_2178 = vector.broadcast %add3A_2177 : f32 to vector<16xf32>
    %add3A_2179 = arith.addf %mul3A_2176, %add3A_2178 : vector<16xf32>
    %mul3A_2180 = arith.mulf %add3A_2179, %exp3A_2165 : vector<16xf32>
    %add3A_2181 = arith.constant -0.499187827 : f32
    %add3A_2182 = vector.broadcast %add3A_2181 : f32 to vector<16xf32>
    %add3A_2183 = arith.addf %mul3A_2180, %add3A_2182 : vector<16xf32>
    %mul3A_2184 = arith.mulf %add3A_2183, %exp3A_2165 : vector<16xf32>
    %add3A_2185 = arith.constant 0.99998188 : f32
    %add3A_2186 = vector.broadcast %add3A_2185 : f32 to vector<16xf32>
    %add3A_2187 = arith.addf %mul3A_2184, %add3A_2186 : vector<16xf32>
    %max3A_2188 = arith.constant 0.000000e+00 : f32
    %max3A_2189 = vector.broadcast %max3A_2188 : f32 to vector<16xf32>
    %max3A_2190 = arith.maximumf %get3A_2160, %max3A_2189 : vector<16xf32>
    %mul3A_2191 = arith.mulf %exp3A_2165, %add3A_2187 : vector<16xf32>
    %add3A_2192 = arith.addf %max3A_2190, %mul3A_2191 : vector<16xf32>
    %mul3A_2193 = arith.mulf %add3A_2157, %add3A_2192 : vector<16xf32>
    %mul3A_2194 = arith.mulf %get3A_2122, %mul3A_2193 : vector<16xf32>
    %swap3A_2195 = arith.constant 352 : index
    %swap3A_2196 = tpu.vector_load %arg13[%swap3A_2195] {strides = array<i32>} : memref<512xf32, #tpu.memory_space<vmem>>, vector<16xf32>,
    %swap3A_2197 = vector.shape_cast %swap3A_2196 : vector<16xf32> to vector<16xf32>
    %swap3A_2198 = vector.shape_cast %mul3A_2194 : vector<16xf32> to vector<16xf32>
    tpu.vector_store %arg13[%swap3A_2195], %swap3A_2198 {strides = array<i32>} : memref<512xf32, #tpu.memory_space<vmem>>, vector<16xf32>,
    %get3A_2199 = arith.constant 368 : index
    %get3A_2200 = tpu.vector_load %arg10[%get3A_2199] {strides = array<i32>} : memref<512xf32, #tpu.memory_space<vmem>>, vector<16xf32>,
    %get3A_2201 = vector.shape_cast %get3A_2200 : vector<16xf32> to vector<16xf32>
    %get3A_2202 = arith.constant 368 : index
    %get3A_2203 = tpu.vector_load %arg11[%get3A_2202] {strides = array<i32>} : memref<512xf32, #tpu.memory_space<vmem>>, vector<16xf32>,
    %get3A_2204 = vector.shape_cast %get3A_2203 : vector<16xf32> to vector<16xf32>
    %abs3A_2205 = math.absf %get3A_2204 : vector<16xf32>
    %neg3A_2206 = arith.constant 0.000000e+00 : f32
    %neg3A_2207 = vector.broadcast %neg3A_2206 : f32 to vector<16xf32>
    %neg3A_2208 = arith.subf %neg3A_2207, %abs3A_2205 : vector<16xf32>
    %exp3A_2209 = math.exp %neg3A_2208 : vector<16xf32>
    %mul3A_2210 = arith.constant -0.0236892365 : f32
    %mul3A_2211 = vector.broadcast %mul3A_2210 : f32 to vector<16xf32>
    %mul3A_2212 = arith.mulf %mul3A_2211, %exp3A_2209 : vector<16xf32>
    %add3A_2213 = arith.constant 0.100287139 : f32
    %add3A_2214 = vector.broadcast %add3A_2213 : f32 to vector<16xf32>
    %add3A_2215 = arith.addf %mul3A_2212, %add3A_2214 : vector<16xf32>
    %mul3A_2216 = arith.mulf %add3A_2215, %exp3A_2209 : vector<16xf32>
    %add3A_2217 = arith.constant -0.208669573 : f32
    %add3A_2218 = vector.broadcast %add3A_2217 : f32 to vector<16xf32>
    %add3A_2219 = arith.addf %mul3A_2216, %add3A_2218 : vector<16xf32>
    %mul3A_2220 = arith.mulf %add3A_2219, %exp3A_2209 : vector<16xf32>
    %add3A_2221 = arith.constant 0.32441175 : f32
    %add3A_2222 = vector.broadcast %add3A_2221 : f32 to vector<16xf32>
    %add3A_2223 = arith.addf %mul3A_2220, %add3A_2222 : vector<16xf32>
    %mul3A_2224 = arith.mulf %add3A_2223, %exp3A_2209 : vector<16xf32>
    %add3A_2225 = arith.constant -0.499187827 : f32
    %add3A_2226 = vector.broadcast %add3A_2225 : f32 to vector<16xf32>
    %add3A_2227 = arith.addf %mul3A_2224, %add3A_2226 : vector<16xf32>
    %mul3A_2228 = arith.mulf %add3A_2227, %exp3A_2209 : vector<16xf32>
    %add3A_2229 = arith.constant 0.99998188 : f32
    %add3A_2230 = vector.broadcast %add3A_2229 : f32 to vector<16xf32>
    %add3A_2231 = arith.addf %mul3A_2228, %add3A_2230 : vector<16xf32>
    %max3A_2232 = arith.constant 0.000000e+00 : f32
    %max3A_2233 = vector.broadcast %max3A_2232 : f32 to vector<16xf32>
    %max3A_2234 = arith.maximumf %get3A_2204, %max3A_2233 : vector<16xf32>
    %mul3A_2235 = arith.mulf %exp3A_2209, %add3A_2231 : vector<16xf32>
    %add3A_2236 = arith.addf %max3A_2234, %mul3A_2235 : vector<16xf32>
    %get3A_2237 = arith.constant 368 : index
    %get3A_2238 = tpu.vector_load %arg12[%get3A_2237] {strides = array<i32>} : memref<512xf32, #tpu.memory_space<vmem>>, vector<16xf32>,
    %get3A_2239 = vector.shape_cast %get3A_2238 : vector<16xf32> to vector<16xf32>
    %abs3A_2240 = math.absf %get3A_2239 : vector<16xf32>
    %neg3A_2241 = arith.constant 0.000000e+00 : f32
    %neg3A_2242 = vector.broadcast %neg3A_2241 : f32 to vector<16xf32>
    %neg3A_2243 = arith.subf %neg3A_2242, %abs3A_2240 : vector<16xf32>
    %exp3A_2244 = math.exp %neg3A_2243 : vector<16xf32>
    %mul3A_2245 = arith.constant -0.0236892365 : f32
    %mul3A_2246 = vector.broadcast %mul3A_2245 : f32 to vector<16xf32>
    %mul3A_2247 = arith.mulf %mul3A_2246, %exp3A_2244 : vector<16xf32>
    %add3A_2248 = arith.constant 0.100287139 : f32
    %add3A_2249 = vector.broadcast %add3A_2248 : f32 to vector<16xf32>
    %add3A_2250 = arith.addf %mul3A_2247, %add3A_2249 : vector<16xf32>
    %mul3A_2251 = arith.mulf %add3A_2250, %exp3A_2244 : vector<16xf32>
    %add3A_2252 = arith.constant -0.208669573 : f32
    %add3A_2253 = vector.broadcast %add3A_2252 : f32 to vector<16xf32>
    %add3A_2254 = arith.addf %mul3A_2251, %add3A_2253 : vector<16xf32>
    %mul3A_2255 = arith.mulf %add3A_2254, %exp3A_2244 : vector<16xf32>
    %add3A_2256 = arith.constant 0.32441175 : f32
    %add3A_2257 = vector.broadcast %add3A_2256 : f32 to vector<16xf32>
    %add3A_2258 = arith.addf %mul3A_2255, %add3A_2257 : vector<16xf32>
    %mul3A_2259 = arith.mulf %add3A_2258, %exp3A_2244 : vector<16xf32>
    %add3A_2260 = arith.constant -0.499187827 : f32
    %add3A_2261 = vector.broadcast %add3A_2260 : f32 to vector<16xf32>
    %add3A_2262 = arith.addf %mul3A_2259, %add3A_2261 : vector<16xf32>
    %mul3A_2263 = arith.mulf %add3A_2262, %exp3A_2244 : vector<16xf32>
    %add3A_2264 = arith.constant 0.99998188 : f32
    %add3A_2265 = vector.broadcast %add3A_2264 : f32 to vector<16xf32>
    %add3A_2266 = arith.addf %mul3A_2263, %add3A_2265 : vector<16xf32>
    %max3A_2267 = arith.constant 0.000000e+00 : f32
    %max3A_2268 = vector.broadcast %max3A_2267 : f32 to vector<16xf32>
    %max3A_2269 = arith.maximumf %get3A_2239, %max3A_2268 : vector<16xf32>
    %mul3A_2270 = arith.mulf %exp3A_2244, %add3A_2266 : vector<16xf32>
    %add3A_2271 = arith.addf %max3A_2269, %mul3A_2270 : vector<16xf32>
    %mul3A_2272 = arith.mulf %add3A_2236, %add3A_2271 : vector<16xf32>
    %mul3A_2273 = arith.mulf %get3A_2201, %mul3A_2272 : vector<16xf32>
    %swap3A_2274 = arith.constant 368 : index
    %swap3A_2275 = tpu.vector_load %arg13[%swap3A_2274] {strides = array<i32>} : memref<512xf32, #tpu.memory_space<vmem>>, vector<16xf32>,
    %swap3A_2276 = vector.shape_cast %swap3A_2275 : vector<16xf32> to vector<16xf32>
    %swap3A_2277 = vector.shape_cast %mul3A_2273 : vector<16xf32> to vector<16xf32>
    tpu.vector_store %arg13[%swap3A_2274], %swap3A_2277 {strides = array<i32>} : memref<512xf32, #tpu.memory_space<vmem>>, vector<16xf32>,
    %get3A_2278 = arith.constant 384 : index
    %get3A_2279 = tpu.vector_load %arg10[%get3A_2278] {strides = array<i32>} : memref<512xf32, #tpu.memory_space<vmem>>, vector<16xf32>,
    %get3A_2280 = vector.shape_cast %get3A_2279 : vector<16xf32> to vector<16xf32>
    %get3A_2281 = arith.constant 384 : index
    %get3A_2282 = tpu.vector_load %arg11[%get3A_2281] {strides = array<i32>} : memref<512xf32, #tpu.memory_space<vmem>>, vector<16xf32>,
    %get3A_2283 = vector.shape_cast %get3A_2282 : vector<16xf32> to vector<16xf32>
    %abs3A_2284 = math.absf %get3A_2283 : vector<16xf32>
    %neg3A_2285 = arith.constant 0.000000e+00 : f32
    %neg3A_2286 = vector.broadcast %neg3A_2285 : f32 to vector<16xf32>
    %neg3A_2287 = arith.subf %neg3A_2286, %abs3A_2284 : vector<16xf32>
    %exp3A_2288 = math.exp %neg3A_2287 : vector<16xf32>
    %mul3A_2289 = arith.constant -0.0236892365 : f32
    %mul3A_2290 = vector.broadcast %mul3A_2289 : f32 to vector<16xf32>
    %mul3A_2291 = arith.mulf %mul3A_2290, %exp3A_2288 : vector<16xf32>
    %add3A_2292 = arith.constant 0.100287139 : f32
    %add3A_2293 = vector.broadcast %add3A_2292 : f32 to vector<16xf32>
    %add3A_2294 = arith.addf %mul3A_2291, %add3A_2293 : vector<16xf32>
    %mul3A_2295 = arith.mulf %add3A_2294, %exp3A_2288 : vector<16xf32>
    %add3A_2296 = arith.constant -0.208669573 : f32
    %add3A_2297 = vector.broadcast %add3A_2296 : f32 to vector<16xf32>
    %add3A_2298 = arith.addf %mul3A_2295, %add3A_2297 : vector<16xf32>
    %mul3A_2299 = arith.mulf %add3A_2298, %exp3A_2288 : vector<16xf32>
    %add3A_2300 = arith.constant 0.32441175 : f32
    %add3A_2301 = vector.broadcast %add3A_2300 : f32 to vector<16xf32>
    %add3A_2302 = arith.addf %mul3A_2299, %add3A_2301 : vector<16xf32>
    %mul3A_2303 = arith.mulf %add3A_2302, %exp3A_2288 : vector<16xf32>
    %add3A_2304 = arith.constant -0.499187827 : f32
    %add3A_2305 = vector.broadcast %add3A_2304 : f32 to vector<16xf32>
    %add3A_2306 = arith.addf %mul3A_2303, %add3A_2305 : vector<16xf32>
    %mul3A_2307 = arith.mulf %add3A_2306, %exp3A_2288 : vector<16xf32>
    %add3A_2308 = arith.constant 0.99998188 : f32
    %add3A_2309 = vector.broadcast %add3A_2308 : f32 to vector<16xf32>
    %add3A_2310 = arith.addf %mul3A_2307, %add3A_2309 : vector<16xf32>
    %max3A_2311 = arith.constant 0.000000e+00 : f32
    %max3A_2312 = vector.broadcast %max3A_2311 : f32 to vector<16xf32>
    %max3A_2313 = arith.maximumf %get3A_2283, %max3A_2312 : vector<16xf32>
    %mul3A_2314 = arith.mulf %exp3A_2288, %add3A_2310 : vector<16xf32>
    %add3A_2315 = arith.addf %max3A_2313, %mul3A_2314 : vector<16xf32>
    %get3A_2316 = arith.constant 384 : index
    %get3A_2317 = tpu.vector_load %arg12[%get3A_2316] {strides = array<i32>} : memref<512xf32, #tpu.memory_space<vmem>>, vector<16xf32>,
    %get3A_2318 = vector.shape_cast %get3A_2317 : vector<16xf32> to vector<16xf32>
    %abs3A_2319 = math.absf %get3A_2318 : vector<16xf32>
    %neg3A_2320 = arith.constant 0.000000e+00 : f32
    %neg3A_2321 = vector.broadcast %neg3A_2320 : f32 to vector<16xf32>
    %neg3A_2322 = arith.subf %neg3A_2321, %abs3A_2319 : vector<16xf32>
    %exp3A_2323 = math.exp %neg3A_2322 : vector<16xf32>
    %mul3A_2324 = arith.constant -0.0236892365 : f32
    %mul3A_2325 = vector.broadcast %mul3A_2324 : f32 to vector<16xf32>
    %mul3A_2326 = arith.mulf %mul3A_2325, %exp3A_2323 : vector<16xf32>
    %add3A_2327 = arith.constant 0.100287139 : f32
    %add3A_2328 = vector.broadcast %add3A_2327 : f32 to vector<16xf32>
    %add3A_2329 = arith.addf %mul3A_2326, %add3A_2328 : vector<16xf32>
    %mul3A_2330 = arith.mulf %add3A_2329, %exp3A_2323 : vector<16xf32>
    %add3A_2331 = arith.constant -0.208669573 : f32
    %add3A_2332 = vector.broadcast %add3A_2331 : f32 to vector<16xf32>
    %add3A_2333 = arith.addf %mul3A_2330, %add3A_2332 : vector<16xf32>
    %mul3A_2334 = arith.mulf %add3A_2333, %exp3A_2323 : vector<16xf32>
    %add3A_2335 = arith.constant 0.32441175 : f32
    %add3A_2336 = vector.broadcast %add3A_2335 : f32 to vector<16xf32>
    %add3A_2337 = arith.addf %mul3A_2334, %add3A_2336 : vector<16xf32>
    %mul3A_2338 = arith.mulf %add3A_2337, %exp3A_2323 : vector<16xf32>
    %add3A_2339 = arith.constant -0.499187827 : f32
    %add3A_2340 = vector.broadcast %add3A_2339 : f32 to vector<16xf32>
    %add3A_2341 = arith.addf %mul3A_2338, %add3A_2340 : vector<16xf32>
    %mul3A_2342 = arith.mulf %add3A_2341, %exp3A_2323 : vector<16xf32>
    %add3A_2343 = arith.constant 0.99998188 : f32
    %add3A_2344 = vector.broadcast %add3A_2343 : f32 to vector<16xf32>
    %add3A_2345 = arith.addf %mul3A_2342, %add3A_2344 : vector<16xf32>
    %max3A_2346 = arith.constant 0.000000e+00 : f32
    %max3A_2347 = vector.broadcast %max3A_2346 : f32 to vector<16xf32>
    %max3A_2348 = arith.maximumf %get3A_2318, %max3A_2347 : vector<16xf32>
    %mul3A_2349 = arith.mulf %exp3A_2323, %add3A_2345 : vector<16xf32>
    %add3A_2350 = arith.addf %max3A_2348, %mul3A_2349 : vector<16xf32>
    %mul3A_2351 = arith.mulf %add3A_2315, %add3A_2350 : vector<16xf32>
    %mul3A_2352 = arith.mulf %get3A_2280, %mul3A_2351 : vector<16xf32>
    %swap3A_2353 = arith.constant 384 : index
    %swap3A_2354 = tpu.vector_load %arg13[%swap3A_2353] {strides = array<i32>} : memref<512xf32, #tpu.memory_space<vmem>>, vector<16xf32>,
    %swap3A_2355 = vector.shape_cast %swap3A_2354 : vector<16xf32> to vector<16xf32>
    %swap3A_2356 = vector.shape_cast %mul3A_2352 : vector<16xf32> to vector<16xf32>
    tpu.vector_store %arg13[%swap3A_2353], %swap3A_2356 {strides = array<i32>} : memref<512xf32, #tpu.memory_space<vmem>>, vector<16xf32>,
    %get3A_2357 = arith.constant 400 : index
    %get3A_2358 = tpu.vector_load %arg10[%get3A_2357] {strides = array<i32>} : memref<512xf32, #tpu.memory_space<vmem>>, vector<16xf32>,
    %get3A_2359 = vector.shape_cast %get3A_2358 : vector<16xf32> to vector<16xf32>
    %get3A_2360 = arith.constant 400 : index
    %get3A_2361 = tpu.vector_load %arg11[%get3A_2360] {strides = array<i32>} : memref<512xf32, #tpu.memory_space<vmem>>, vector<16xf32>,
    %get3A_2362 = vector.shape_cast %get3A_2361 : vector<16xf32> to vector<16xf32>
    %abs3A_2363 = math.absf %get3A_2362 : vector<16xf32>
    %neg3A_2364 = arith.constant 0.000000e+00 : f32
    %neg3A_2365 = vector.broadcast %neg3A_2364 : f32 to vector<16xf32>
    %neg3A_2366 = arith.subf %neg3A_2365, %abs3A_2363 : vector<16xf32>
    %exp3A_2367 = math.exp %neg3A_2366 : vector<16xf32>
    %mul3A_2368 = arith.constant -0.0236892365 : f32
    %mul3A_2369 = vector.broadcast %mul3A_2368 : f32 to vector<16xf32>
    %mul3A_2370 = arith.mulf %mul3A_2369, %exp3A_2367 : vector<16xf32>
    %add3A_2371 = arith.constant 0.100287139 : f32
    %add3A_2372 = vector.broadcast %add3A_2371 : f32 to vector<16xf32>
    %add3A_2373 = arith.addf %mul3A_2370, %add3A_2372 : vector<16xf32>
    %mul3A_2374 = arith.mulf %add3A_2373, %exp3A_2367 : vector<16xf32>
    %add3A_2375 = arith.constant -0.208669573 : f32
    %add3A_2376 = vector.broadcast %add3A_2375 : f32 to vector<16xf32>
    %add3A_2377 = arith.addf %mul3A_2374, %add3A_2376 : vector<16xf32>
    %mul3A_2378 = arith.mulf %add3A_2377, %exp3A_2367 : vector<16xf32>
    %add3A_2379 = arith.constant 0.32441175 : f32
    %add3A_2380 = vector.broadcast %add3A_2379 : f32 to vector<16xf32>
    %add3A_2381 = arith.addf %mul3A_2378, %add3A_2380 : vector<16xf32>
    %mul3A_2382 = arith.mulf %add3A_2381, %exp3A_2367 : vector<16xf32>
    %add3A_2383 = arith.constant -0.499187827 : f32
    %add3A_2384 = vector.broadcast %add3A_2383 : f32 to vector<16xf32>
    %add3A_2385 = arith.addf %mul3A_2382, %add3A_2384 : vector<16xf32>
    %mul3A_2386 = arith.mulf %add3A_2385, %exp3A_2367 : vector<16xf32>
    %add3A_2387 = arith.constant 0.99998188 : f32
    %add3A_2388 = vector.broadcast %add3A_2387 : f32 to vector<16xf32>
    %add3A_2389 = arith.addf %mul3A_2386, %add3A_2388 : vector<16xf32>
    %max3A_2390 = arith.constant 0.000000e+00 : f32
    %max3A_2391 = vector.broadcast %max3A_2390 : f32 to vector<16xf32>
    %max3A_2392 = arith.maximumf %get3A_2362, %max3A_2391 : vector<16xf32>
    %mul3A_2393 = arith.mulf %exp3A_2367, %add3A_2389 : vector<16xf32>
    %add3A_2394 = arith.addf %max3A_2392, %mul3A_2393 : vector<16xf32>
    %get3A_2395 = arith.constant 400 : index
    %get3A_2396 = tpu.vector_load %arg12[%get3A_2395] {strides = array<i32>} : memref<512xf32, #tpu.memory_space<vmem>>, vector<16xf32>,
    %get3A_2397 = vector.shape_cast %get3A_2396 : vector<16xf32> to vector<16xf32>
    %abs3A_2398 = math.absf %get3A_2397 : vector<16xf32>
    %neg3A_2399 = arith.constant 0.000000e+00 : f32
    %neg3A_2400 = vector.broadcast %neg3A_2399 : f32 to vector<16xf32>
    %neg3A_2401 = arith.subf %neg3A_2400, %abs3A_2398 : vector<16xf32>
    %exp3A_2402 = math.exp %neg3A_2401 : vector<16xf32>
    %mul3A_2403 = arith.constant -0.0236892365 : f32
    %mul3A_2404 = vector.broadcast %mul3A_2403 : f32 to vector<16xf32>
    %mul3A_2405 = arith.mulf %mul3A_2404, %exp3A_2402 : vector<16xf32>
    %add3A_2406 = arith.constant 0.100287139 : f32
    %add3A_2407 = vector.broadcast %add3A_2406 : f32 to vector<16xf32>
    %add3A_2408 = arith.addf %mul3A_2405, %add3A_2407 : vector<16xf32>
    %mul3A_2409 = arith.mulf %add3A_2408, %exp3A_2402 : vector<16xf32>
    %add3A_2410 = arith.constant -0.208669573 : f32
    %add3A_2411 = vector.broadcast %add3A_2410 : f32 to vector<16xf32>
    %add3A_2412 = arith.addf %mul3A_2409, %add3A_2411 : vector<16xf32>
    %mul3A_2413 = arith.mulf %add3A_2412, %exp3A_2402 : vector<16xf32>
    %add3A_2414 = arith.constant 0.32441175 : f32
    %add3A_2415 = vector.broadcast %add3A_2414 : f32 to vector<16xf32>
    %add3A_2416 = arith.addf %mul3A_2413, %add3A_2415 : vector<16xf32>
    %mul3A_2417 = arith.mulf %add3A_2416, %exp3A_2402 : vector<16xf32>
    %add3A_2418 = arith.constant -0.499187827 : f32
    %add3A_2419 = vector.broadcast %add3A_2418 : f32 to vector<16xf32>
    %add3A_2420 = arith.addf %mul3A_2417, %add3A_2419 : vector<16xf32>
    %mul3A_2421 = arith.mulf %add3A_2420, %exp3A_2402 : vector<16xf32>
    %add3A_2422 = arith.constant 0.99998188 : f32
    %add3A_2423 = vector.broadcast %add3A_2422 : f32 to vector<16xf32>
    %add3A_2424 = arith.addf %mul3A_2421, %add3A_2423 : vector<16xf32>
    %max3A_2425 = arith.constant 0.000000e+00 : f32
    %max3A_2426 = vector.broadcast %max3A_2425 : f32 to vector<16xf32>
    %max3A_2427 = arith.maximumf %get3A_2397, %max3A_2426 : vector<16xf32>
    %mul3A_2428 = arith.mulf %exp3A_2402, %add3A_2424 : vector<16xf32>
    %add3A_2429 = arith.addf %max3A_2427, %mul3A_2428 : vector<16xf32>
    %mul3A_2430 = arith.mulf %add3A_2394, %add3A_2429 : vector<16xf32>
    %mul3A_2431 = arith.mulf %get3A_2359, %mul3A_2430 : vector<16xf32>
    %swap3A_2432 = arith.constant 400 : index
    %swap3A_2433 = tpu.vector_load %arg13[%swap3A_2432] {strides = array<i32>} : memref<512xf32, #tpu.memory_space<vmem>>, vector<16xf32>,
    %swap3A_2434 = vector.shape_cast %swap3A_2433 : vector<16xf32> to vector<16xf32>
    %swap3A_2435 = vector.shape_cast %mul3A_2431 : vector<16xf32> to vector<16xf32>
    tpu.vector_store %arg13[%swap3A_2432], %swap3A_2435 {strides = array<i32>} : memref<512xf32, #tpu.memory_space<vmem>>, vector<16xf32>,
    %get3A_2436 = arith.constant 416 : index
    %get3A_2437 = tpu.vector_load %arg10[%get3A_2436] {strides = array<i32>} : memref<512xf32, #tpu.memory_space<vmem>>, vector<16xf32>,
    %get3A_2438 = vector.shape_cast %get3A_2437 : vector<16xf32> to vector<16xf32>
    %get3A_2439 = arith.constant 416 : index
    %get3A_2440 = tpu.vector_load %arg11[%get3A_2439] {strides = array<i32>} : memref<512xf32, #tpu.memory_space<vmem>>, vector<16xf32>,
    %get3A_2441 = vector.shape_cast %get3A_2440 : vector<16xf32> to vector<16xf32>
    %abs3A_2442 = math.absf %get3A_2441 : vector<16xf32>
    %neg3A_2443 = arith.constant 0.000000e+00 : f32
    %neg3A_2444 = vector.broadcast %neg3A_2443 : f32 to vector<16xf32>
    %neg3A_2445 = arith.subf %neg3A_2444, %abs3A_2442 : vector<16xf32>
    %exp3A_2446 = math.exp %neg3A_2445 : vector<16xf32>
    %mul3A_2447 = arith.constant -0.0236892365 : f32
    %mul3A_2448 = vector.broadcast %mul3A_2447 : f32 to vector<16xf32>
    %mul3A_2449 = arith.mulf %mul3A_2448, %exp3A_2446 : vector<16xf32>
    %add3A_2450 = arith.constant 0.100287139 : f32
    %add3A_2451 = vector.broadcast %add3A_2450 : f32 to vector<16xf32>
    %add3A_2452 = arith.addf %mul3A_2449, %add3A_2451 : vector<16xf32>
    %mul3A_2453 = arith.mulf %add3A_2452, %exp3A_2446 : vector<16xf32>
    %add3A_2454 = arith.constant -0.208669573 : f32
    %add3A_2455 = vector.broadcast %add3A_2454 : f32 to vector<16xf32>
    %add3A_2456 = arith.addf %mul3A_2453, %add3A_2455 : vector<16xf32>
    %mul3A_2457 = arith.mulf %add3A_2456, %exp3A_2446 : vector<16xf32>
    %add3A_2458 = arith.constant 0.32441175 : f32
    %add3A_2459 = vector.broadcast %add3A_2458 : f32 to vector<16xf32>
    %add3A_2460 = arith.addf %mul3A_2457, %add3A_2459 : vector<16xf32>
    %mul3A_2461 = arith.mulf %add3A_2460, %exp3A_2446 : vector<16xf32>
    %add3A_2462 = arith.constant -0.499187827 : f32
    %add3A_2463 = vector.broadcast %add3A_2462 : f32 to vector<16xf32>
    %add3A_2464 = arith.addf %mul3A_2461, %add3A_2463 : vector<16xf32>
    %mul3A_2465 = arith.mulf %add3A_2464, %exp3A_2446 : vector<16xf32>
    %add3A_2466 = arith.constant 0.99998188 : f32
    %add3A_2467 = vector.broadcast %add3A_2466 : f32 to vector<16xf32>
    %add3A_2468 = arith.addf %mul3A_2465, %add3A_2467 : vector<16xf32>
    %max3A_2469 = arith.constant 0.000000e+00 : f32
    %max3A_2470 = vector.broadcast %max3A_2469 : f32 to vector<16xf32>
    %max3A_2471 = arith.maximumf %get3A_2441, %max3A_2470 : vector<16xf32>
    %mul3A_2472 = arith.mulf %exp3A_2446, %add3A_2468 : vector<16xf32>
    %add3A_2473 = arith.addf %max3A_2471, %mul3A_2472 : vector<16xf32>
    %get3A_2474 = arith.constant 416 : index
    %get3A_2475 = tpu.vector_load %arg12[%get3A_2474] {strides = array<i32>} : memref<512xf32, #tpu.memory_space<vmem>>, vector<16xf32>,
    %get3A_2476 = vector.shape_cast %get3A_2475 : vector<16xf32> to vector<16xf32>
    %abs3A_2477 = math.absf %get3A_2476 : vector<16xf32>
    %neg3A_2478 = arith.constant 0.000000e+00 : f32
    %neg3A_2479 = vector.broadcast %neg3A_2478 : f32 to vector<16xf32>
    %neg3A_2480 = arith.subf %neg3A_2479, %abs3A_2477 : vector<16xf32>
    %exp3A_2481 = math.exp %neg3A_2480 : vector<16xf32>
    %mul3A_2482 = arith.constant -0.0236892365 : f32
    %mul3A_2483 = vector.broadcast %mul3A_2482 : f32 to vector<16xf32>
    %mul3A_2484 = arith.mulf %mul3A_2483, %exp3A_2481 : vector<16xf32>
    %add3A_2485 = arith.constant 0.100287139 : f32
    %add3A_2486 = vector.broadcast %add3A_2485 : f32 to vector<16xf32>
    %add3A_2487 = arith.addf %mul3A_2484, %add3A_2486 : vector<16xf32>
    %mul3A_2488 = arith.mulf %add3A_2487, %exp3A_2481 : vector<16xf32>
    %add3A_2489 = arith.constant -0.208669573 : f32
    %add3A_2490 = vector.broadcast %add3A_2489 : f32 to vector<16xf32>
    %add3A_2491 = arith.addf %mul3A_2488, %add3A_2490 : vector<16xf32>
    %mul3A_2492 = arith.mulf %add3A_2491, %exp3A_2481 : vector<16xf32>
    %add3A_2493 = arith.constant 0.32441175 : f32
    %add3A_2494 = vector.broadcast %add3A_2493 : f32 to vector<16xf32>
    %add3A_2495 = arith.addf %mul3A_2492, %add3A_2494 : vector<16xf32>
    %mul3A_2496 = arith.mulf %add3A_2495, %exp3A_2481 : vector<16xf32>
    %add3A_2497 = arith.constant -0.499187827 : f32
    %add3A_2498 = vector.broadcast %add3A_2497 : f32 to vector<16xf32>
    %add3A_2499 = arith.addf %mul3A_2496, %add3A_2498 : vector<16xf32>
    %mul3A_2500 = arith.mulf %add3A_2499, %exp3A_2481 : vector<16xf32>
    %add3A_2501 = arith.constant 0.99998188 : f32
    %add3A_2502 = vector.broadcast %add3A_2501 : f32 to vector<16xf32>
    %add3A_2503 = arith.addf %mul3A_2500, %add3A_2502 : vector<16xf32>
    %max3A_2504 = arith.constant 0.000000e+00 : f32
    %max3A_2505 = vector.broadcast %max3A_2504 : f32 to vector<16xf32>
    %max3A_2506 = arith.maximumf %get3A_2476, %max3A_2505 : vector<16xf32>
    %mul3A_2507 = arith.mulf %exp3A_2481, %add3A_2503 : vector<16xf32>
    %add3A_2508 = arith.addf %max3A_2506, %mul3A_2507 : vector<16xf32>
    %mul3A_2509 = arith.mulf %add3A_2473, %add3A_2508 : vector<16xf32>
    %mul3A_2510 = arith.mulf %get3A_2438, %mul3A_2509 : vector<16xf32>
    %swap3A_2511 = arith.constant 416 : index
    %swap3A_2512 = tpu.vector_load %arg13[%swap3A_2511] {strides = array<i32>} : memref<512xf32, #tpu.memory_space<vmem>>, vector<16xf32>,
    %swap3A_2513 = vector.shape_cast %swap3A_2512 : vector<16xf32> to vector<16xf32>
    %swap3A_2514 = vector.shape_cast %mul3A_2510 : vector<16xf32> to vector<16xf32>
    tpu.vector_store %arg13[%swap3A_2511], %swap3A_2514 {strides = array<i32>} : memref<512xf32, #tpu.memory_space<vmem>>, vector<16xf32>,
    %get3A_2515 = arith.constant 432 : index
    %get3A_2516 = tpu.vector_load %arg10[%get3A_2515] {strides = array<i32>} : memref<512xf32, #tpu.memory_space<vmem>>, vector<16xf32>,
    %get3A_2517 = vector.shape_cast %get3A_2516 : vector<16xf32> to vector<16xf32>
    %get3A_2518 = arith.constant 432 : index
    %get3A_2519 = tpu.vector_load %arg11[%get3A_2518] {strides = array<i32>} : memref<512xf32, #tpu.memory_space<vmem>>, vector<16xf32>,
    %get3A_2520 = vector.shape_cast %get3A_2519 : vector<16xf32> to vector<16xf32>
    %abs3A_2521 = math.absf %get3A_2520 : vector<16xf32>
    %neg3A_2522 = arith.constant 0.000000e+00 : f32
    %neg3A_2523 = vector.broadcast %neg3A_2522 : f32 to vector<16xf32>
    %neg3A_2524 = arith.subf %neg3A_2523, %abs3A_2521 : vector<16xf32>
    %exp3A_2525 = math.exp %neg3A_2524 : vector<16xf32>
    %mul3A_2526 = arith.constant -0.0236892365 : f32
    %mul3A_2527 = vector.broadcast %mul3A_2526 : f32 to vector<16xf32>
    %mul3A_2528 = arith.mulf %mul3A_2527, %exp3A_2525 : vector<16xf32>
    %add3A_2529 = arith.constant 0.100287139 : f32
    %add3A_2530 = vector.broadcast %add3A_2529 : f32 to vector<16xf32>
    %add3A_2531 = arith.addf %mul3A_2528, %add3A_2530 : vector<16xf32>
    %mul3A_2532 = arith.mulf %add3A_2531, %exp3A_2525 : vector<16xf32>
    %add3A_2533 = arith.constant -0.208669573 : f32
    %add3A_2534 = vector.broadcast %add3A_2533 : f32 to vector<16xf32>
    %add3A_2535 = arith.addf %mul3A_2532, %add3A_2534 : vector<16xf32>
    %mul3A_2536 = arith.mulf %add3A_2535, %exp3A_2525 : vector<16xf32>
    %add3A_2537 = arith.constant 0.32441175 : f32
    %add3A_2538 = vector.broadcast %add3A_2537 : f32 to vector<16xf32>
    %add3A_2539 = arith.addf %mul3A_2536, %add3A_2538 : vector<16xf32>
    %mul3A_2540 = arith.mulf %add3A_2539, %exp3A_2525 : vector<16xf32>
    %add3A_2541 = arith.constant -0.499187827 : f32
    %add3A_2542 = vector.broadcast %add3A_2541 : f32 to vector<16xf32>
    %add3A_2543 = arith.addf %mul3A_2540, %add3A_2542 : vector<16xf32>
    %mul3A_2544 = arith.mulf %add3A_2543, %exp3A_2525 : vector<16xf32>
    %add3A_2545 = arith.constant 0.99998188 : f32
    %add3A_2546 = vector.broadcast %add3A_2545 : f32 to vector<16xf32>
    %add3A_2547 = arith.addf %mul3A_2544, %add3A_2546 : vector<16xf32>
    %max3A_2548 = arith.constant 0.000000e+00 : f32
    %max3A_2549 = vector.broadcast %max3A_2548 : f32 to vector<16xf32>
    %max3A_2550 = arith.maximumf %get3A_2520, %max3A_2549 : vector<16xf32>
    %mul3A_2551 = arith.mulf %exp3A_2525, %add3A_2547 : vector<16xf32>
    %add3A_2552 = arith.addf %max3A_2550, %mul3A_2551 : vector<16xf32>
    %get3A_2553 = arith.constant 432 : index
    %get3A_2554 = tpu.vector_load %arg12[%get3A_2553] {strides = array<i32>} : memref<512xf32, #tpu.memory_space<vmem>>, vector<16xf32>,
    %get3A_2555 = vector.shape_cast %get3A_2554 : vector<16xf32> to vector<16xf32>
    %abs3A_2556 = math.absf %get3A_2555 : vector<16xf32>
    %neg3A_2557 = arith.constant 0.000000e+00 : f32
    %neg3A_2558 = vector.broadcast %neg3A_2557 : f32 to vector<16xf32>
    %neg3A_2559 = arith.subf %neg3A_2558, %abs3A_2556 : vector<16xf32>
    %exp3A_2560 = math.exp %neg3A_2559 : vector<16xf32>
    %mul3A_2561 = arith.constant -0.0236892365 : f32
    %mul3A_2562 = vector.broadcast %mul3A_2561 : f32 to vector<16xf32>
    %mul3A_2563 = arith.mulf %mul3A_2562, %exp3A_2560 : vector<16xf32>
    %add3A_2564 = arith.constant 0.100287139 : f32
    %add3A_2565 = vector.broadcast %add3A_2564 : f32 to vector<16xf32>
    %add3A_2566 = arith.addf %mul3A_2563, %add3A_2565 : vector<16xf32>
    %mul3A_2567 = arith.mulf %add3A_2566, %exp3A_2560 : vector<16xf32>
    %add3A_2568 = arith.constant -0.208669573 : f32
    %add3A_2569 = vector.broadcast %add3A_2568 : f32 to vector<16xf32>
    %add3A_2570 = arith.addf %mul3A_2567, %add3A_2569 : vector<16xf32>
    %mul3A_2571 = arith.mulf %add3A_2570, %exp3A_2560 : vector<16xf32>
    %add3A_2572 = arith.constant 0.32441175 : f32
    %add3A_2573 = vector.broadcast %add3A_2572 : f32 to vector<16xf32>
    %add3A_2574 = arith.addf %mul3A_2571, %add3A_2573 : vector<16xf32>
    %mul3A_2575 = arith.mulf %add3A_2574, %exp3A_2560 : vector<16xf32>
    %add3A_2576 = arith.constant -0.499187827 : f32
    %add3A_2577 = vector.broadcast %add3A_2576 : f32 to vector<16xf32>
    %add3A_2578 = arith.addf %mul3A_2575, %add3A_2577 : vector<16xf32>
    %mul3A_2579 = arith.mulf %add3A_2578, %exp3A_2560 : vector<16xf32>
    %add3A_2580 = arith.constant 0.99998188 : f32
    %add3A_2581 = vector.broadcast %add3A_2580 : f32 to vector<16xf32>
    %add3A_2582 = arith.addf %mul3A_2579, %add3A_2581 : vector<16xf32>
    %max3A_2583 = arith.constant 0.000000e+00 : f32
    %max3A_2584 = vector.broadcast %max3A_2583 : f32 to vector<16xf32>
    %max3A_2585 = arith.maximumf %get3A_2555, %max3A_2584 : vector<16xf32>
    %mul3A_2586 = arith.mulf %exp3A_2560, %add3A_2582 : vector<16xf32>
    %add3A_2587 = arith.addf %max3A_2585, %mul3A_2586 : vector<16xf32>
    %mul3A_2588 = arith.mulf %add3A_2552, %add3A_2587 : vector<16xf32>
    %mul3A_2589 = arith.mulf %get3A_2517, %mul3A_2588 : vector<16xf32>
    %swap3A_2590 = arith.constant 432 : index
    %swap3A_2591 = tpu.vector_load %arg13[%swap3A_2590] {strides = array<i32>} : memref<512xf32, #tpu.memory_space<vmem>>, vector<16xf32>,
    %swap3A_2592 = vector.shape_cast %swap3A_2591 : vector<16xf32> to vector<16xf32>
    %swap3A_2593 = vector.shape_cast %mul3A_2589 : vector<16xf32> to vector<16xf32>
    tpu.vector_store %arg13[%swap3A_2590], %swap3A_2593 {strides = array<i32>} : memref<512xf32, #tpu.memory_space<vmem>>, vector<16xf32>,
    %get3A_2594 = arith.constant 448 : index
    %get3A_2595 = tpu.vector_load %arg10[%get3A_2594] {strides = array<i32>} : memref<512xf32, #tpu.memory_space<vmem>>, vector<16xf32>,
    %get3A_2596 = vector.shape_cast %get3A_2595 : vector<16xf32> to vector<16xf32>
    %get3A_2597 = arith.constant 448 : index
    %get3A_2598 = tpu.vector_load %arg11[%get3A_2597] {strides = array<i32>} : memref<512xf32, #tpu.memory_space<vmem>>, vector<16xf32>,
    %get3A_2599 = vector.shape_cast %get3A_2598 : vector<16xf32> to vector<16xf32>
    %abs3A_2600 = math.absf %get3A_2599 : vector<16xf32>
    %neg3A_2601 = arith.constant 0.000000e+00 : f32
    %neg3A_2602 = vector.broadcast %neg3A_2601 : f32 to vector<16xf32>
    %neg3A_2603 = arith.subf %neg3A_2602, %abs3A_2600 : vector<16xf32>
    %exp3A_2604 = math.exp %neg3A_2603 : vector<16xf32>
    %mul3A_2605 = arith.constant -0.0236892365 : f32
    %mul3A_2606 = vector.broadcast %mul3A_2605 : f32 to vector<16xf32>
    %mul3A_2607 = arith.mulf %mul3A_2606, %exp3A_2604 : vector<16xf32>
    %add3A_2608 = arith.constant 0.100287139 : f32
    %add3A_2609 = vector.broadcast %add3A_2608 : f32 to vector<16xf32>
    %add3A_2610 = arith.addf %mul3A_2607, %add3A_2609 : vector<16xf32>
    %mul3A_2611 = arith.mulf %add3A_2610, %exp3A_2604 : vector<16xf32>
    %add3A_2612 = arith.constant -0.208669573 : f32
    %add3A_2613 = vector.broadcast %add3A_2612 : f32 to vector<16xf32>
    %add3A_2614 = arith.addf %mul3A_2611, %add3A_2613 : vector<16xf32>
    %mul3A_2615 = arith.mulf %add3A_2614, %exp3A_2604 : vector<16xf32>
    %add3A_2616 = arith.constant 0.32441175 : f32
    %add3A_2617 = vector.broadcast %add3A_2616 : f32 to vector<16xf32>
    %add3A_2618 = arith.addf %mul3A_2615, %add3A_2617 : vector<16xf32>
    %mul3A_2619 = arith.mulf %add3A_2618, %exp3A_2604 : vector<16xf32>
    %add3A_2620 = arith.constant -0.499187827 : f32
    %add3A_2621 = vector.broadcast %add3A_2620 : f32 to vector<16xf32>
    %add3A_2622 = arith.addf %mul3A_2619, %add3A_2621 : vector<16xf32>
    %mul3A_2623 = arith.mulf %add3A_2622, %exp3A_2604 : vector<16xf32>
    %add3A_2624 = arith.constant 0.99998188 : f32
    %add3A_2625 = vector.broadcast %add3A_2624 : f32 to vector<16xf32>
    %add3A_2626 = arith.addf %mul3A_2623, %add3A_2625 : vector<16xf32>
    %max3A_2627 = arith.constant 0.000000e+00 : f32
    %max3A_2628 = vector.broadcast %max3A_2627 : f32 to vector<16xf32>
    %max3A_2629 = arith.maximumf %get3A_2599, %max3A_2628 : vector<16xf32>
    %mul3A_2630 = arith.mulf %exp3A_2604, %add3A_2626 : vector<16xf32>
    %add3A_2631 = arith.addf %max3A_2629, %mul3A_2630 : vector<16xf32>
    %get3A_2632 = arith.constant 448 : index
    %get3A_2633 = tpu.vector_load %arg12[%get3A_2632] {strides = array<i32>} : memref<512xf32, #tpu.memory_space<vmem>>, vector<16xf32>,
    %get3A_2634 = vector.shape_cast %get3A_2633 : vector<16xf32> to vector<16xf32>
    %abs3A_2635 = math.absf %get3A_2634 : vector<16xf32>
    %neg3A_2636 = arith.constant 0.000000e+00 : f32
    %neg3A_2637 = vector.broadcast %neg3A_2636 : f32 to vector<16xf32>
    %neg3A_2638 = arith.subf %neg3A_2637, %abs3A_2635 : vector<16xf32>
    %exp3A_2639 = math.exp %neg3A_2638 : vector<16xf32>
    %mul3A_2640 = arith.constant -0.0236892365 : f32
    %mul3A_2641 = vector.broadcast %mul3A_2640 : f32 to vector<16xf32>
    %mul3A_2642 = arith.mulf %mul3A_2641, %exp3A_2639 : vector<16xf32>
    %add3A_2643 = arith.constant 0.100287139 : f32
    %add3A_2644 = vector.broadcast %add3A_2643 : f32 to vector<16xf32>
    %add3A_2645 = arith.addf %mul3A_2642, %add3A_2644 : vector<16xf32>
    %mul3A_2646 = arith.mulf %add3A_2645, %exp3A_2639 : vector<16xf32>
    %add3A_2647 = arith.constant -0.208669573 : f32
    %add3A_2648 = vector.broadcast %add3A_2647 : f32 to vector<16xf32>
    %add3A_2649 = arith.addf %mul3A_2646, %add3A_2648 : vector<16xf32>
    %mul3A_2650 = arith.mulf %add3A_2649, %exp3A_2639 : vector<16xf32>
    %add3A_2651 = arith.constant 0.32441175 : f32
    %add3A_2652 = vector.broadcast %add3A_2651 : f32 to vector<16xf32>
    %add3A_2653 = arith.addf %mul3A_2650, %add3A_2652 : vector<16xf32>
    %mul3A_2654 = arith.mulf %add3A_2653, %exp3A_2639 : vector<16xf32>
    %add3A_2655 = arith.constant -0.499187827 : f32
    %add3A_2656 = vector.broadcast %add3A_2655 : f32 to vector<16xf32>
    %add3A_2657 = arith.addf %mul3A_2654, %add3A_2656 : vector<16xf32>
    %mul3A_2658 = arith.mulf %add3A_2657, %exp3A_2639 : vector<16xf32>
    %add3A_2659 = arith.constant 0.99998188 : f32
    %add3A_2660 = vector.broadcast %add3A_2659 : f32 to vector<16xf32>
    %add3A_2661 = arith.addf %mul3A_2658, %add3A_2660 : vector<16xf32>
    %max3A_2662 = arith.constant 0.000000e+00 : f32
    %max3A_2663 = vector.broadcast %max3A_2662 : f32 to vector<16xf32>
    %max3A_2664 = arith.maximumf %get3A_2634, %max3A_2663 : vector<16xf32>
    %mul3A_2665 = arith.mulf %exp3A_2639, %add3A_2661 : vector<16xf32>
    %add3A_2666 = arith.addf %max3A_2664, %mul3A_2665 : vector<16xf32>
    %mul3A_2667 = arith.mulf %add3A_2631, %add3A_2666 : vector<16xf32>
    %mul3A_2668 = arith.mulf %get3A_2596, %mul3A_2667 : vector<16xf32>
    %swap3A_2669 = arith.constant 448 : index
    %swap3A_2670 = tpu.vector_load %arg13[%swap3A_2669] {strides = array<i32>} : memref<512xf32, #tpu.memory_space<vmem>>, vector<16xf32>,
    %swap3A_2671 = vector.shape_cast %swap3A_2670 : vector<16xf32> to vector<16xf32>
    %swap3A_2672 = vector.shape_cast %mul3A_2668 : vector<16xf32> to vector<16xf32>
    tpu.vector_store %arg13[%swap3A_2669], %swap3A_2672 {strides = array<i32>} : memref<512xf32, #tpu.memory_space<vmem>>, vector<16xf32>,
    %get3A_2673 = arith.constant 464 : index
    %get3A_2674 = tpu.vector_load %arg10[%get3A_2673] {strides = array<i32>} : memref<512xf32, #tpu.memory_space<vmem>>, vector<16xf32>,
    %get3A_2675 = vector.shape_cast %get3A_2674 : vector<16xf32> to vector<16xf32>
    %get3A_2676 = arith.constant 464 : index
    %get3A_2677 = tpu.vector_load %arg11[%get3A_2676] {strides = array<i32>} : memref<512xf32, #tpu.memory_space<vmem>>, vector<16xf32>,
    %get3A_2678 = vector.shape_cast %get3A_2677 : vector<16xf32> to vector<16xf32>
    %abs3A_2679 = math.absf %get3A_2678 : vector<16xf32>
    %neg3A_2680 = arith.constant 0.000000e+00 : f32
    %neg3A_2681 = vector.broadcast %neg3A_2680 : f32 to vector<16xf32>
    %neg3A_2682 = arith.subf %neg3A_2681, %abs3A_2679 : vector<16xf32>
    %exp3A_2683 = math.exp %neg3A_2682 : vector<16xf32>
    %mul3A_2684 = arith.constant -0.0236892365 : f32
    %mul3A_2685 = vector.broadcast %mul3A_2684 : f32 to vector<16xf32>
    %mul3A_2686 = arith.mulf %mul3A_2685, %exp3A_2683 : vector<16xf32>
    %add3A_2687 = arith.constant 0.100287139 : f32
    %add3A_2688 = vector.broadcast %add3A_2687 : f32 to vector<16xf32>
    %add3A_2689 = arith.addf %mul3A_2686, %add3A_2688 : vector<16xf32>
    %mul3A_2690 = arith.mulf %add3A_2689, %exp3A_2683 : vector<16xf32>
    %add3A_2691 = arith.constant -0.208669573 : f32
    %add3A_2692 = vector.broadcast %add3A_2691 : f32 to vector<16xf32>
    %add3A_2693 = arith.addf %mul3A_2690, %add3A_2692 : vector<16xf32>
    %mul3A_2694 = arith.mulf %add3A_2693, %exp3A_2683 : vector<16xf32>
    %add3A_2695 = arith.constant 0.32441175 : f32
    %add3A_2696 = vector.broadcast %add3A_2695 : f32 to vector<16xf32>
    %add3A_2697 = arith.addf %mul3A_2694, %add3A_2696 : vector<16xf32>
    %mul3A_2698 = arith.mulf %add3A_2697, %exp3A_2683 : vector<16xf32>
    %add3A_2699 = arith.constant -0.499187827 : f32
    %add3A_2700 = vector.broadcast %add3A_2699 : f32 to vector<16xf32>
    %add3A_2701 = arith.addf %mul3A_2698, %add3A_2700 : vector<16xf32>
    %mul3A_2702 = arith.mulf %add3A_2701, %exp3A_2683 : vector<16xf32>
    %add3A_2703 = arith.constant 0.99998188 : f32
    %add3A_2704 = vector.broadcast %add3A_2703 : f32 to vector<16xf32>
    %add3A_2705 = arith.addf %mul3A_2702, %add3A_2704 : vector<16xf32>
    %max3A_2706 = arith.constant 0.000000e+00 : f32
    %max3A_2707 = vector.broadcast %max3A_2706 : f32 to vector<16xf32>
    %max3A_2708 = arith.maximumf %get3A_2678, %max3A_2707 : vector<16xf32>
    %mul3A_2709 = arith.mulf %exp3A_2683, %add3A_2705 : vector<16xf32>
    %add3A_2710 = arith.addf %max3A_2708, %mul3A_2709 : vector<16xf32>
    %get3A_2711 = arith.constant 464 : index
    %get3A_2712 = tpu.vector_load %arg12[%get3A_2711] {strides = array<i32>} : memref<512xf32, #tpu.memory_space<vmem>>, vector<16xf32>,
    %get3A_2713 = vector.shape_cast %get3A_2712 : vector<16xf32> to vector<16xf32>
    %abs3A_2714 = math.absf %get3A_2713 : vector<16xf32>
    %neg3A_2715 = arith.constant 0.000000e+00 : f32
    %neg3A_2716 = vector.broadcast %neg3A_2715 : f32 to vector<16xf32>
    %neg3A_2717 = arith.subf %neg3A_2716, %abs3A_2714 : vector<16xf32>
    %exp3A_2718 = math.exp %neg3A_2717 : vector<16xf32>
    %mul3A_2719 = arith.constant -0.0236892365 : f32
    %mul3A_2720 = vector.broadcast %mul3A_2719 : f32 to vector<16xf32>
    %mul3A_2721 = arith.mulf %mul3A_2720, %exp3A_2718 : vector<16xf32>
    %add3A_2722 = arith.constant 0.100287139 : f32
    %add3A_2723 = vector.broadcast %add3A_2722 : f32 to vector<16xf32>
    %add3A_2724 = arith.addf %mul3A_2721, %add3A_2723 : vector<16xf32>
    %mul3A_2725 = arith.mulf %add3A_2724, %exp3A_2718 : vector<16xf32>
    %add3A_2726 = arith.constant -0.208669573 : f32
    %add3A_2727 = vector.broadcast %add3A_2726 : f32 to vector<16xf32>
    %add3A_2728 = arith.addf %mul3A_2725, %add3A_2727 : vector<16xf32>
    %mul3A_2729 = arith.mulf %add3A_2728, %exp3A_2718 : vector<16xf32>
    %add3A_2730 = arith.constant 0.32441175 : f32
    %add3A_2731 = vector.broadcast %add3A_2730 : f32 to vector<16xf32>
    %add3A_2732 = arith.addf %mul3A_2729, %add3A_2731 : vector<16xf32>
    %mul3A_2733 = arith.mulf %add3A_2732, %exp3A_2718 : vector<16xf32>
    %add3A_2734 = arith.constant -0.499187827 : f32
    %add3A_2735 = vector.broadcast %add3A_2734 : f32 to vector<16xf32>
    %add3A_2736 = arith.addf %mul3A_2733, %add3A_2735 : vector<16xf32>
    %mul3A_2737 = arith.mulf %add3A_2736, %exp3A_2718 : vector<16xf32>
    %add3A_2738 = arith.constant 0.99998188 : f32
    %add3A_2739 = vector.broadcast %add3A_2738 : f32 to vector<16xf32>
    %add3A_2740 = arith.addf %mul3A_2737, %add3A_2739 : vector<16xf32>
    %max3A_2741 = arith.constant 0.000000e+00 : f32
    %max3A_2742 = vector.broadcast %max3A_2741 : f32 to vector<16xf32>
    %max3A_2743 = arith.maximumf %get3A_2713, %max3A_2742 : vector<16xf32>
    %mul3A_2744 = arith.mulf %exp3A_2718, %add3A_2740 : vector<16xf32>
    %add3A_2745 = arith.addf %max3A_2743, %mul3A_2744 : vector<16xf32>
    %mul3A_2746 = arith.mulf %add3A_2710, %add3A_2745 : vector<16xf32>
    %mul3A_2747 = arith.mulf %get3A_2675, %mul3A_2746 : vector<16xf32>
    %swap3A_2748 = arith.constant 464 : index
    %swap3A_2749 = tpu.vector_load %arg13[%swap3A_2748] {strides = array<i32>} : memref<512xf32, #tpu.memory_space<vmem>>, vector<16xf32>,
    %swap3A_2750 = vector.shape_cast %swap3A_2749 : vector<16xf32> to vector<16xf32>
    %swap3A_2751 = vector.shape_cast %mul3A_2747 : vector<16xf32> to vector<16xf32>
    tpu.vector_store %arg13[%swap3A_2748], %swap3A_2751 {strides = array<i32>} : memref<512xf32, #tpu.memory_space<vmem>>, vector<16xf32>,
    %get3A_2752 = arith.constant 480 : index
    %get3A_2753 = tpu.vector_load %arg10[%get3A_2752] {strides = array<i32>} : memref<512xf32, #tpu.memory_space<vmem>>, vector<16xf32>,
    %get3A_2754 = vector.shape_cast %get3A_2753 : vector<16xf32> to vector<16xf32>
    %get3A_2755 = arith.constant 480 : index
    %get3A_2756 = tpu.vector_load %arg11[%get3A_2755] {strides = array<i32>} : memref<512xf32, #tpu.memory_space<vmem>>, vector<16xf32>,
    %get3A_2757 = vector.shape_cast %get3A_2756 : vector<16xf32> to vector<16xf32>
    %abs3A_2758 = math.absf %get3A_2757 : vector<16xf32>
    %neg3A_2759 = arith.constant 0.000000e+00 : f32
    %neg3A_2760 = vector.broadcast %neg3A_2759 : f32 to vector<16xf32>
    %neg3A_2761 = arith.subf %neg3A_2760, %abs3A_2758 : vector<16xf32>
    %exp3A_2762 = math.exp %neg3A_2761 : vector<16xf32>
    %mul3A_2763 = arith.constant -0.0236892365 : f32
    %mul3A_2764 = vector.broadcast %mul3A_2763 : f32 to vector<16xf32>
    %mul3A_2765 = arith.mulf %mul3A_2764, %exp3A_2762 : vector<16xf32>
    %add3A_2766 = arith.constant 0.100287139 : f32
    %add3A_2767 = vector.broadcast %add3A_2766 : f32 to vector<16xf32>
    %add3A_2768 = arith.addf %mul3A_2765, %add3A_2767 : vector<16xf32>
    %mul3A_2769 = arith.mulf %add3A_2768, %exp3A_2762 : vector<16xf32>
    %add3A_2770 = arith.constant -0.208669573 : f32
    %add3A_2771 = vector.broadcast %add3A_2770 : f32 to vector<16xf32>
    %add3A_2772 = arith.addf %mul3A_2769, %add3A_2771 : vector<16xf32>
    %mul3A_2773 = arith.mulf %add3A_2772, %exp3A_2762 : vector<16xf32>
    %add3A_2774 = arith.constant 0.32441175 : f32
    %add3A_2775 = vector.broadcast %add3A_2774 : f32 to vector<16xf32>
    %add3A_2776 = arith.addf %mul3A_2773, %add3A_2775 : vector<16xf32>
    %mul3A_2777 = arith.mulf %add3A_2776, %exp3A_2762 : vector<16xf32>
    %add3A_2778 = arith.constant -0.499187827 : f32
    %add3A_2779 = vector.broadcast %add3A_2778 : f32 to vector<16xf32>
    %add3A_2780 = arith.addf %mul3A_2777, %add3A_2779 : vector<16xf32>
    %mul3A_2781 = arith.mulf %add3A_2780, %exp3A_2762 : vector<16xf32>
    %add3A_2782 = arith.constant 0.99998188 : f32
    %add3A_2783 = vector.broadcast %add3A_2782 : f32 to vector<16xf32>
    %add3A_2784 = arith.addf %mul3A_2781, %add3A_2783 : vector<16xf32>
    %max3A_2785 = arith.constant 0.000000e+00 : f32
    %max3A_2786 = vector.broadcast %max3A_2785 : f32 to vector<16xf32>
    %max3A_2787 = arith.maximumf %get3A_2757, %max3A_2786 : vector<16xf32>
    %mul3A_2788 = arith.mulf %exp3A_2762, %add3A_2784 : vector<16xf32>
    %add3A_2789 = arith.addf %max3A_2787, %mul3A_2788 : vector<16xf32>
    %get3A_2790 = arith.constant 480 : index
    %get3A_2791 = tpu.vector_load %arg12[%get3A_2790] {strides = array<i32>} : memref<512xf32, #tpu.memory_space<vmem>>, vector<16xf32>,
    %get3A_2792 = vector.shape_cast %get3A_2791 : vector<16xf32> to vector<16xf32>
    %abs3A_2793 = math.absf %get3A_2792 : vector<16xf32>
    %neg3A_2794 = arith.constant 0.000000e+00 : f32
    %neg3A_2795 = vector.broadcast %neg3A_2794 : f32 to vector<16xf32>
    %neg3A_2796 = arith.subf %neg3A_2795, %abs3A_2793 : vector<16xf32>
    %exp3A_2797 = math.exp %neg3A_2796 : vector<16xf32>
    %mul3A_2798 = arith.constant -0.0236892365 : f32
    %mul3A_2799 = vector.broadcast %mul3A_2798 : f32 to vector<16xf32>
    %mul3A_2800 = arith.mulf %mul3A_2799, %exp3A_2797 : vector<16xf32>
    %add3A_2801 = arith.constant 0.100287139 : f32
    %add3A_2802 = vector.broadcast %add3A_2801 : f32 to vector<16xf32>
    %add3A_2803 = arith.addf %mul3A_2800, %add3A_2802 : vector<16xf32>
    %mul3A_2804 = arith.mulf %add3A_2803, %exp3A_2797 : vector<16xf32>
    %add3A_2805 = arith.constant -0.208669573 : f32
    %add3A_2806 = vector.broadcast %add3A_2805 : f32 to vector<16xf32>
    %add3A_2807 = arith.addf %mul3A_2804, %add3A_2806 : vector<16xf32>
    %mul3A_2808 = arith.mulf %add3A_2807, %exp3A_2797 : vector<16xf32>
    %add3A_2809 = arith.constant 0.32441175 : f32
    %add3A_2810 = vector.broadcast %add3A_2809 : f32 to vector<16xf32>
    %add3A_2811 = arith.addf %mul3A_2808, %add3A_2810 : vector<16xf32>
    %mul3A_2812 = arith.mulf %add3A_2811, %exp3A_2797 : vector<16xf32>
    %add3A_2813 = arith.constant -0.499187827 : f32
    %add3A_2814 = vector.broadcast %add3A_2813 : f32 to vector<16xf32>
    %add3A_2815 = arith.addf %mul3A_2812, %add3A_2814 : vector<16xf32>
    %mul3A_2816 = arith.mulf %add3A_2815, %exp3A_2797 : vector<16xf32>
    %add3A_2817 = arith.constant 0.99998188 : f32
    %add3A_2818 = vector.broadcast %add3A_2817 : f32 to vector<16xf32>
    %add3A_2819 = arith.addf %mul3A_2816, %add3A_2818 : vector<16xf32>
    %max3A_2820 = arith.constant 0.000000e+00 : f32
    %max3A_2821 = vector.broadcast %max3A_2820 : f32 to vector<16xf32>
    %max3A_2822 = arith.maximumf %get3A_2792, %max3A_2821 : vector<16xf32>
    %mul3A_2823 = arith.mulf %exp3A_2797, %add3A_2819 : vector<16xf32>
    %add3A_2824 = arith.addf %max3A_2822, %mul3A_2823 : vector<16xf32>
    %mul3A_2825 = arith.mulf %add3A_2789, %add3A_2824 : vector<16xf32>
    %mul3A_2826 = arith.mulf %get3A_2754, %mul3A_2825 : vector<16xf32>
    %swap3A_2827 = arith.constant 480 : index
    %swap3A_2828 = tpu.vector_load %arg13[%swap3A_2827] {strides = array<i32>} : memref<512xf32, #tpu.memory_space<vmem>>, vector<16xf32>,
    %swap3A_2829 = vector.shape_cast %swap3A_2828 : vector<16xf32> to vector<16xf32>
    %swap3A_2830 = vector.shape_cast %mul3A_2826 : vector<16xf32> to vector<16xf32>
    tpu.vector_store %arg13[%swap3A_2827], %swap3A_2830 {strides = array<i32>} : memref<512xf32, #tpu.memory_space<vmem>>, vector<16xf32>,
    %get3A_2831 = arith.constant 496 : index
    %get3A_2832 = tpu.vector_load %arg10[%get3A_2831] {strides = array<i32>} : memref<512xf32, #tpu.memory_space<vmem>>, vector<16xf32>,
    %get3A_2833 = vector.shape_cast %get3A_2832 : vector<16xf32> to vector<16xf32>
    %get3A_2834 = arith.constant 496 : index
    %get3A_2835 = tpu.vector_load %arg11[%get3A_2834] {strides = array<i32>} : memref<512xf32, #tpu.memory_space<vmem>>, vector<16xf32>,
    %get3A_2836 = vector.shape_cast %get3A_2835 : vector<16xf32> to vector<16xf32>
    %abs3A_2837 = math.absf %get3A_2836 : vector<16xf32>
    %neg3A_2838 = arith.constant 0.000000e+00 : f32
    %neg3A_2839 = vector.broadcast %neg3A_2838 : f32 to vector<16xf32>
    %neg3A_2840 = arith.subf %neg3A_2839, %abs3A_2837 : vector<16xf32>
    %exp3A_2841 = math.exp %neg3A_2840 : vector<16xf32>
    %mul3A_2842 = arith.constant -0.0236892365 : f32
    %mul3A_2843 = vector.broadcast %mul3A_2842 : f32 to vector<16xf32>
    %mul3A_2844 = arith.mulf %mul3A_2843, %exp3A_2841 : vector<16xf32>
    %add3A_2845 = arith.constant 0.100287139 : f32
    %add3A_2846 = vector.broadcast %add3A_2845 : f32 to vector<16xf32>
    %add3A_2847 = arith.addf %mul3A_2844, %add3A_2846 : vector<16xf32>
    %mul3A_2848 = arith.mulf %add3A_2847, %exp3A_2841 : vector<16xf32>
    %add3A_2849 = arith.constant -0.208669573 : f32
    %add3A_2850 = vector.broadcast %add3A_2849 : f32 to vector<16xf32>
    %add3A_2851 = arith.addf %mul3A_2848, %add3A_2850 : vector<16xf32>
    %mul3A_2852 = arith.mulf %add3A_2851, %exp3A_2841 : vector<16xf32>
    %add3A_2853 = arith.constant 0.32441175 : f32
    %add3A_2854 = vector.broadcast %add3A_2853 : f32 to vector<16xf32>
    %add3A_2855 = arith.addf %mul3A_2852, %add3A_2854 : vector<16xf32>
    %mul3A_2856 = arith.mulf %add3A_2855, %exp3A_2841 : vector<16xf32>
    %add3A_2857 = arith.constant -0.499187827 : f32
    %add3A_2858 = vector.broadcast %add3A_2857 : f32 to vector<16xf32>
    %add3A_2859 = arith.addf %mul3A_2856, %add3A_2858 : vector<16xf32>
    %mul3A_2860 = arith.mulf %add3A_2859, %exp3A_2841 : vector<16xf32>
    %add3A_2861 = arith.constant 0.99998188 : f32
    %add3A_2862 = vector.broadcast %add3A_2861 : f32 to vector<16xf32>
    %add3A_2863 = arith.addf %mul3A_2860, %add3A_2862 : vector<16xf32>
    %max3A_2864 = arith.constant 0.000000e+00 : f32
    %max3A_2865 = vector.broadcast %max3A_2864 : f32 to vector<16xf32>
    %max3A_2866 = arith.maximumf %get3A_2836, %max3A_2865 : vector<16xf32>
    %mul3A_2867 = arith.mulf %exp3A_2841, %add3A_2863 : vector<16xf32>
    %add3A_2868 = arith.addf %max3A_2866, %mul3A_2867 : vector<16xf32>
    %get3A_2869 = arith.constant 496 : index
    %get3A_2870 = tpu.vector_load %arg12[%get3A_2869] {strides = array<i32>} : memref<512xf32, #tpu.memory_space<vmem>>, vector<16xf32>,
    %get3A_2871 = vector.shape_cast %get3A_2870 : vector<16xf32> to vector<16xf32>
    %abs3A_2872 = math.absf %get3A_2871 : vector<16xf32>
    %neg3A_2873 = arith.constant 0.000000e+00 : f32
    %neg3A_2874 = vector.broadcast %neg3A_2873 : f32 to vector<16xf32>
    %neg3A_2875 = arith.subf %neg3A_2874, %abs3A_2872 : vector<16xf32>
    %exp3A_2876 = math.exp %neg3A_2875 : vector<16xf32>
    %mul3A_2877 = arith.constant -0.0236892365 : f32
    %mul3A_2878 = vector.broadcast %mul3A_2877 : f32 to vector<16xf32>
    %mul3A_2879 = arith.mulf %mul3A_2878, %exp3A_2876 : vector<16xf32>
    %add3A_2880 = arith.constant 0.100287139 : f32
    %add3A_2881 = vector.broadcast %add3A_2880 : f32 to vector<16xf32>
    %add3A_2882 = arith.addf %mul3A_2879, %add3A_2881 : vector<16xf32>
    %mul3A_2883 = arith.mulf %add3A_2882, %exp3A_2876 : vector<16xf32>
    %add3A_2884 = arith.constant -0.208669573 : f32
    %add3A_2885 = vector.broadcast %add3A_2884 : f32 to vector<16xf32>
    %add3A_2886 = arith.addf %mul3A_2883, %add3A_2885 : vector<16xf32>
    %mul3A_2887 = arith.mulf %add3A_2886, %exp3A_2876 : vector<16xf32>
    %add3A_2888 = arith.constant 0.32441175 : f32
    %add3A_2889 = vector.broadcast %add3A_2888 : f32 to vector<16xf32>
    %add3A_2890 = arith.addf %mul3A_2887, %add3A_2889 : vector<16xf32>
    %mul3A_2891 = arith.mulf %add3A_2890, %exp3A_2876 : vector<16xf32>
    %add3A_2892 = arith.constant -0.499187827 : f32
    %add3A_2893 = vector.broadcast %add3A_2892 : f32 to vector<16xf32>
    %add3A_2894 = arith.addf %mul3A_2891, %add3A_2893 : vector<16xf32>
    %mul3A_2895 = arith.mulf %add3A_2894, %exp3A_2876 : vector<16xf32>
    %add3A_2896 = arith.constant 0.99998188 : f32
    %add3A_2897 = vector.broadcast %add3A_2896 : f32 to vector<16xf32>
    %add3A_2898 = arith.addf %mul3A_2895, %add3A_2897 : vector<16xf32>
    %max3A_2899 = arith.constant 0.000000e+00 : f32
    %max3A_2900 = vector.broadcast %max3A_2899 : f32 to vector<16xf32>
    %max3A_2901 = arith.maximumf %get3A_2871, %max3A_2900 : vector<16xf32>
    %mul3A_2902 = arith.mulf %exp3A_2876, %add3A_2898 : vector<16xf32>
    %add3A_2903 = arith.addf %max3A_2901, %mul3A_2902 : vector<16xf32>
    %mul3A_2904 = arith.mulf %add3A_2868, %add3A_2903 : vector<16xf32>
    %mul3A_2905 = arith.mulf %get3A_2833, %mul3A_2904 : vector<16xf32>
    %swap3A_2906 = arith.constant 496 : index
    %swap3A_2907 = tpu.vector_load %arg13[%swap3A_2906] {strides = array<i32>} : memref<512xf32, #tpu.memory_space<vmem>>, vector<16xf32>,
    %swap3A_2908 = vector.shape_cast %swap3A_2907 : vector<16xf32> to vector<16xf32>
    %swap3A_2909 = vector.shape_cast %mul3A_2905 : vector<16xf32> to vector<16xf32>
    tpu.vector_store %arg13[%swap3A_2906], %swap3A_2909 {strides = array<i32>} : memref<512xf32, #tpu.memory_space<vmem>>, vector<16xf32>,
    %add3A_2910 = arith.constant 256 : i32
    %add3A_2911 = arith.addi %mul3A_2, %add3A_2910 : i32
    %dma_start3A_2912 = arith.constant 256 : i32
    %dma_start3A_2913 = tpu.memref_slice %arg13[%dma_start3A_2912] : memref<512xf32, #tpu.memory_space<vmem>> -> memref<256xf32, #tpu.memory_space<vmem>>
    %dma_start3A_2914 = tpu.memref_slice %arg7[%add3A_2911] : memref<16384xf32, #tpu.memory_space<hbm>> -> memref<256xf32, #tpu.memory_space<hbm>>
    %dma_start3A_2915 = tpu.memref_slice %arg7[%add3A_2911] : memref<16384xf32, #tpu.memory_space<hbm>> -> memref<256xf32, #tpu.memory_space<hbm>>
    %dma_start3A_2916 = arith.constant 256 : i32
    %dma_start3A_2917 = tpu.memref_slice %arg13[%dma_start3A_2916] : memref<512xf32, #tpu.memory_space<vmem>> -> memref<256xf32, #tpu.memory_space<vmem>>
    tpu.enqueue_dma source(%dma_start3A_2917 : memref<256xf32, #tpu.memory_space<vmem>>) target(%dma_start3A_2915 : memref<256xf32, #tpu.memory_space<hbm>>) target_semaphore(%arg19 : memref<!tpu.dma_semaphore, #tpu.memory_space<semaphore_mem>>)
    %dma_wait3A_2918 = arith.constant 0 : i32
    %dma_wait3A_2919 = tpu.memref_slice %arg13[%dma_wait3A_2918] : memref<512xf32, #tpu.memory_space<vmem>> -> memref<256xf32, #tpu.memory_space<vmem>>
    %dma_wait3A_2920 = tpu.memref_slice %arg7[%add3A_1627] : memref<16384xf32, #tpu.memory_space<hbm>> -> memref<256xf32, #tpu.memory_space<hbm>>
    %dma_wait3A_2921 = tpu.memref_slice %arg7[%add3A_1627] : memref<16384xf32, #tpu.memory_space<hbm>> -> memref<256xf32, #tpu.memory_space<hbm>>
    %dma_wait3A_2922 = arith.constant 0 : i32
    %dma_wait3A_2923 = tpu.memref_slice %arg13[%dma_wait3A_2922] : memref<512xf32, #tpu.memory_space<vmem>> -> memref<256xf32, #tpu.memory_space<vmem>>
    tpu.wait_dma2 semaphore(%arg19 : memref<!tpu.dma_semaphore, #tpu.memory_space<semaphore_mem>>) src(%dma_wait3A_2923 : memref<256xf32, #tpu.memory_space<vmem>>) dst(%dma_wait3A_2921 : memref<256xf32, #tpu.memory_space<hbm>>)
    %dma_wait3A_2924 = arith.constant 256 : i32
    %dma_wait3A_2925 = tpu.memref_slice %arg13[%dma_wait3A_2924] : memref<512xf32, #tpu.memory_space<vmem>> -> memref<256xf32, #tpu.memory_space<vmem>>
    %dma_wait3A_2926 = tpu.memref_slice %arg7[%add3A_2911] : memref<16384xf32, #tpu.memory_space<hbm>> -> memref<256xf32, #tpu.memory_space<hbm>>
    %dma_wait3A_2927 = tpu.memref_slice %arg7[%add3A_2911] : memref<16384xf32, #tpu.memory_space<hbm>> -> memref<256xf32, #tpu.memory_space<hbm>>
    %dma_wait3A_2928 = arith.constant 256 : i32
    %dma_wait3A_2929 = tpu.memref_slice %arg13[%dma_wait3A_2928] : memref<512xf32, #tpu.memory_space<vmem>> -> memref<256xf32, #tpu.memory_space<vmem>>
    tpu.wait_dma2 semaphore(%arg19 : memref<!tpu.dma_semaphore, #tpu.memory_space<semaphore_mem>>) src(%dma_wait3A_2929 : memref<256xf32, #tpu.memory_space<vmem>>) dst(%dma_wait3A_2927 : memref<256xf32, #tpu.memory_space<hbm>>)
    return
  }
}

</mosaic_0001>

<sc_bundles>
// kernel: kernel.3.cloned.1.call-start
scs
__scs_entry_jumppad:
0x0: {  	(pc) =	sbr.rel $0x88, $3  }
0x1: {  	(tag) =	ssettag $0x0;
	lr =	simm.s32 $0x1  }
0x2: {  	[smem:$0x3F9C] =	sst lr;
	_ =	strace $0xD0000000  }
0x3: {  	_ = 	snop  }
0x4: {  	_ = 	snop  }
0x5: {  	_ = 	snop  }
0x6: {  	_ = 	snop  }
0x7: {  	_ = 	snop  }
__scs_overlays_trampoline_lowered:
0x8: {  	[smem:$0x3FAB] =	sst s0  }
0x9: {  	[smem:$0x3FAC] =	sst s1  }
0xa: {  	[smem:$0x3FAD] =	sst s2  }
0xb: {  	[smem:$0x3FAE] =	sst s3  }
0xc: {  	[smem:$0x3FAF] =	sst s4  }
0xd: {  	[smem:$0x3FB0] =	sst s5  }
0xe: {  	[smem:$0x3FB1] =	sst s6  }
0xf: {  	[smem:$0x3FB2] =	sst s7  }
0x10: {  	[smem:$0x3FB3] =	sst s8  }
0x11: {  	[smem:$0x3FB4] =	sst s9;
	s0 =	simm.s32 @!p0 $0x0  }
0x12: {  	s1 =	sld [smem:$0x3F9A];
	s0 =	simm.s32 @p0 $0x1  }
0x13: {  	[smem:$0x3FB5] =	sst s0;
	s0 =	simm.s32 @!p1 $0x0  }
0x14: {  	s2 =	sld [smem:$0x3F99];
	s0 =	simm.s32 @p1 $0x1  }
0x15: {  	[smem:$0x3FB6] =	sst s0;
	s0 =	simm.s32 @!p2 $0x0  }
0x16: {  	s3 =	sld [smem:$0x3FDB];
	s0 =	simm.s32 @p2 $0x1  }
0x17: {  	s4 =	simm.s32 $0x1BF5;
	[smem:$0x3FB8] =	sst s0  }
0x18: {  	s0 =	sld [smem:$0x3F9B];
	_ =	swait.ge [sflag:s4], $0x0  }
0x19: {  	s7 =	sld [smem:$0x3F9C]  }
0x1a: {  	s8 =	sadd.s32 $0xFFFFE003, lr  }
0x1b: {  	s9 =	sadd.s32 $0xFFFFFEF7, lr;
	s5 =	simm.s32 $0xFFFFFFFF;
	p2 =	slt.u32 s8, $0xFFFFF086  }
0x1c: {  	p1 =	slt.u32 s9, $0xF7A;
	s5 =	simm.s32 @!p2 $0x0  }
0x1d: {  	s5 =	simm.s32 @p1 $0x1;
	p0 =	seq.s32 s7, s2  }
0x1e: {  	s7 =	smul.u32 @!p0 $0xF7A, s2;
	p2 =	seq.s32 @!p0 s5, $0x0  }
0x1f: {  	s9 =	smul.u32 $0xF7A, s1;
	s8 =	simm.s32 @!p0 $0x1BF5;
	p2 =	por !p2, p0  }
0x20: {  	[sflag:s8] =	ssyncset.s32 @!p0 $0xFFFFF086;
	s6 =	sadd.s32 @!p0 s3, s7;
	s7 =	simm.s32 @!p0 $0x108  }
0x21: {  	s3 =	sadd.s32 s3, s9;
	s6 =	sadd.s32 @!p0 $0x88, s6;
	s7 =	simm.s32 @p2 $0x1082  }
0x22: {  	[simem:s7], [sflag:s8] =	dma.local @!p0 [hbm:s6], $0xF7A  }
0x23: {  	s9 =	sor.u32 $0xD0000000, s2;
	s6 =	simm.s32 $0x108;
	_ =	swait.ge @!p0 [sflag:s8], $0x0  }
0x24: {  	s3 =	sadd.s32 $0x88, s3;
	s6 =	simm.s32 @!p1 $0x1082;
	[sflag:s4] =	ssyncset.s32 $0xFFFFF086  }
0x25: {  	[simem:s6], [sflag:s4] =	dma.local [hbm:s3], $0xF7A  }
0x26: {  	[smem:$0x3F9C] =	sst s1;
	(tag) =	ssettag s2;
	_ =	strace s9  }
0x27: {  	s1 =	sld [smem:$0x3FAC]  }
0x28: {  	s2 =	sld [smem:$0x3FAD]  }
0x29: {  	s4 =	sld [smem:$0x3FAF]  }
0x2a: {  	p0 =	seq.s32 s5, $0x0;
	s5 =	sld [smem:$0x3FB0]  }
0x2b: {  	s6 =	sld [smem:$0x3FB1]  }
0x2c: {  	s7 =	sld [smem:$0x3FB2]  }
0x2d: {  	s3 =	simm.s32 $0x108;
	s8 =	sld [smem:$0x3FB3]  }
0x2e: {  	s3 =	simm.s32 @!p0 $0x1082;
	s9 =	sld [smem:$0x3FB4]  }
0x2f: {  	lr =	sadd.s32 s0, s3;
	s0 =	sld [smem:$0x3FAB]  }
0x30: {  	s3 =	sld [smem:$0x3FAE]  }
0x31: {  	[smem:$0x3FB7] =	sst s10  }
0x32: {  	s10 =	sld [smem:$0x3FB5];
	_ =	sdelay $0x3  }
0x33: {  	p0 =	seq.s32 s10, $0x1;
	s10 =	sld [smem:$0x3FB7];
	_ =	sdelay $0x3  }
0x34: {  	[smem:$0x3FB7] =	sst s10  }
0x35: {  	s10 =	sld [smem:$0x3FB6];
	_ =	sdelay $0x3  }
0x36: {  	p1 =	seq.s32 s10, $0x1;
	s10 =	sld [smem:$0x3FB7];
	_ =	sdelay $0x3  }
0x37: {  	[smem:$0x3FB7] =	sst s10  }
0x38: {  	s10 =	sld [smem:$0x3FB8]  }
0x39: {  	_ = 	snop;
	(pc) =	sbr.ind lr, $3  }
0x3a: {  	_ = 	snop  }
0x3b: {  	_ = 	snop  }
0x3c: {  	p2 =	seq.s32 s10, $0x1;
	s10 =	sld [smem:$0x3FB7]  }
0x3d: {  	_ =	shalt  }
0x3e: {  	_ =	shalt  }
0x3f: {  	_ =	shalt  }
0x40: {  	_ =	shalt  }
0x41: {  	_ =	shalt  }
0x42: {  	_ =	shalt  }
0x43: {  	_ =	shalt  }
0x44: {  	_ =	shalt  }
0x45: {  	_ =	shalt  }
0x46: {  	_ =	shalt  }
0x47: {  	_ =	shalt  }
0x48: {  	_ =	shalt  }
0x49: {  	_ =	shalt  }
0x4a: {  	_ =	shalt  }
0x4b: {  	_ =	shalt  }
0x4c: {  	_ =	shalt  }
0x4d: {  	_ =	shalt  }
0x4e: {  	_ =	shalt  }
0x4f: {  	_ =	shalt  }
0x50: {  	_ =	shalt  }
0x51: {  	_ =	shalt  }
0x52: {  	_ =	shalt  }
0x53: {  	_ =	shalt  }
0x54: {  	_ =	shalt  }
0x55: {  	_ =	shalt  }
0x56: {  	_ =	shalt  }
0x57: {  	_ =	shalt  }
0x58: {  	_ =	shalt  }
0x59: {  	_ =	shalt  }
0x5a: {  	_ =	shalt  }
0x5b: {  	_ =	shalt  }
0x5c: {  	_ =	shalt  }
0x5d: {  	_ =	shalt  }
0x5e: {  	_ =	shalt  }
0x5f: {  	_ =	shalt  }
0x60: {  	_ =	shalt  }
0x61: {  	_ =	shalt  }
0x62: {  	_ =	shalt  }
0x63: {  	_ =	shalt  }
0x64: {  	_ =	shalt  }
0x65: {  	_ =	shalt  }
0x66: {  	_ =	shalt  }
0x67: {  	_ =	shalt  }
0x68: {  	_ =	shalt  }
0x69: {  	_ =	shalt  }
0x6a: {  	_ =	shalt  }
0x6b: {  	_ =	shalt  }
0x6c: {  	_ =	shalt  }
0x6d: {  	_ =	shalt  }
0x6e: {  	_ =	shalt  }
0x6f: {  	_ =	shalt  }
0x70: {  	_ =	shalt  }
0x71: {  	_ =	shalt  }
0x72: {  	_ =	shalt  }
0x73: {  	_ =	shalt  }
0x74: {  	_ =	shalt  }
0x75: {  	_ =	shalt  }
0x76: {  	_ =	shalt  }
0x77: {  	_ =	shalt  }
0x78: {  	_ =	shalt  }
0x79: {  	_ =	shalt  }
0x7a: {  	_ =	shalt  }
0x7b: {  	_ =	shalt  }
0x7c: {  	_ =	shalt  }
0x7d: {  	_ =	shalt  }
0x7e: {  	_ =	shalt  }
0x7f: {  	_ =	shalt  }
0x80: {  	_ =	shalt  }
0x81: {  	_ =	shalt  }
0x82: {  	_ =	shalt  }
0x83: {  	_ =	shalt  }
0x84: {  	_ =	shalt  }
0x85: {  	_ =	shalt  }
0x86: {  	_ =	shalt  }
0x87: {  	_ =	shalt  }
.Lfunc_end0:
.L_simem_size_0:
called_computation_lowered:
.L_overlay_start_0:
0x88: {  	s2 =	sld [smem:$0x3FD9]  }
0x89: {  	s3 =	sld [smem:$0x3FFE];
	_ =	sdelay $0x1  }
0x8a: {  	s1 =	srdreg.scid  }
0x8b: {  	s0 =	sand.u32 $0x1, s1  }
0x8c: {  	s18 =	sshll.u32 s0, $0xA;
	s2 =	sadd.s32 s3, s2  }
0x8d: {  	s2 =	sadd.s32 s2, s18  }
0x8e: {  	[smem:$0x3FC3] =	sst s2  }
0x8f: {  	_ = 	snop  }
0x90: {  	s2 =	sld [smem:$0x3FC9]  }
0x91: {  	s19 =	sld [smem:$0x3FC8]  }
0x92: {  	s4 =	sld [smem:$0x3FC7]  }
0x93: {  	s5 =	sld [smem:$0x3FC6]  }
0x94: {  	s6 =	sld [smem:$0x3FC5]  }
0x95: {  	s7 =	sld [smem:$0x3FD0];
	(tm) =	ssettm $0x1  }
0x96: {  	s8 =	sld [smem:$0x3FFB];
	_ =	sdelay $0x3  }
0x97: {  	_ =	strace s8  }
0x98: {  	s8 =	sld [smem:$0x3FFC];
	_ =	sdelay $0x3  }
0x99: {  	_ =	strace s8  }
0x9a: {  	s8 =	sld [smem:$0x3FFD];
	_ =	sdelay $0x3  }
0x9b: {  	_ =	strace s8  }
0x9c: {  	_ =	strace $0x8FFFFFFF  }
0x9d: {  	s20 =	sld [smem:$0x3FDB];
	_ =	sdelay $0x1  }
0x9e: {  	s9 =	simm.s32 $_scs_section_size  }
0x9f: {  	s10 =	simm.s32 $_size__tile_overlayer_lowered;
	s11 =	simm.s32 $_tile_overlayer_lowered  }
0xa0: {  	s23 =	simm.s32 $0x1BFF;
	s22 =	sshll.u32 s11, $0x1;
	s8 =	sadd.s32 s9, s20  }
0xa1: {  	s12 =	simm.s32 $0x0;
	s21 =	sshll.u32 s10, $0x1;
	s10 =	sadd.s32 s22, s8  }
0xa2: {  	[timem:s12], [sflag:s23] =	dma.local [hbm:s10], s21  }
0xa3: {  	_ =	swait.ge [sflag:s23], s21  }
0xa4: {  	s9 =	ssub.s32 $0x0, s21;
	[sflag:s23] =	ssyncset.done $0x0  }
0xa5: {  	[sflag:s23] =	ssyncadd.s32 s9;
	_ =	sdelay $0x1  }
0xa6: {  	s24 =	simm.s32 $0x1B8B  }
0xa7: {  	_ =	swait.ge [sflag:s24], $0x1  }
0xa8: {  	[sflag:s24] =	ssyncset.done $0x0  }
0xa9: {  	s25 =	simm.s32 $0x1B8E;
	[sflag:s24] =	ssyncadd.s32 $0xFFFFFFFF  }
0xaa: {  	s26 =	simm.s32 $execute0_lowered;
	[smem:$0x3FD2] =	sst s25  }
0xab: {  	s9 =	sshll.u32 s26, $0x1;
	_ =	strace $0x80000046;
	[dreg:$0x1] =	wrdreg $0xFFFFFFFF  }
0xac: {  	s28 =	simm.s32 $_size_execute0_lowered;
	s8 =	sadd.s32 s8, s9;
	[dreg:$0x0] =	wrdreg $0x0  }
0xad: {  	s9 =	sshll.u32 s28, $0x1;
	[dreg:$0x2] =	wrdreg s8  }
0xae: {  	[dreg:$0x3] =	wrdreg s9  }
0xaf: {  	[dreg:$0x4] =	wrdreg $0xC0  }
0xb0: {  	_ =	task [dreg:s12], $0x5FFFF  }
0xb1: {  	[dreg:$0x1] =	wrdreg $0xFFFFFFFF  }
0xb2: {  	[dreg:$0x0] =	wrdreg $0x60  }
0xb3: {  	[dreg:$0x2] =	wrdreg s2  }
0xb4: {  	[dreg:$0x3] =	wrdreg s19  }
0xb5: {  	[dreg:$0x4] =	wrdreg s4  }
0xb6: {  	[dreg:$0x5] =	wrdreg s5  }
0xb7: {  	[dreg:$0x6] =	wrdreg s6  }
0xb8: {  	[dreg:$0x7] =	wrdreg s7  }
0xb9: {  	[dreg:$0x8] =	wrdreg $0x9  }
0xba: {  	_ =	task.clear_ibuf [dreg:s12], $0x9FFFF;
	_ =	strace $0x90000046  }
0xbb: {  	s29 =	simm.s32 $0x9;
	_ =	strace $0x80000048  }
0xbc: {  	_ =	swait.ge [sflag:s29], $0x1  }
0xbd: {  	[sflag:s29] =	ssyncadd.s32 $0xFFFFFFFF  }
0xbe: {  	_ =	strace $0x90000048  }
0xbf: {  	_ =	sfence  }
0xc0: {  	s30 =	sld [smem:$0x0];
	_ =	sdelay $0x2  }
0xc1: {  	s31 =	sshll.u32 s1, $0xD;
	s1 =	sshrl.u32 s1, $0x2  }
0xc2: {  	s3 =	sand.u32 $0x4000, s31;
	s1 =	sadd.s32 s1, s30  }
0xc3: {  	s0 =	sor.u32 s3, s0;
	s1 =	sshll.u32 s1, $0x11  }
0xc4: {  	s0 =	sor.u32 s1, s0  }
0xc5: {  	s0 =	sadd.s32 $0x8F2B, s0  }
0xc6: {  	[sflag:s0] =	ssyncadd.remote.s32 $0x1  }
0xc7: {  	_ =	sfence.sel $0xFFFF  }
0xc8: {  	[dreg:$0x0] =	wrdreg $0xFFFFFFFF;
	(pc) =	sbr.abs _section_cstart, $3  }
0xc9: {  	[dreg:$0x1] =	wrdreg $0xFFFFFFFF  }
0xca: {  	_ =	task.clear_ibuf [dreg:s12], $0x2FFFF;
	_ =	strace $0x9FFFFFFF  }
0xcb: {  	(tm) =	ssettm $0x7FFFFFFF  }
tec
execute0_lowered:
.L_overlay_start_1:
0x0: {  	(tag) =	ssettag $0x1  }
0x1: {  	s5 =	rddreg [dreg:$0x0]  }
0x2: {  	s6 =	rddreg [dreg:$0x1]  }
0x3: {  	s7 =	rddreg [dreg:$0x2]  }
0x4: {  	s1 =	rddreg [dreg:$0x3]  }
0x5: {  	s2 =	rddreg [dreg:$0x4]  }
0x6: {  	s8 =	rddreg [dreg:$0x5]  }
0x7: {  	s0 =	rddreg [dreg:$0x6];
	s9 =	srdreg.scid  }
0x8: {  	s4 =	simm.s32 $0x0;
	s3 =	stileid.u32;
	s13 =	simm.s32 $0x1  }
0x9: {  	s14 =	simm.s32 $0x2;
	s15 =	simm.s32 $0x100;
	s16 =	simm.s32 $0x600  }
0xa: {  	s17 =	simm.s32 $0x800;
	s18 =	simm.s32 $0x700;
	s19 =	simm.s32 $0x300  }
0xb: {  	s20 =	simm.s32 $0x900;
	s21 =	simm.s32 $0x3;
	s22 =	simm.s32 $0x4  }
0xc: {  	s23 =	simm.s32 $0xA00;
	s24 =	simm.s32 $0x5;
	s25 =	simm.s32 $0xB00  }
0xd: {  	s26 =	simm.s32 $0x6;
	s9 =	sand.u32 $0x1, s9;
	s11 =	sshll.u32 s3, $0x7  }
0xe: {  	[smem:$0x7FF] =	sst s4;
	s10 =	ssub.s32 $0x2, s9;
	s9 =	sshll.u32 s9, $0x6  }
0xf: {  	_ =	strace $0x80000047;
	s12 =	sshrl.u32 s10, $0x1;
	s9 =	sor.u32 s9, s11  }
0x10: {  	s11 =	simm.s32 $0x200;
	s10 =	ssub.s32 s10, s12;
	s5 =	sadd.s32 s5, s9  }
0x11: {  	s6 =	sadd.s32 s6, s9;
	s7 =	sadd.s32 s7, s9;
	s8 =	sadd.s32 s8, s9  }
0x12: {  	s12 =	simm.s32 $0x400;
	s9 =	sadd.s32 $0x20, s8;
	s10 =	smax.u32 s10, $0x1  }
.LBB2_1:
0x13: {  	[tilespmem:s4], [sflag:$0x1] =	stream.linear.gather [hbm4b:s5+s4], $0x200, $0x38;
	[tilespmem:$0xC00] =	vst v63  }
0x14: {  	_ = 	snop  }
0x15: {  	[tilespmem:s11], [sflag:$0x2] =	stream.linear.gather [hbm4b:s6+s4], $0x200, $0x38;
	[tilespmem:$0xC00] =	vst v63  }
0x16: {  	_ = 	snop  }
0x17: {  	[tilespmem:s12], [sflag:$0x3] =	stream.linear.gather [hbm4b:s7+s4], $0x200, $0x38;
	[tilespmem:$0xC00] =	vst v63  }
0x18: {  	_ =	swait.ge [sflag:s13], $0x200  }
0x19: {  	[sflag:s13] =	ssyncset.done $0x0  }
0x1a: {  	[sflag:s13] =	ssyncadd.s32 $0xFFFFFE00  }
0x1b: {  	_ =	swait.ge [sflag:s14], $0x200  }
0x1c: {  	[sflag:s14] =	ssyncset.done $0x0  }
0x1d: {  	[sflag:s14] =	ssyncadd.s32 $0xFFFFFE00  }
0x1e: {  	[tilespmem:s16], [sflag:$0x4] =	stream.indirect.gather [hbm4b:s1+s15], $0x1, s4, s15, $0xb8;
	[tilespmem:$0xC00] =	vst v63  }
0x1f: {  	_ = 	snop  }
0x20: {  	[tilespmem:s17], [sflag:$0x4] =	stream.indirect.gather [hbm4b:s2+s15], $0x1, s11, s15, $0xb8;
	[tilespmem:$0xC00] =	vst v63  }
0x21: {  	_ = 	snop  }
0x22: {  	[tilespmem:s18], [sflag:$0x5] =	stream.indirect.gather [hbm4b:s1+s15], $0x1, s15, s15, $0xb8;
	[tilespmem:$0xC00] =	vst v63  }
0x23: {  	_ = 	snop  }
0x24: {  	[tilespmem:s20], [sflag:$0x5] =	stream.indirect.gather [hbm4b:s2+s15], $0x1, s19, s15, $0xb8;
	[tilespmem:$0xC00] =	vst v63  }
0x25: {  	_ =	swait.ge [sflag:s21], $0x200  }
0x26: {  	[sflag:s21] =	ssyncset.done $0x0  }
0x27: {  	[sflag:s21] =	ssyncadd.s32 $0xFFFFFE00  }
0x28: {  	v0 =	vld [tilespmem:$0x400]  }
0x29: {  	v1 =	vld [tilespmem:$0x410]  }
0x2a: {  	v2 =	vld [tilespmem:$0x420]  }
0x2b: {  	v3 =	vld [tilespmem:$0x430]  }
0x2c: {  	v4 =	vld [tilespmem:$0x440]  }
0x2d: {  	v5 =	vld [tilespmem:$0x450];
	v0 =	vadd.f32 $-1.000000000e+00, v0  }
0x2e: {  	v6 =	vld [tilespmem:$0x460];
	v1 =	vadd.f32 $-1.000000000e+00, v1  }
0x2f: {  	v7 =	vld [tilespmem:$0x470];
	v2 =	vadd.f32 $-1.000000000e+00, v2;
	[tilespmem:$0x400] =	vst v0  }
0x30: {  	v23 =	vld [tilespmem:$0x480];
	v22 =	vadd.f32 $-1.000000000e+00, v3;
	[tilespmem:$0x410] =	vst v1  }
0x31: {  	v25 =	vld [tilespmem:$0x490];
	v24 =	vadd.f32 $-1.000000000e+00, v4;
	[tilespmem:$0x420] =	vst v2  }
0x32: {  	v27 =	vld [tilespmem:$0x4A0];
	v26 =	vadd.f32 $-1.000000000e+00, v5;
	[tilespmem:$0x430] =	vst v22  }
0x33: {  	v29 =	vld [tilespmem:$0x4B0];
	v28 =	vadd.f32 $-1.000000000e+00, v6;
	[tilespmem:$0x440] =	vst v24  }
0x34: {  	v31 =	vld [tilespmem:$0x4C0];
	v30 =	vadd.f32 $-1.000000000e+00, v7;
	[tilespmem:$0x450] =	vst v26  }
0x35: {  	v33 =	vld [tilespmem:$0x4D0];
	v32 =	vadd.f32 $-1.000000000e+00, v23;
	[tilespmem:$0x460] =	vst v28  }
0x36: {  	v35 =	vld [tilespmem:$0x4E0];
	v34 =	vadd.f32 $-1.000000000e+00, v25;
	[tilespmem:$0x470] =	vst v30  }
0x37: {  	v37 =	vld [tilespmem:$0x4F0];
	v36 =	vadd.f32 $-1.000000000e+00, v27;
	[tilespmem:$0x480] =	vst v32  }
0x38: {  	v39 =	vld [tilespmem:$0x500];
	v38 =	vadd.f32 $-1.000000000e+00, v29;
	[tilespmem:$0x490] =	vst v34  }
0x39: {  	v41 =	vld [tilespmem:$0x510];
	v40 =	vadd.f32 $-1.000000000e+00, v31;
	[tilespmem:$0x4A0] =	vst v36  }
0x3a: {  	v43 =	vld [tilespmem:$0x520];
	v42 =	vadd.f32 $-1.000000000e+00, v33;
	[tilespmem:$0x4B0] =	vst v38  }
0x3b: {  	v45 =	vld [tilespmem:$0x530];
	v44 =	vadd.f32 $-1.000000000e+00, v35;
	[tilespmem:$0x4C0] =	vst v40  }
0x3c: {  	v47 =	vld [tilespmem:$0x540];
	v46 =	vadd.f32 $-1.000000000e+00, v37;
	[tilespmem:$0x4D0] =	vst v42  }
0x3d: {  	v49 =	vld [tilespmem:$0x550];
	v48 =	vadd.f32 $-1.000000000e+00, v39;
	[tilespmem:$0x4E0] =	vst v44  }
0x3e: {  	v51 =	vld [tilespmem:$0x560];
	v50 =	vadd.f32 $-1.000000000e+00, v41;
	[tilespmem:$0x4F0] =	vst v46  }
0x3f: {  	v53 =	vld [tilespmem:$0x570];
	v52 =	vadd.f32 $-1.000000000e+00, v43;
	[tilespmem:$0x500] =	vst v48  }
0x40: {  	v55 =	vld [tilespmem:$0x580];
	v54 =	vadd.f32 $-1.000000000e+00, v45;
	[tilespmem:$0x510] =	vst v50  }
0x41: {  	v57 =	vld [tilespmem:$0x590];
	v56 =	vadd.f32 $-1.000000000e+00, v47;
	[tilespmem:$0x520] =	vst v52  }
0x42: {  	v59 =	vld [tilespmem:$0x5A0];
	v58 =	vadd.f32 $-1.000000000e+00, v49;
	[tilespmem:$0x530] =	vst v54  }
0x43: {  	v61 =	vld [tilespmem:$0x5B0];
	v60 =	vadd.f32 $-1.000000000e+00, v51;
	[tilespmem:$0x540] =	vst v56  }
0x44: {  	v63 =	vld [tilespmem:$0x5C0];
	v62 =	vadd.f32 $-1.000000000e+00, v53;
	[tilespmem:$0x550] =	vst v58  }
0x45: {  	v10 =	vld [tilespmem:$0x5D0];
	v9 =	vadd.f32 $-1.000000000e+00, v55;
	[tilespmem:$0x560] =	vst v60  }
0x46: {  	v12 =	vld [tilespmem:$0x5E0];
	v11 =	vadd.f32 $-1.000000000e+00, v57;
	[tilespmem:$0x570] =	vst v62  }
0x47: {  	v14 =	vld [tilespmem:$0x5F0];
	v13 =	vadd.f32 $-1.000000000e+00, v59;
	[tilespmem:$0x580] =	vst v9  }
0x48: {  	v15 =	vadd.f32 $-1.000000000e+00, v61;
	[tilespmem:$0x590] =	vst v11  }
0x49: {  	v16 =	vadd.f32 $-1.000000000e+00, v63;
	[tilespmem:$0x5A0] =	vst v13  }
0x4a: {  	v17 =	vadd.f32 $-1.000000000e+00, v10;
	[tilespmem:$0x5B0] =	vst v15  }
0x4b: {  	v18 =	vadd.f32 $-1.000000000e+00, v12;
	[tilespmem:$0x5C0] =	vst v16  }
0x4c: {  	v19 =	vadd.f32 $-1.000000000e+00, v14;
	[tilespmem:$0x5D0] =	vst v17  }
0x4d: {  	[tilespmem:$0x5E0] =	vst v18  }
0x4e: {  	[tilespmem:$0x5F0] =	vst v19  }
0x4f: {  	_ =	swait.ge [sflag:s22], $0x100  }
0x50: {  	[sflag:s22] =	ssyncset.done $0x0  }
0x51: {  	[sflag:s22] =	ssyncadd.s32 $0xFFFFFF00  }
0x52: {  	_ =	swait.ge [sflag:s22], $0x100  }
0x53: {  	[sflag:s22] =	ssyncset.done $0x0  }
0x54: {  	[sflag:s22] =	ssyncadd.s32 $0xFFFFFF00  }
0x55: {  	v20 =	vld [tilespmem:$0x600];
	_ =	sdelay $0x3  }
0x56: {  	v22 =	vld [tilespmem:$0x800]  }
0x57: {  	v21 =	vand.u32 $0x7FFFFFFF, v20  }
0x58: {  	v2 =	vsub.f32 $0.0e+00, v21;
	_ =	sdelay $0x1  }
0x59: {  	v2 =	vmul.f32 $1.442695020e+00, v2  }
0x5a: {  	v23 =	vand.u32 $0x7FFFFFFF, v22  }
0x5b: {  	(erf) = vpow2.f32 v2;
	v2 =	vsub.f32 $0.0e+00, v23  }
0x5c: {  	v24 =	vld [tilespmem:$0x610]  }
0x5d: {  	v2 =	vmul.f32 $1.442695020e+00, v2;
	_ =	sdelay $0x1  }
0x5e: {  	(erf) = vpow2.f32 v2  }
0x5f: {  	v8 =	vld [tilespmem:$0x810]  }
0x60: {  	v25 =	vand.u32 $0x7FFFFFFF, v24  }
0x61: {  	v2 =	vsub.f32 $0.0e+00, v25  }
0x62: {  	v9 =	vld [tilespmem:$0x620]  }
0x63: {  	v11 =	vld [tilespmem:$0x820];
	v2 =	vmul.f32 $1.442695020e+00, v2;
	v26 =	vpop (erf)  }
0x64: {  	v34 =	vld [tilespmem:$0x630];
	v28 =	vand.u32 $0x7FFFFFFF, v8;
	v27 =	vmul.f32 $2.368923650e-02, v26  }
0x65: {  	(erf) = vpow2.f32 v2;
	v2 =	vsub.f32 $0.0e+00, v28  }
0x66: {  	v39 =	vld [tilespmem:$0x830];
	v5 =	vsub.f32 $1.002871390e-01, v27  }
0x67: {  	v44 =	vld [tilespmem:$0x640];
	v32 =	vand.u32 $0x7FFFFFFF, v9;
	v2 =	vmul.f32 $1.442695020e+00, v2;
	v29 =	vpop (erf)  }
0x68: {  	v47 =	vld [tilespmem:$0x840];
	v33 =	vand.u32 $0x7FFFFFFF, v11;
	v5 =	vmul.f32 v5, v26;
	v10 =	vmul.f32 $2.368923650e-02, v29  }
0x69: {  	v1 =	vmax.f32 v20, $0.0e+00;
	v17 =	vand.u32 $0x7FFFFFFF, v34;
	(erf) = vpow2.f32 v2  }
0x6a: {  	v4 =	vmax.f32 v22, $0.0e+00;
	v5 =	vadd.f32 $-2.086695730e-01, v5;
	v31 =	vsub.f32 $1.002871390e-01, v10  }
0x6b: {  	v43 =	vand.u32 $0x7FFFFFFF, v39;
	v7 =	vmax.f32 v24, $0.0e+00;
	v10 =	vsub.f32 $0.0e+00, v32  }
0x6c: {  	v48 =	vand.u32 $0x7FFFFFFF, v44;
	v30 =	vmul.f32 v5, v26;
	v5 =	vmul.f32 v31, v29  }
0x6d: {  	v8 =	vmax.f32 v8, $0.0e+00;
	v19 =	vand.u32 $0x7FFFFFFF, v47;
	v10 =	vmul.f32 $1.442695020e+00, v10  }
0x6e: {  	v9 =	vmax.f32 v9, $0.0e+00;
	v11 =	vmax.f32 v11, $0.0e+00;
	v5 =	vadd.f32 $-2.086695730e-01, v5  }
0x6f: {  	v12 =	vpop (erf);
	v2 =	vadd.f32 $3.244117500e-01, v30;
	(erf) = vpow2.f32 v10;
	v10 =	vsub.f32 $0.0e+00, v33  }
0x70: {  	v17 =	vsub.f32 $0.0e+00, v17;
	v13 =	vmul.f32 $2.368923650e-02, v12;
	v5 =	vmul.f32 v5, v29  }
0x71: {  	v59 =	vld [tilespmem:$0x850];
	v19 =	vsub.f32 $0.0e+00, v19;
	v2 =	vmul.f32 v2, v26;
	v10 =	vmul.f32 $1.442695020e+00, v10  }
0x72: {  	v17 =	vmul.f32 $1.442695020e+00, v17;
	v13 =	vsub.f32 $1.002871390e-01, v13;
	v14 =	vpop (erf);
	v15 =	vadd.f32 $3.244117500e-01, v5  }
0x73: {  	v16 =	vmul.f32 $2.368923650e-02, v14;
	v2 =	vadd.f32 $-4.991878270e-01, v2;
	(erf) = vpow2.f32 v10  }
0x74: {  	v3 =	vmax.f32 v39, $0.0e+00;
	v13 =	vmul.f32 v13, v12;
	v15 =	vmul.f32 v15, v29  }
0x75: {  	v51 =	vmul.f32 $1.442695020e+00, v19;
	v16 =	vsub.f32 $1.002871390e-01, v16;
	v2 =	vmul.f32 v2, v26  }
0x76: {  	v23 =	vand.u32 $0x7FFFFFFF, v59;
	v13 =	vadd.f32 $-2.086695730e-01, v13;
	v36 =	vadd.f32 $-4.991878270e-01, v15  }
0x77: {  	(erf) = vpow2.f32 v17;
	v37 =	vmul.f32 v16, v14;
	v2 =	vadd.f32 $9.999818800e-01, v2  }
0x78: {  	v17 =	vsub.f32 $0.0e+00, v43;
	v35 =	vmul.f32 v13, v12;
	v38 =	vpop (erf);
	v13 =	vmul.f32 v36, v29  }
0x79: {  	v15 =	vadd.f32 $-2.086695730e-01, v37;
	v2 =	vmul.f32 v2, v26;
	v40 =	vmul.f32 $2.368923650e-02, v38  }
0x7a: {  	v17 =	vmul.f32 $1.442695020e+00, v17;
	v10 =	vadd.f32 $3.244117500e-01, v35;
	v13 =	vadd.f32 $9.999818800e-01, v13  }
0x7b: {  	v15 =	vmul.f32 v15, v14;
	v1 =	vadd.f32 v2, v1;
	v2 =	vsub.f32 $1.002871390e-01, v40  }
0x7c: {  	(erf) = vpow2.f32 v17;
	v17 =	vsub.f32 $0.0e+00, v48;
	v42 =	vpop (erf);
	v6 =	vmul.f32 v13, v29  }
0x7d: {  	v41 =	vadd.f32 $3.244117500e-01, v15;
	v2 =	vmul.f32 v2, v38;
	v18 =	vmul.f32 $2.368923650e-02, v42  }
0x7e: {  	v10 =	vmul.f32 v10, v12;
	v17 =	vmul.f32 $1.442695020e+00, v17;
	v4 =	vadd.f32 v6, v4  }
0x7f: {  	v13 =	vmul.f32 v41, v14;
	v2 =	vadd.f32 $-2.086695730e-01, v2;
	v45 =	vsub.f32 $1.002871390e-01, v18  }
0x80: {  	v10 =	vadd.f32 $-4.991878270e-01, v10;
	(erf) = vpow2.f32 v17;
	v1 =	vmul.f32 v4, v1  }
0x81: {  	v13 =	vadd.f32 $-4.991878270e-01, v13;
	v2 =	vmul.f32 v2, v38;
	v4 =	vmul.f32 v45, v42  }
0x82: {  	v5 =	vmax.f32 v34, $0.0e+00;
	v17 =	vsub.f32 $0.0e+00, v23;
	v10 =	vmul.f32 v10, v12  }
0x83: {  	v49 =	vpop (erf);
	v13 =	vmul.f32 v13, v14;
	v2 =	vadd.f32 $3.244117500e-01, v2;
	v4 =	vadd.f32 $-2.086695730e-01, v4  }
0x84: {  	(erf) = vpow2.f32 v51;
	v20 =	vmul.f32 $2.368923650e-02, v49;
	v46 =	vadd.f32 $9.999818800e-01, v10  }
0x85: {  	v55 =	vpop (erf);
	v13 =	vadd.f32 $9.999818800e-01, v13;
	v2 =	vmul.f32 v2, v38;
	v4 =	vmul.f32 v4, v42  }
0x86: {  	v50 =	vsub.f32 $1.002871390e-01, v20;
	v12 =	vmul.f32 v46, v12;
	v57 =	vmul.f32 $2.368923650e-02, v55  }
0x87: {  	v13 =	vmul.f32 v13, v14;
	v2 =	vadd.f32 $-4.991878270e-01, v2;
	v4 =	vadd.f32 $3.244117500e-01, v4  }
0x88: {  	v52 =	vld [tilespmem:$0x410];
	v54 =	vmul.f32 v50, v49;
	v7 =	vadd.f32 v12, v7;
	v12 =	vsub.f32 $1.002871390e-01, v57  }
0x89: {  	v8 =	vadd.f32 v13, v8;
	v2 =	vmul.f32 v2, v38;
	v53 =	vmul.f32 v4, v42;
	v4 =	vld [tilespmem:$0x650]  }
0x8a: {  	v0 =	vmul.f32 v1, v0;
	v63 =	vpop (erf);
	v12 =	vmul.f32 v12, v55;
	v13 =	vadd.f32 $-2.086695730e-01, v54  }
0x8b: {  	v22 =	vmul.f32 $2.368923650e-02, v63;
	v7 =	vmul.f32 v8, v7;
	v2 =	vadd.f32 $9.999818800e-01, v2  }
0x8c: {  	v21 =	vadd.f32 $-2.086695730e-01, v12;
	v60 =	vmul.f32 v13, v49;
	v56 =	vadd.f32 $-4.991878270e-01, v53  }
0x8d: {  	v12 =	vsub.f32 $1.002871390e-01, v22;
	v1 =	vmul.f32 v7, v52;
	v2 =	vmul.f32 v2, v38  }
0x8e: {  	v7 =	vadd.f32 $3.244117500e-01, v60;
	v58 =	vmul.f32 v56, v42;
	v62 =	vand.u32 $0x7FFFFFFF, v4  }
0x8f: {  	v24 =	vpop (erf);
	v12 =	vmul.f32 v12, v63;
	v2 =	vadd.f32 v2, v9;
	v13 =	vsub.f32 $0.0e+00, v62  }
0x90: {  	v61 =	vadd.f32 $9.999818800e-01, v58;
	v9 =	vmul.f32 v21, v55;
	v21 =	vmul.f32 $2.368923650e-02, v24  }
0x91: {  	v12 =	vadd.f32 $-2.086695730e-01, v12;
	v7 =	vmul.f32 v7, v49;
	v13 =	vmul.f32 $1.442695020e+00, v13  }
0x92: {  	v15 =	vmul.f32 v61, v42;
	v26 =	vadd.f32 $3.244117500e-01, v9;
	v9 =	vld [tilespmem:$0x660];
	v27 =	vsub.f32 $1.002871390e-01, v21  }
0x93: {  	v17 =	vmul.f32 $1.442695020e+00, v17;
	v7 =	vadd.f32 $-4.991878270e-01, v7;
	(erf) = vpow2.f32 v13  }
0x94: {  	v12 =	vmul.f32 v12, v63;
	v11 =	vadd.f32 v15, v11;
	v28 =	vmul.f32 v27, v24  }
0x95: {  	v6 =	vmax.f32 v44, $0.0e+00;
	v7 =	vmul.f32 v7, v49;
	(erf) = vpow2.f32 v17  }
0x96: {  	v13 =	vmul.f32 v26, v55;
	v2 =	vmul.f32 v11, v2;
	v15 =	vadd.f32 $-2.086695730e-01, v28;
	v11 =	vld [tilespmem:$0x860]  }
0x97: {  	v12 =	vadd.f32 $3.244117500e-01, v12;
	v7 =	vadd.f32 $9.999818800e-01, v7;
	v29 =	vand.u32 $0x7FFFFFFF, v9  }
0x98: {  	v13 =	vadd.f32 $-4.991878270e-01, v13;
	v17 =	vsub.f32 $0.0e+00, v29;
	v15 =	vmul.f32 v15, v24  }
0x99: {  	v10 =	vmax.f32 v47, $0.0e+00;
	v30 =	vmul.f32 v12, v63;
	v7 =	vmul.f32 v7, v49  }
0x9a: {  	v13 =	vmul.f32 v13, v55;
	v32 =	vmul.f32 $1.442695020e+00, v17;
	v15 =	vadd.f32 $3.244117500e-01, v15  }
0x9b: {  	v5 =	vadd.f32 v7, v5;
	v7 =	vadd.f32 $-4.991878270e-01, v30;
	v34 =	vand.u32 $0x7FFFFFFF, v11  }
0x9c: {  	(erf) = vpow2.f32 v32;
	v15 =	vmul.f32 v15, v24;
	v12 =	vsub.f32 $0.0e+00, v34;
	v31 =	vpop (erf)  }
0x9d: {  	v25 =	vld [tilespmem:$0x420];
	v8 =	vmax.f32 v59, $0.0e+00;
	v13 =	vadd.f32 $9.999818800e-01, v13;
	v33 =	vmul.f32 $2.368923650e-02, v31  }
0x9e: {  	v7 =	vmul.f32 v7, v63;
	v35 =	vpop (erf);
	v15 =	vadd.f32 $-4.991878270e-01, v15;
	v12 =	vmul.f32 $1.442695020e+00, v12  }
0x9f: {  	v49 =	vld [tilespmem:$0x870];
	v13 =	vmul.f32 v13, v55;
	v36 =	vmul.f32 $2.368923650e-02, v35;
	v17 =	vsub.f32 $1.002871390e-01, v33  }
0xa0: {  	v37 =	vadd.f32 $9.999818800e-01, v7;
	v7 =	vld [tilespmem:$0x670];
	v15 =	vmul.f32 v15, v24;
	(erf) = vpow2.f32 v12  }
0xa1: {  	v4 =	vmax.f32 v4, $0.0e+00;
	v3 =	vadd.f32 v13, v3;
	v17 =	vmul.f32 v17, v31  }
0xa2: {  	v2 =	vmul.f32 v2, v25;
	v13 =	vld [tilespmem:$0x680];
	v21 =	vsub.f32 $1.002871390e-01, v36;
	v40 =	vadd.f32 $9.999818800e-01, v15  }
0xa3: {  	v38 =	vmul.f32 v37, v63;
	v3 =	vmul.f32 v3, v5;
	v17 =	vadd.f32 $-2.086695730e-01, v17  }
0xa4: {  	v53 =	vand.u32 $0x7FFFFFFF, v49;
	v39 =	vmul.f32 v21, v35;
	v44 =	vmul.f32 v40, v24  }
0xa5: {  	v42 =	vadd.f32 v38, v6;
	v48 =	vand.u32 $0x7FFFFFFF, v7;
	v46 =	vpop (erf);
	v41 =	vmul.f32 v17, v31  }
0xa6: {  	v43 =	vadd.f32 $-2.086695730e-01, v39;
	v47 =	vmul.f32 $2.368923650e-02, v46;
	v10 =	vadd.f32 v44, v10  }
0xa7: {  	v54 =	vand.u32 $0x7FFFFFFF, v13;
	v17 =	vsub.f32 $0.0e+00, v48;
	v45 =	vadd.f32 $3.244117500e-01, v41  }
0xa8: {  	v6 =	vmul.f32 v43, v35;
	v16 =	vsub.f32 $1.002871390e-01, v47;
	v5 =	vmul.f32 v10, v42  }
0xa9: {  	v50 =	vmul.f32 $1.442695020e+00, v17;
	v10 =	vsub.f32 $0.0e+00, v53;
	v51 =	vpop (erf);
	v14 =	vmul.f32 v45, v31  }
0xaa: {  	v6 =	vadd.f32 $3.244117500e-01, v6;
	v16 =	vmul.f32 v16, v46;
	v52 =	vmul.f32 $2.368923650e-02, v51  }
0xab: {  	v21 =	vsub.f32 $0.0e+00, v54;
	(erf) = vpow2.f32 v50;
	v10 =	vmul.f32 $1.442695020e+00, v10  }
0xac: {  	v6 =	vmul.f32 v6, v35;
	v14 =	vadd.f32 $-4.991878270e-01, v14;
	v19 =	vsub.f32 $1.002871390e-01, v52  }
0xad: {  	v56 =	vmul.f32 $1.442695020e+00, v21;
	v16 =	vadd.f32 $-2.086695730e-01, v16;
	(erf) = vpow2.f32 v10  }
0xae: {  	v22 =	vld [tilespmem:$0x430];
	v6 =	vadd.f32 $-4.991878270e-01, v6;
	v14 =	vmul.f32 v14, v31;
	v19 =	vmul.f32 v19, v51  }
0xaf: {  	v9 =	vmax.f32 v9, $0.0e+00;
	(erf) = vpow2.f32 v56;
	v16 =	vmul.f32 v16, v46  }
0xb0: {  	v6 =	vmul.f32 v6, v35;
	v55 =	vadd.f32 $9.999818800e-01, v14;
	v14 =	vld [tilespmem:$0x880];
	v19 =	vadd.f32 $-2.086695730e-01, v19  }
0xb1: {  	v57 =	vld [tilespmem:$0x440];
	v11 =	vmax.f32 v11, $0.0e+00;
	v12 =	vmax.f32 v49, $0.0e+00;
	v16 =	vadd.f32 $3.244117500e-01, v16  }
0xb2: {  	v6 =	vadd.f32 $9.999818800e-01, v6;
	v18 =	vmul.f32 v55, v31;
	v59 =	vmul.f32 v19, v51  }
0xb3: {  	v7 =	vmax.f32 v7, $0.0e+00;
	v3 =	vmul.f32 v3, v22;
	v16 =	vmul.f32 v16, v46  }
0xb4: {  	v6 =	vmul.f32 v6, v35;
	v60 =	vpop (erf);
	v58 =	vadd.f32 v18, v4;
	v63 =	vadd.f32 $3.244117500e-01, v59  }
0xb5: {  	v23 =	vmul.f32 $2.368923650e-02, v60;
	v25 =	vadd.f32 $-4.991878270e-01, v16;
	v61 =	vand.u32 $0x7FFFFFFF, v14  }
0xb6: {  	v4 =	vmul.f32 v5, v57;
	v24 =	vadd.f32 v6, v8;
	v19 =	vsub.f32 $0.0e+00, v61  }
0xb7: {  	v8 =	vld [tilespmem:$0x690];
	v30 =	vpop (erf);
	v26 =	vmul.f32 v63, v51;
	v27 =	vsub.f32 $1.002871390e-01, v23;
	v6 =	vmul.f32 v25, v46  }
0xb8: {  	v13 =	vmax.f32 v13, $0.0e+00;
	v31 =	vmul.f32 $2.368923650e-02, v30;
	v5 =	vmul.f32 v24, v58  }
0xb9: {  	v32 =	vpop (erf);
	v19 =	vmul.f32 $1.442695020e+00, v19;
	v28 =	vadd.f32 $-4.991878270e-01, v26;
	v29 =	vmul.f32 v27, v60  }
0xba: {  	v34 =	vmul.f32 $2.368923650e-02, v32;
	v6 =	vadd.f32 $9.999818800e-01, v6;
	v33 =	vsub.f32 $1.002871390e-01, v31  }
0xbb: {  	(erf) = vpow2.f32 v19;
	v10 =	vmul.f32 v28, v51;
	v16 =	vadd.f32 $-2.086695730e-01, v29  }
0xbc: {  	v35 =	vand.u32 $0x7FFFFFFF, v8;
	v15 =	vmul.f32 v33, v30;
	v19 =	vsub.f32 $1.002871390e-01, v34  }
0xbd: {  	v6 =	vmul.f32 v6, v46;
	v22 =	vsub.f32 $0.0e+00, v35;
	v10 =	vadd.f32 $9.999818800e-01, v10  }
0xbe: {  	v62 =	vld [tilespmem:$0x450];
	v16 =	vmul.f32 v16, v60;
	v15 =	vadd.f32 $-2.086695730e-01, v15;
	v19 =	vmul.f32 v19, v32  }
0xbf: {  	v36 =	vld [tilespmem:$0x460];
	v14 =	vmax.f32 v14, $0.0e+00;
	v22 =	vmul.f32 $1.442695020e+00, v22;
	v17 =	vmul.f32 v10, v51  }
0xc0: {  	v16 =	vadd.f32 $3.244117500e-01, v16;
	v10 =	vld [tilespmem:$0x890];
	v15 =	vmul.f32 v15, v30;
	v38 =	vadd.f32 $-2.086695730e-01, v19  }
0xc1: {  	v6 =	vadd.f32 v6, v9;
	(erf) = vpow2.f32 v22;
	v37 =	vadd.f32 v17, v11  }
0xc2: {  	v16 =	vmul.f32 v16, v60;
	v11 =	vld [tilespmem:$0x6A0];
	v15 =	vadd.f32 $3.244117500e-01, v15;
	v17 =	vmul.f32 v38, v32  }
0xc3: {  	v5 =	vmul.f32 v5, v62;
	v8 =	vmax.f32 v8, $0.0e+00;
	v6 =	vmul.f32 v37, v6  }
0xc4: {  	v40 =	vadd.f32 $-4.991878270e-01, v16;
	v15 =	vmul.f32 v15, v30;
	v17 =	vadd.f32 $3.244117500e-01, v17;
	v39 =	vpop (erf)  }
0xc5: {  	v16 =	vld [tilespmem:$0x8A0];
	v42 =	vand.u32 $0x7FFFFFFF, v10;
	v41 =	vmul.f32 $2.368923650e-02, v39;
	v6 =	vmul.f32 v6, v36  }
0xc6: {  	v22 =	vsub.f32 $0.0e+00, v42;
	v9 =	vmul.f32 v40, v60;
	v15 =	vadd.f32 $-4.991878270e-01, v15  }
0xc7: {  	v17 =	vmul.f32 v17, v32;
	v24 =	vand.u32 $0x7FFFFFFF, v11;
	v43 =	vsub.f32 $1.002871390e-01, v41  }
0xc8: {  	v22 =	vmul.f32 $1.442695020e+00, v22;
	v24 =	vsub.f32 $0.0e+00, v24;
	v9 =	vadd.f32 $9.999818800e-01, v9  }
0xc9: {  	v15 =	vmul.f32 v15, v30;
	v17 =	vadd.f32 $-4.991878270e-01, v17;
	v23 =	vmul.f32 v43, v39  }
0xca: {  	v46 =	vand.u32 $0x7FFFFFFF, v16;
	(erf) = vpow2.f32 v22;
	v44 =	vmul.f32 $1.442695020e+00, v24;
	v45 =	vpop (erf)  }
0xcb: {  	v22 =	vsub.f32 $0.0e+00, v46;
	v18 =	vmul.f32 v9, v60;
	v9 =	vld [tilespmem:$0x6B0];
	v25 =	vmul.f32 $2.368923650e-02, v45  }
0xcc: {  	v15 =	vadd.f32 $9.999818800e-01, v15;
	v23 =	vadd.f32 $-2.086695730e-01, v23;
	(erf) = vpow2.f32 v44  }
0xcd: {  	v17 =	vmul.f32 v17, v32;
	v22 =	vmul.f32 $1.442695020e+00, v22;
	v25 =	vsub.f32 $1.002871390e-01, v25  }
0xce: {  	v10 =	vmax.f32 v10, $0.0e+00;
	v15 =	vmul.f32 v15, v30;
	v23 =	vmul.f32 v23, v39  }
0xcf: {  	v17 =	vadd.f32 $9.999818800e-01, v17;
	(erf) = vpow2.f32 v22;
	v48 =	vmul.f32 v25, v45  }
0xd0: {  	v7 =	vadd.f32 v18, v7;
	v59 =	vand.u32 $0x7FFFFFFF, v9;
	v23 =	vadd.f32 $3.244117500e-01, v23  }
0xd1: {  	v49 =	vld [tilespmem:$0x470];
	v11 =	vmax.f32 v11, $0.0e+00;
	v18 =	vsub.f32 $0.0e+00, v59;
	v52 =	vadd.f32 $-2.086695730e-01, v48  }
0xd2: {  	v12 =	vadd.f32 v15, v12;
	v50 =	vmul.f32 v17, v32;
	v15 =	vld [tilespmem:$0x8B0];
	v47 =	vmul.f32 v23, v39  }
0xd3: {  	v16 =	vmax.f32 v16, $0.0e+00;
	v18 =	vmul.f32 $1.442695020e+00, v18;
	v53 =	vpop (erf);
	v57 =	vmul.f32 v52, v45  }
0xd4: {  	v7 =	vmul.f32 v12, v7;
	v51 =	vadd.f32 $-4.991878270e-01, v47;
	v55 =	vmul.f32 $2.368923650e-02, v53  }
0xd5: {  	v54 =	vadd.f32 v50, v13;
	(erf) = vpow2.f32 v18;
	v58 =	vpop (erf);
	v17 =	vadd.f32 $3.244117500e-01, v57  }
0xd6: {  	v18 =	vld [tilespmem:$0x8C0];
	v56 =	vmul.f32 v51, v39;
	v13 =	vsub.f32 $1.002871390e-01, v55;
	v60 =	vmul.f32 $2.368923650e-02, v58  }
0xd7: {  	v7 =	vmul.f32 v7, v49;
	v33 =	vand.u32 $0x7FFFFFFF, v15;
	v17 =	vmul.f32 v17, v45  }
0xd8: {  	v63 =	vpop (erf);
	v61 =	vadd.f32 $9.999818800e-01, v56;
	v13 =	vmul.f32 v13, v53;
	v23 =	vsub.f32 $1.002871390e-01, v60  }
0xd9: {  	v35 =	vsub.f32 $0.0e+00, v33;
	v32 =	vmul.f32 $2.368923650e-02, v63;
	v31 =	vadd.f32 $-4.991878270e-01, v17  }
0xda: {  	v17 =	vld [tilespmem:$0x6C0];
	v19 =	vmul.f32 v61, v39;
	v13 =	vadd.f32 $-2.086695730e-01, v13;
	v62 =	vmul.f32 v23, v58  }
0xdb: {  	v27 =	vand.u32 $0x7FFFFFFF, v18;
	v34 =	vsub.f32 $1.002871390e-01, v32;
	v36 =	vmul.f32 v31, v45  }
0xdc: {  	v14 =	vadd.f32 v19, v14;
	v13 =	vmul.f32 v13, v53;
	v22 =	vadd.f32 $-2.086695730e-01, v62  }
0xdd: {  	v27 =	vsub.f32 $0.0e+00, v27;
	v19 =	vmul.f32 $1.442695020e+00, v35;
	v25 =	vadd.f32 $9.999818800e-01, v36  }
0xde: {  	v12 =	vmul.f32 v14, v54;
	v13 =	vadd.f32 $3.244117500e-01, v13;
	v22 =	vmul.f32 v22, v58  }
0xdf: {  	v14 =	vmul.f32 v34, v63;
	v26 =	vand.u32 $0x7FFFFFFF, v17;
	(erf) = vpow2.f32 v19  }
0xe0: {  	v41 =	vld [tilespmem:$0x480];
	v37 =	vsub.f32 $0.0e+00, v26;
	v13 =	vmul.f32 v13, v53;
	v22 =	vadd.f32 $3.244117500e-01, v22  }
0xe1: {  	v40 =	vmul.f32 $1.442695020e+00, v27;
	v38 =	vmul.f32 v25, v45;
	v14 =	vadd.f32 $-2.086695730e-01, v14  }
0xe2: {  	v26 =	vpop (erf);
	v19 =	vmul.f32 $1.442695020e+00, v37;
	v13 =	vadd.f32 $-4.991878270e-01, v13;
	v22 =	vmul.f32 v22, v58  }
0xe3: {  	v9 =	vmax.f32 v9, $0.0e+00;
	v14 =	vmul.f32 v14, v63;
	v28 =	vmul.f32 $2.368923650e-02, v26  }
0xe4: {  	v42 =	vadd.f32 v38, v8;
	(erf) = vpow2.f32 v19;
	v19 =	vld [tilespmem:$0x6D0];
	v13 =	vmul.f32 v13, v53  }
0xe5: {  	v8 =	vmul.f32 v12, v41;
	v22 =	vadd.f32 $-4.991878270e-01, v22;
	v14 =	vadd.f32 $3.244117500e-01, v14  }
0xe6: {  	v39 =	vsub.f32 $1.002871390e-01, v28;
	(erf) = vpow2.f32 v40;
	v13 =	vadd.f32 $9.999818800e-01, v13  }
0xe7: {  	v15 =	vmax.f32 v15, $0.0e+00;
	v22 =	vmul.f32 v22, v58;
	v14 =	vmul.f32 v14, v63  }
0xe8: {  	v18 =	vmax.f32 v18, $0.0e+00;
	v24 =	vmul.f32 v39, v26;
	v43 =	vmul.f32 v13, v53  }
0xe9: {  	v46 =	vpop (erf);
	v44 =	vadd.f32 $9.999818800e-01, v22;
	v14 =	vadd.f32 $-4.991878270e-01, v14;
	v54 =	vand.u32 $0x7FFFFFFF, v19  }
0xea: {  	v45 =	vadd.f32 $-2.086695730e-01, v24;
	v47 =	vmul.f32 $2.368923650e-02, v46;
	v56 =	vsub.f32 $0.0e+00, v54  }
0xeb: {  	v10 =	vadd.f32 v43, v10;
	v13 =	vmul.f32 v44, v58;
	v14 =	vmul.f32 v14, v63  }
0xec: {  	v55 =	vld [tilespmem:$0x490];
	v20 =	vmul.f32 v45, v26;
	v49 =	vsub.f32 $1.002871390e-01, v47;
	v23 =	vmul.f32 $1.442695020e+00, v56  }
0xed: {  	v48 =	vadd.f32 v13, v11;
	v10 =	vmul.f32 v10, v42;
	v50 =	vadd.f32 $9.999818800e-01, v14;
	v52 =	vpop (erf);
	v13 =	vld [tilespmem:$0x8D0]  }
0xee: {  	v51 =	vadd.f32 $3.244117500e-01, v20;
	v11 =	vmul.f32 v49, v46;
	v14 =	vld [tilespmem:$0x6E0];
	v53 =	vmul.f32 $2.368923650e-02, v52  }
0xef: {  	v19 =	vmax.f32 v19, $0.0e+00;
	v58 =	vpop (erf);
	(erf) = vpow2.f32 v23;
	v12 =	vmul.f32 v50, v63  }
0xf0: {  	v57 =	vmul.f32 v51, v26;
	v11 =	vadd.f32 $-2.086695730e-01, v11;
	v59 =	vmul.f32 $2.368923650e-02, v58  }
0xf1: {  	v10 =	vmul.f32 v10, v55;
	v21 =	vsub.f32 $1.002871390e-01, v53;
	v29 =	vadd.f32 v12, v16  }
0xf2: {  	v25 =	vadd.f32 $-4.991878270e-01, v57;
	v30 =	vmul.f32 v11, v46;
	v12 =	vld [tilespmem:$0x8E0];
	v16 =	vsub.f32 $1.002871390e-01, v59  }
0xf3: {  	v11 =	vld [tilespmem:$0x6F0];
	v21 =	vmul.f32 v21, v52;
	v60 =	vand.u32 $0x7FFFFFFF, v13;
	v31 =	vand.u32 $0x7FFFFFFF, v14  }
0xf4: {  	v14 =	vmax.f32 v14, $0.0e+00;
	v61 =	vadd.f32 $3.244117500e-01, v30;
	v23 =	vsub.f32 $0.0e+00, v60  }
0xf5: {  	v25 =	vmul.f32 v25, v26;
	v62 =	vmul.f32 v16, v58;
	v16 =	vld [tilespmem:$0x8F0];
	v31 =	vsub.f32 $0.0e+00, v31  }
0xf6: {  	v21 =	vadd.f32 $-2.086695730e-01, v21;
	v27 =	vmul.f32 v61, v46;
	v23 =	vmul.f32 $1.442695020e+00, v23  }
0xf7: {  	v30 =	vadd.f32 $-2.086695730e-01, v62;
	v31 =	vmul.f32 $1.442695020e+00, v31;
	v32 =	vand.u32 $0x7FFFFFFF, v12  }
0xf8: {  	v36 =	vand.u32 $0x7FFFFFFF, v11;
	v21 =	vmul.f32 v21, v52;
	v63 =	vsub.f32 $0.0e+00, v32  }
0xf9: {  	(erf) = vpow2.f32 v23;
	v32 =	vsub.f32 $0.0e+00, v36;
	v27 =	vadd.f32 $-4.991878270e-01, v27  }
0xfa: {  	v30 =	vmul.f32 v30, v58;
	(erf) = vpow2.f32 v31;
	v38 =	vand.u32 $0x7FFFFFFF, v16  }
0xfb: {  	v39 =	vpop (erf);
	v23 =	vmul.f32 $1.442695020e+00, v63;
	v37 =	vmul.f32 $1.442695020e+00, v32;
	v32 =	vsub.f32 $0.0e+00, v38  }
0xfc: {  	v21 =	vadd.f32 $3.244117500e-01, v21;
	v40 =	vmul.f32 $2.368923650e-02, v39;
	v27 =	vmul.f32 v27, v46  }
0xfd: {  	v30 =	vadd.f32 $3.244117500e-01, v30;
	(erf) = vpow2.f32 v23;
	v32 =	vmul.f32 $1.442695020e+00, v32  }
0xfe: {  	v41 =	vld [tilespmem:$0x4A0];
	v21 =	vmul.f32 v21, v52;
	v31 =	vsub.f32 $1.002871390e-01, v40;
	(erf) = vpow2.f32 v37  }
0xff: {  	v25 =	vadd.f32 $9.999818800e-01, v25;
	v30 =	vmul.f32 v30, v58;
	(erf) = vpow2.f32 v32  }
0x100: {  	v27 =	vadd.f32 $9.999818800e-01, v27;
	v21 =	vadd.f32 $-4.991878270e-01, v21;
	v31 =	vmul.f32 v31, v39  }
0x101: {  	v24 =	vmul.f32 v29, v48;
	v25 =	vmul.f32 v25, v26;
	v30 =	vadd.f32 $-4.991878270e-01, v30  }
0x102: {  	v22 =	vmul.f32 v27, v46;
	v21 =	vmul.f32 v21, v52;
	v43 =	vadd.f32 $-2.086695730e-01, v31  }
0x103: {  	v24 =	vmul.f32 v24, v41;
	v62 =	vld [tilespmem:$0x4B0];
	v9 =	vadd.f32 v25, v9;
	v42 =	vmul.f32 v30, v58  }
0x104: {  	v15 =	vadd.f32 v22, v15;
	v21 =	vadd.f32 $9.999818800e-01, v21;
	v45 =	vmul.f32 v43, v39;
	v47 =	vpop (erf)  }
0x105: {  	v46 =	vmax.f32 v17, $0.0e+00;
	v44 =	vadd.f32 $9.999818800e-01, v42;
	v50 =	vpop (erf);
	v51 =	vmul.f32 $2.368923650e-02, v47  }
0x106: {  	v9 =	vmul.f32 v15, v9;
	v20 =	vmul.f32 v21, v52;
	v49 =	vadd.f32 $3.244117500e-01, v45;
	v53 =	vpop (erf)  }
0x107: {  	v52 =	vmul.f32 $2.368923650e-02, v50;
	v48 =	vmul.f32 v44, v58;
	v56 =	vsub.f32 $1.002871390e-01, v51;
	v55 =	vpop (erf)  }
0x108: {  	v9 =	vmul.f32 v9, v62;
	v44 =	vmax.f32 v13, $0.0e+00;
	v58 =	vmul.f32 $2.368923650e-02, v53;
	v59 =	vpop (erf)  }
0x109: {  	v15 =	vadd.f32 v20, v46;
	v60 =	vmul.f32 $2.368923650e-02, v55;
	v61 =	vmul.f32 $2.368923650e-02, v59  }
0x10a: {  	v57 =	vsub.f32 $1.002871390e-01, v52;
	v22 =	vmul.f32 v56, v47;
	v27 =	vsub.f32 $1.002871390e-01, v58  }
0x10b: {  	v54 =	vmul.f32 v49, v39;
	v30 =	vsub.f32 $1.002871390e-01, v60;
	v31 =	vsub.f32 $1.002871390e-01, v61  }
0x10c: {  	v26 =	vmul.f32 v57, v50;
	v22 =	vadd.f32 $-2.086695730e-01, v22;
	v27 =	vmul.f32 v27, v53  }
0x10d: {  	v18 =	vadd.f32 v48, v18;
	v30 =	vmul.f32 v30, v55;
	v31 =	vmul.f32 v31, v59  }
0x10e: {  	v26 =	vadd.f32 $-2.086695730e-01, v26;
	v22 =	vmul.f32 v22, v47;
	v27 =	vadd.f32 $-2.086695730e-01, v27  }
0x10f: {  	v52 =	vmax.f32 v12, $0.0e+00;
	v30 =	vadd.f32 $-2.086695730e-01, v30;
	v31 =	vadd.f32 $-2.086695730e-01, v31  }
0x110: {  	v26 =	vmul.f32 v26, v50;
	v22 =	vadd.f32 $3.244117500e-01, v22;
	v27 =	vmul.f32 v27, v53  }
0x111: {  	v20 =	vadd.f32 $-4.991878270e-01, v54;
	v30 =	vmul.f32 v30, v55;
	v31 =	vmul.f32 v31, v59  }
0x112: {  	v26 =	vadd.f32 $3.244117500e-01, v26;
	v22 =	vmul.f32 v22, v47;
	v27 =	vadd.f32 $3.244117500e-01, v27  }
0x113: {  	v20 =	vmul.f32 v20, v39;
	v63 =	vadd.f32 $3.244117500e-01, v30;
	v33 =	vadd.f32 $3.244117500e-01, v31  }
0x114: {  	v26 =	vmul.f32 v26, v50;
	v22 =	vadd.f32 $-4.991878270e-01, v22;
	v27 =	vmul.f32 v27, v53  }
0x115: {  	v20 =	vadd.f32 $9.999818800e-01, v20;
	v34 =	vmul.f32 v63, v55;
	v35 =	vmul.f32 v33, v59  }
0x116: {  	[tilespmem:$0xA00] =	vst v0;
	v26 =	vadd.f32 $-4.991878270e-01, v26;
	v36 =	vmul.f32 v22, v47;
	v38 =	vadd.f32 $-4.991878270e-01, v27  }
0x117: {  	[tilespmem:$0xA10] =	vst v1;
	v20 =	vmul.f32 v20, v39;
	v40 =	vadd.f32 $-4.991878270e-01, v34;
	v41 =	vadd.f32 $-4.991878270e-01, v35  }
0x118: {  	[tilespmem:$0xA20] =	vst v2;
	v37 =	vmul.f32 v26, v50;
	v0 =	vadd.f32 $9.999818800e-01, v36;
	v43 =	vmul.f32 v38, v53  }
0x119: {  	[tilespmem:$0xA30] =	vst v3;
	v56 =	vmax.f32 v11, $0.0e+00;
	v45 =	vmul.f32 v40, v55;
	v46 =	vmul.f32 v41, v59  }
0x11a: {  	[tilespmem:$0xA40] =	vst v4;
	v42 =	vadd.f32 $9.999818800e-01, v37;
	v0 =	vmul.f32 v0, v47;
	v47 =	vadd.f32 $9.999818800e-01, v43  }
0x11b: {  	[tilespmem:$0xA50] =	vst v5;
	v48 =	vld [tilespmem:$0x4C0];
	v39 =	vmul.f32 v18, v15;
	v13 =	vadd.f32 $9.999818800e-01, v45;
	v15 =	vadd.f32 $9.999818800e-01, v46  }
0x11c: {  	[tilespmem:$0xA60] =	vst v6;
	v49 =	vld [tilespmem:$0x4D0];
	v19 =	vadd.f32 v20, v19;
	v2 =	vmul.f32 v42, v50;
	v50 =	vmul.f32 v47, v53  }
0x11d: {  	[tilespmem:$0xA70] =	vst v7;
	v51 =	vld [tilespmem:$0x4E0];
	v0 =	vadd.f32 v0, v44;
	v53 =	vmul.f32 v13, v55;
	v54 =	vmul.f32 v15, v59  }
0x11e: {  	[tilespmem:$0xA80] =	vst v8;
	v57 =	vmax.f32 v16, $0.0e+00;
	v2 =	vadd.f32 v2, v14;
	v55 =	vld [tilespmem:$0x4F0];
	v3 =	vadd.f32 v50, v52  }
0x11f: {  	[tilespmem:$0xA90] =	vst v10;
	v0 =	vmul.f32 v0, v19;
	v8 =	vadd.f32 v53, v56;
	v58 =	vadd.f32 v54, v57  }
0x120: {  	[tilespmem:$0xAA0] =	vst v24;
	v1 =	vmul.f32 v39, v48;
	v2 =	vmul.f32 v3, v2  }
0x121: {  	[tilespmem:$0xAB0] =	vst v9;
	v0 =	vmul.f32 v0, v49;
	v59 =	vmul.f32 v58, v8  }
0x122: {  	[tilespmem:$0xAC0] =	vst v1;
	v60 =	vmul.f32 v2, v51  }
0x123: {  	[tilespmem:$0xAD0] =	vst v0;
	v61 =	vmul.f32 v59, v55  }
0x124: {  	[tilespmem:$0xAE0] =	vst v60  }
0x125: {  	[tilespmem:$0xAF0] =	vst v61  }
0x126: {  	[hbm4b:s8+s4] =	stream.linear.scatter [tilespmem:s23], [sflag:$0x6], $0x100, $0x38;
	[tilespmem:$0xC00] =	vst v63  }
0x127: {  	_ =	swait.ge [sflag:s24], $0x100  }
0x128: {  	[sflag:s24] =	ssyncset.done $0x0  }
0x129: {  	[sflag:s24] =	ssyncadd.s32 $0xFFFFFF00  }
0x12a: {  	_ =	swait.ge [sflag:s24], $0x100  }
0x12b: {  	[sflag:s24] =	ssyncset.done $0x0  }
0x12c: {  	[sflag:s24] =	ssyncadd.s32 $0xFFFFFF00  }
0x12d: {  	v62 =	vld [tilespmem:$0x700];
	_ =	sdelay $0x1  }
0x12e: {  	v63 =	vld [tilespmem:$0x900];
	_ =	sdelay $0x2  }
0x12f: {  	v24 =	vld [tilespmem:$0x710];
	v21 =	vand.u32 $0x7FFFFFFF, v62  }
0x130: {  	v1 =	vsub.f32 $0.0e+00, v21  }
0x131: {  	v22 =	vand.u32 $0x7FFFFFFF, v63  }
0x132: {  	v2 =	vsub.f32 $0.0e+00, v22;
	v1 =	vmul.f32 $1.442695020e+00, v1;
	_ =	sdelay $0x1  }
0x133: {  	v26 =	vand.u32 $0x7FFFFFFF, v24;
	v23 =	vmul.f32 $1.442695020e+00, v2;
	(erf) = vpow2.f32 v1  }
0x134: {  	v1 =	vsub.f32 $0.0e+00, v26  }
0x135: {  	(erf) = vpow2.f32 v23  }
0x136: {  	v6 =	vld [tilespmem:$0x910];
	v1 =	vmul.f32 $1.442695020e+00, v1;
	_ =	sdelay $0x1  }
0x137: {  	v32 =	vld [tilespmem:$0x720];
	(erf) = vpow2.f32 v1  }
0x138: {  	v1 =	vld [tilespmem:$0x920];
	_ =	sdelay $0x1  }
0x139: {  	v30 =	vand.u32 $0x7FFFFFFF, v6  }
0x13a: {  	v31 =	vsub.f32 $0.0e+00, v30;
	v25 =	vpop (erf)  }
0x13b: {  	v34 =	vand.u32 $0x7FFFFFFF, v32;
	v27 =	vmul.f32 $2.368923650e-02, v25  }
0x13c: {  	v10 =	vsub.f32 $0.0e+00, v34;
	v33 =	vmul.f32 $1.442695020e+00, v31;
	v35 =	vand.u32 $0x7FFFFFFF, v1;
	v28 =	vpop (erf)  }
0x13d: {  	v11 =	vsub.f32 $0.0e+00, v35;
	v29 =	vmul.f32 $2.368923650e-02, v28;
	v2 =	vsub.f32 $1.002871390e-01, v27  }
0x13e: {  	v10 =	vmul.f32 $1.442695020e+00, v10;
	(erf) = vpow2.f32 v33  }
0x13f: {  	v11 =	vmul.f32 $1.442695020e+00, v11;
	v8 =	vsub.f32 $1.002871390e-01, v29;
	v36 =	vpop (erf);
	v2 =	vmul.f32 v2, v25  }
0x140: {  	(erf) = vpow2.f32 v10;
	v37 =	vmul.f32 $2.368923650e-02, v36  }
0x141: {  	(erf) = vpow2.f32 v11;
	v8 =	vmul.f32 v8, v28;
	v2 =	vadd.f32 $-2.086695730e-01, v2  }
0x142: {  	v15 =	vld [tilespmem:$0x730];
	v38 =	vsub.f32 $1.002871390e-01, v37  }
0x143: {  	v19 =	vld [tilespmem:$0x740];
	v8 =	vadd.f32 $-2.086695730e-01, v8;
	v2 =	vmul.f32 v2, v25  }
0x144: {  	v10 =	vmul.f32 v38, v36  }
0x145: {  	v8 =	vmul.f32 v8, v28;
	v2 =	vadd.f32 $3.244117500e-01, v2  }
0x146: {  	v0 =	vmax.f32 v62, $0.0e+00;
	v10 =	vadd.f32 $-2.086695730e-01, v10  }
0x147: {  	v46 =	vand.u32 $0x7FFFFFFF, v15;
	v8 =	vadd.f32 $3.244117500e-01, v8;
	v2 =	vmul.f32 v2, v25  }
0x148: {  	v3 =	vmax.f32 v63, $0.0e+00;
	v56 =	vand.u32 $0x7FFFFFFF, v19;
	v39 =	vpop (erf);
	v10 =	vmul.f32 v10, v36  }
0x149: {  	v40 =	vmul.f32 $2.368923650e-02, v39;
	v45 =	vpop (erf);
	v8 =	vmul.f32 v8, v28;
	v2 =	vadd.f32 $-4.991878270e-01, v2  }
0x14a: {  	v47 =	vmul.f32 $2.368923650e-02, v45;
	v48 =	vpop (erf);
	v43 =	vadd.f32 $3.244117500e-01, v10;
	v10 =	vsub.f32 $0.0e+00, v46  }
0x14b: {  	v50 =	vmul.f32 $2.368923650e-02, v48;
	v8 =	vadd.f32 $-4.991878270e-01, v8;
	v2 =	vmul.f32 v2, v25  }
0x14c: {  	v13 =	vsub.f32 $1.002871390e-01, v40;
	v7 =	vmul.f32 v43, v36;
	v10 =	vmul.f32 $1.442695020e+00, v10  }
0x14d: {  	v18 =	vsub.f32 $1.002871390e-01, v50;
	v8 =	vmul.f32 v8, v28;
	v41 =	vadd.f32 $9.999818800e-01, v2;
	v2 =	vld [tilespmem:$0x930]  }
0x14e: {  	v13 =	vmul.f32 v13, v39;
	v14 =	vsub.f32 $1.002871390e-01, v47;
	(erf) = vpow2.f32 v10  }
0x14f: {  	v7 =	vadd.f32 $-4.991878270e-01, v7;
	v51 =	vmul.f32 v18, v48;
	v8 =	vadd.f32 $9.999818800e-01, v8  }
0x150: {  	v44 =	vadd.f32 $-2.086695730e-01, v13;
	v14 =	vmul.f32 v14, v45;
	v4 =	vmul.f32 v41, v25  }
0x151: {  	v52 =	vmul.f32 v7, v36;
	v10 =	vadd.f32 $-2.086695730e-01, v51;
	v42 =	vmul.f32 v8, v28  }
0x152: {  	v8 =	vmul.f32 v44, v39;
	v0 =	vadd.f32 v4, v0;
	v4 =	vld [tilespmem:$0x940];
	v49 =	vand.u32 $0x7FFFFFFF, v2  }
0x153: {  	v5 =	vmax.f32 v24, $0.0e+00;
	v55 =	vadd.f32 $9.999818800e-01, v52;
	v17 =	vsub.f32 $0.0e+00, v49  }
0x154: {  	v54 =	vadd.f32 $-2.086695730e-01, v14;
	v10 =	vmul.f32 v10, v48;
	v8 =	vadd.f32 $3.244117500e-01, v8  }
0x155: {  	v57 =	vsub.f32 $0.0e+00, v56;
	v12 =	vmul.f32 v55, v36;
	v17 =	vmul.f32 $1.442695020e+00, v17  }
0x156: {  	v10 =	vadd.f32 $3.244117500e-01, v10;
	v53 =	vmul.f32 v8, v39;
	v8 =	vmul.f32 v54, v45  }
0x157: {  	v58 =	vadd.f32 v12, v5;
	v60 =	vpop (erf);
	v63 =	vand.u32 $0x7FFFFFFF, v4;
	(erf) = vpow2.f32 v17  }
0x158: {  	v7 =	vadd.f32 $-4.991878270e-01, v53;
	v61 =	vmul.f32 $2.368923650e-02, v60;
	v5 =	vsub.f32 $0.0e+00, v63  }
0x159: {  	v59 =	vmul.f32 $1.442695020e+00, v57;
	v10 =	vmul.f32 v10, v48;
	v8 =	vadd.f32 $3.244117500e-01, v8  }
0x15a: {  	v7 =	vmul.f32 v7, v39;
	v26 =	vsub.f32 $1.002871390e-01, v61;
	v5 =	vmul.f32 $1.442695020e+00, v5  }
0x15b: {  	v10 =	vadd.f32 $-4.991878270e-01, v10;
	v8 =	vmul.f32 v8, v45;
	(erf) = vpow2.f32 v59  }
0x15c: {  	v7 =	vadd.f32 $9.999818800e-01, v7;
	v11 =	vmul.f32 v26, v60;
	(erf) = vpow2.f32 v5  }
0x15d: {  	v6 =	vmax.f32 v6, $0.0e+00;
	v8 =	vadd.f32 $-4.991878270e-01, v8  }
0x15e: {  	v28 =	vmul.f32 v10, v48;
	v10 =	vld [tilespmem:$0x750];
	v7 =	vmul.f32 v7, v39;
	v29 =	vadd.f32 $-2.086695730e-01, v11  }
0x15f: {  	v32 =	vmax.f32 v32, $0.0e+00;
	v3 =	vadd.f32 v42, v3;
	v5 =	vld [tilespmem:$0x950];
	v8 =	vmul.f32 v8, v45  }
0x160: {  	v30 =	vadd.f32 $9.999818800e-01, v28;
	v6 =	vadd.f32 v7, v6;
	v7 =	vmul.f32 v29, v60;
	v62 =	vpop (erf)  }
0x161: {  	v1 =	vmax.f32 v1, $0.0e+00;
	v8 =	vadd.f32 $9.999818800e-01, v8;
	v25 =	vmul.f32 $2.368923650e-02, v62  }
0x162: {  	v0 =	vmul.f32 v3, v0;
	v39 =	vld [tilespmem:$0x510];
	v33 =	vmul.f32 v30, v48;
	v7 =	vadd.f32 $3.244117500e-01, v7  }
0x163: {  	v37 =	vand.u32 $0x7FFFFFFF, v10;
	v8 =	vmul.f32 v8, v45;
	v27 =	vsub.f32 $1.002871390e-01, v25  }
0x164: {  	v3 =	vmul.f32 v6, v58;
	v38 =	vand.u32 $0x7FFFFFFF, v5;
	v35 =	vpop (erf);
	v7 =	vmul.f32 v7, v60  }
0x165: {  	v6 =	vadd.f32 v8, v32;
	v36 =	vmul.f32 $2.368923650e-02, v35;
	v40 =	vpop (erf);
	v14 =	vmul.f32 v27, v62  }
0x166: {  	v8 =	vadd.f32 v33, v1;
	v7 =	vadd.f32 $-4.991878270e-01, v7;
	v42 =	vmul.f32 $2.368923650e-02, v40  }
0x167: {  	v1 =	vmul.f32 v3, v39;
	v13 =	vsub.f32 $1.002871390e-01, v36;
	v31 =	vadd.f32 $-2.086695730e-01, v14  }
0x168: {  	v14 =	vsub.f32 $0.0e+00, v37;
	v7 =	vmul.f32 v7, v60;
	v44 =	vsub.f32 $1.002871390e-01, v42  }
0x169: {  	v16 =	vsub.f32 $0.0e+00, v38;
	v13 =	vmul.f32 v13, v35;
	v34 =	vmul.f32 v31, v62  }
0x16a: {  	v14 =	vmul.f32 $1.442695020e+00, v14;
	v45 =	vadd.f32 $9.999818800e-01, v7;
	v49 =	vmul.f32 v44, v40  }
0x16b: {  	v16 =	vmul.f32 $1.442695020e+00, v16;
	v13 =	vadd.f32 $-2.086695730e-01, v13;
	v9 =	vadd.f32 $3.244117500e-01, v34  }
0x16c: {  	(erf) = vpow2.f32 v14;
	v3 =	vmul.f32 v45, v60;
	v50 =	vadd.f32 $-2.086695730e-01, v49  }
0x16d: {  	(erf) = vpow2.f32 v16;
	v9 =	vmul.f32 v9, v62  }
0x16e: {  	v24 =	vld [tilespmem:$0x500];
	v15 =	vmax.f32 v15, $0.0e+00;
	v46 =	vmul.f32 v13, v35;
	v12 =	vmul.f32 v50, v40  }
0x16f: {  	v3 =	vadd.f32 v3, v15;
	v15 =	vld [tilespmem:$0x960];
	v41 =	vadd.f32 $-4.991878270e-01, v9  }
0x170: {  	v7 =	vadd.f32 $3.244117500e-01, v46;
	v9 =	vld [tilespmem:$0x760];
	v56 =	vadd.f32 $3.244117500e-01, v12  }
0x171: {  	v43 =	vmul.f32 v41, v62  }
0x172: {  	v2 =	vmax.f32 v2, $0.0e+00;
	v7 =	vmul.f32 v7, v35;
	v60 =	vmul.f32 v56, v40  }
0x173: {  	v47 =	vld [tilespmem:$0x520];
	v0 =	vmul.f32 v0, v24;
	v6 =	vmul.f32 v8, v6;
	v48 =	vadd.f32 $9.999818800e-01, v43  }
0x174: {  	v53 =	vadd.f32 $-4.991878270e-01, v7;
	v23 =	vand.u32 $0x7FFFFFFF, v15;
	v7 =	vadd.f32 $-4.991878270e-01, v60  }
0x175: {  	v24 =	vsub.f32 $0.0e+00, v23;
	v51 =	vand.u32 $0x7FFFFFFF, v9;
	v54 =	vpop (erf);
	v8 =	vmul.f32 v48, v62  }
0x176: {  	v14 =	vsub.f32 $0.0e+00, v51;
	v57 =	vmul.f32 $2.368923650e-02, v54;
	v58 =	vpop (erf);
	v7 =	vmul.f32 v7, v40  }
0x177: {  	v27 =	vmul.f32 $1.442695020e+00, v24;
	v59 =	vmul.f32 $2.368923650e-02, v58;
	v8 =	vadd.f32 v8, v2  }
0x178: {  	v2 =	vmul.f32 v6, v47;
	v55 =	vmul.f32 $1.442695020e+00, v14;
	v12 =	vsub.f32 $1.002871390e-01, v57  }
0x179: {  	v52 =	vld [tilespmem:$0x530];
	v6 =	vmul.f32 v53, v35;
	v61 =	vsub.f32 $1.002871390e-01, v59;
	v3 =	vmul.f32 v8, v3  }
0x17a: {  	(erf) = vpow2.f32 v55;
	v8 =	vld [tilespmem:$0x770];
	v12 =	vmul.f32 v12, v54  }
0x17b: {  	v26 =	vadd.f32 $9.999818800e-01, v7;
	v62 =	vadd.f32 $9.999818800e-01, v6;
	v6 =	vld [tilespmem:$0x970];
	v16 =	vmul.f32 v61, v58  }
0x17c: {  	v4 =	vmax.f32 v4, $0.0e+00;
	v63 =	vmax.f32 v19, $0.0e+00;
	v12 =	vadd.f32 $-2.086695730e-01, v12  }
0x17d: {  	v7 =	vld [tilespmem:$0x780];
	v20 =	vmul.f32 v26, v40;
	(erf) = vpow2.f32 v27;
	v16 =	vadd.f32 $-2.086695730e-01, v16  }
0x17e: {  	v41 =	vmax.f32 v10, $0.0e+00;
	v3 =	vmul.f32 v3, v52;
	v12 =	vmul.f32 v12, v54  }
0x17f: {  	v4 =	vadd.f32 v20, v4;
	v25 =	vand.u32 $0x7FFFFFFF, v8;
	v16 =	vmul.f32 v16, v58  }
0x180: {  	v30 =	vand.u32 $0x7FFFFFFF, v6;
	v28 =	vsub.f32 $0.0e+00, v25;
	v12 =	vadd.f32 $3.244117500e-01, v12  }
0x181: {  	v11 =	vmul.f32 v62, v35;
	v32 =	vsub.f32 $0.0e+00, v30;
	v16 =	vadd.f32 $3.244117500e-01, v16  }
0x182: {  	v38 =	vand.u32 $0x7FFFFFFF, v7;
	v17 =	vmul.f32 $1.442695020e+00, v28;
	v12 =	vmul.f32 v12, v54  }
0x183: {  	v11 =	vadd.f32 v11, v63;
	v35 =	vmul.f32 $1.442695020e+00, v32;
	v29 =	vpop (erf);
	v16 =	vmul.f32 v16, v58  }
0x184: {  	v31 =	vmul.f32 $2.368923650e-02, v29;
	(erf) = vpow2.f32 v17;
	v12 =	vadd.f32 $-4.991878270e-01, v12  }
0x185: {  	v10 =	vld [tilespmem:$0x980];
	(erf) = vpow2.f32 v35;
	v37 =	vadd.f32 $-4.991878270e-01, v16;
	v16 =	vsub.f32 $0.0e+00, v38  }
0x186: {  	v4 =	vmul.f32 v4, v11;
	v34 =	vsub.f32 $1.002871390e-01, v31;
	v12 =	vmul.f32 v12, v54  }
0x187: {  	v40 =	vpop (erf);
	v11 =	vmul.f32 v37, v58;
	v16 =	vmul.f32 $1.442695020e+00, v16  }
0x188: {  	v42 =	vmul.f32 $2.368923650e-02, v40;
	v36 =	vmul.f32 v34, v29  }
0x189: {  	v12 =	vadd.f32 $9.999818800e-01, v12;
	v11 =	vadd.f32 $9.999818800e-01, v11;
	(erf) = vpow2.f32 v16  }
0x18a: {  	v52 =	vand.u32 $0x7FFFFFFF, v10;
	v45 =	vsub.f32 $1.002871390e-01, v42;
	v18 =	vadd.f32 $-2.086695730e-01, v36  }
0x18b: {  	v22 =	vsub.f32 $0.0e+00, v52;
	v12 =	vmul.f32 v12, v54;
	v11 =	vmul.f32 v11, v58  }
0x18c: {  	v5 =	vmax.f32 v5, $0.0e+00;
	v48 =	vmul.f32 v45, v40;
	v39 =	vmul.f32 v18, v29  }
0x18d: {  	v22 =	vmul.f32 $1.442695020e+00, v22;
	v12 =	vadd.f32 v12, v41;
	v44 =	vpop (erf);
	v5 =	vadd.f32 v11, v5  }
0x18e: {  	v11 =	vadd.f32 $-2.086695730e-01, v48;
	v43 =	vadd.f32 $3.244117500e-01, v39;
	v46 =	vmul.f32 $2.368923650e-02, v44;
	v50 =	vpop (erf)  }
0x18f: {  	v51 =	vmul.f32 $2.368923650e-02, v50;
	v5 =	vmul.f32 v5, v12  }
0x190: {  	v12 =	vld [tilespmem:$0x790];
	v11 =	vmul.f32 v11, v40;
	v13 =	vmul.f32 v43, v29;
	v49 =	vsub.f32 $1.002871390e-01, v46  }
0x191: {  	v15 =	vmax.f32 v15, $0.0e+00;
	(erf) = vpow2.f32 v22;
	v21 =	vsub.f32 $1.002871390e-01, v51  }
0x192: {  	v11 =	vadd.f32 $3.244117500e-01, v11;
	v13 =	vadd.f32 $-4.991878270e-01, v13;
	v14 =	vmul.f32 v49, v44;
	v54 =	vpop (erf)  }
0x193: {  	v9 =	vmax.f32 v9, $0.0e+00;
	v53 =	vmul.f32 v21, v50;
	v55 =	vmul.f32 $2.368923650e-02, v54  }
0x194: {  	v10 =	vmax.f32 v10, $0.0e+00;
	v11 =	vmul.f32 v11, v40;
	v13 =	vmul.f32 v13, v29  }
0x195: {  	v14 =	vadd.f32 $-2.086695730e-01, v14;
	v56 =	vand.u32 $0x7FFFFFFF, v12;
	v20 =	vadd.f32 $-2.086695730e-01, v53  }
0x196: {  	v52 =	vmax.f32 v7, $0.0e+00;
	v22 =	vsub.f32 $1.002871390e-01, v55;
	v23 =	vsub.f32 $0.0e+00, v56  }
0x197: {  	v57 =	vadd.f32 $-4.991878270e-01, v11;
	v11 =	vld [tilespmem:$0x990];
	v13 =	vadd.f32 $9.999818800e-01, v13;
	v14 =	vmul.f32 v14, v44  }
0x198: {  	v8 =	vmax.f32 v8, $0.0e+00;
	v20 =	vmul.f32 v20, v50;
	v22 =	vmul.f32 v22, v54  }
0x199: {  	v23 =	vmul.f32 $1.442695020e+00, v23;
	v14 =	vadd.f32 $3.244117500e-01, v14;
	v13 =	vmul.f32 v13, v29  }
0x19a: {  	v58 =	vmul.f32 v57, v40;
	v20 =	vadd.f32 $3.244117500e-01, v20;
	v60 =	vadd.f32 $-2.086695730e-01, v22  }
0x19b: {  	v33 =	vld [tilespmem:$0x540];
	(erf) = vpow2.f32 v23;
	v14 =	vmul.f32 v14, v44;
	v9 =	vadd.f32 v13, v9  }
0x19c: {  	v13 =	vadd.f32 $9.999818800e-01, v58;
	v61 =	vand.u32 $0x7FFFFFFF, v11;
	v59 =	vmul.f32 v20, v50  }
0x19d: {  	v20 =	vmul.f32 v60, v54;
	v22 =	vpop (erf);
	v23 =	vsub.f32 $0.0e+00, v61;
	v14 =	vadd.f32 $-4.991878270e-01, v14  }
0x19e: {  	v13 =	vmul.f32 v13, v40;
	v62 =	vmul.f32 $2.368923650e-02, v22;
	v19 =	vadd.f32 $-4.991878270e-01, v59  }
0x19f: {  	v20 =	vadd.f32 $3.244117500e-01, v20;
	v29 =	vmul.f32 $1.442695020e+00, v23;
	v23 =	vld [tilespmem:$0x7B0];
	v14 =	vmul.f32 v14, v44  }
0x1a0: {  	v4 =	vmul.f32 v4, v33;
	v13 =	vadd.f32 v13, v15;
	v28 =	vsub.f32 $1.002871390e-01, v62;
	v15 =	vld [tilespmem:$0x9A0]  }
0x1a1: {  	v19 =	vmul.f32 v19, v50;
	v20 =	vmul.f32 v20, v54;
	v63 =	vadd.f32 $9.999818800e-01, v14;
	v14 =	vld [tilespmem:$0x7A0]  }
0x1a2: {  	v6 =	vmax.f32 v6, $0.0e+00;
	(erf) = vpow2.f32 v29;
	v30 =	vmul.f32 v28, v22  }
0x1a3: {  	v31 =	vld [tilespmem:$0x560];
	v9 =	vmul.f32 v13, v9;
	v19 =	vadd.f32 $9.999818800e-01, v19;
	v17 =	vmul.f32 v63, v44  }
0x1a4: {  	v34 =	vadd.f32 $-4.991878270e-01, v20;
	v35 =	vadd.f32 $-2.086695730e-01, v30;
	v49 =	vand.u32 $0x7FFFFFFF, v23  }
0x1a5: {  	v51 =	vld [tilespmem:$0x570];
	v33 =	vmul.f32 v19, v50;
	v42 =	vand.u32 $0x7FFFFFFF, v15;
	v32 =	vadd.f32 v17, v8  }
0x1a6: {  	v40 =	vmul.f32 v35, v22;
	v44 =	vsub.f32 $0.0e+00, v42;
	v8 =	vld [tilespmem:$0x9B0];
	v36 =	vand.u32 $0x7FFFFFFF, v14  }
0x1a7: {  	v39 =	vmul.f32 v34, v54;
	v19 =	vpop (erf);
	v38 =	vadd.f32 v33, v6;
	v20 =	vsub.f32 $0.0e+00, v36  }
0x1a8: {  	v47 =	vld [tilespmem:$0x550];
	v6 =	vmul.f32 v9, v31;
	v37 =	vmul.f32 $2.368923650e-02, v19;
	v16 =	vadd.f32 $3.244117500e-01, v40  }
0x1a9: {  	v43 =	vadd.f32 $9.999818800e-01, v39;
	v13 =	vmul.f32 v38, v32;
	v20 =	vmul.f32 $1.442695020e+00, v20  }
0x1aa: {  	v18 =	vmul.f32 $1.442695020e+00, v44;
	v41 =	vsub.f32 $1.002871390e-01, v37;
	v46 =	vmul.f32 v16, v22  }
0x1ab: {  	v50 =	vand.u32 $0x7FFFFFFF, v8;
	v7 =	vmul.f32 v13, v51;
	v13 =	vld [tilespmem:$0x9C0];
	(erf) = vpow2.f32 v20  }
0x1ac: {  	v17 =	vmul.f32 v41, v19;
	v9 =	vadd.f32 $-4.991878270e-01, v46;
	(erf) = vpow2.f32 v18  }
0x1ad: {  	v5 =	vmul.f32 v5, v47;
	v24 =	vsub.f32 $0.0e+00, v50;
	v18 =	vsub.f32 $0.0e+00, v49  }
0x1ae: {  	v45 =	vmul.f32 v43, v54;
	v47 =	vadd.f32 $-2.086695730e-01, v17;
	v9 =	vmul.f32 v9, v22  }
0x1af: {  	v12 =	vmax.f32 v12, $0.0e+00;
	v54 =	vmul.f32 $1.442695020e+00, v24;
	v18 =	vmul.f32 $1.442695020e+00, v18  }
0x1b0: {  	v17 =	vpop (erf);
	v16 =	vmul.f32 v47, v19;
	v55 =	vadd.f32 $9.999818800e-01, v9;
	v9 =	vld [tilespmem:$0x7C0];
	v44 =	vand.u32 $0x7FFFFFFF, v13  }
0x1b1: {  	v48 =	vmul.f32 $2.368923650e-02, v17;
	(erf) = vpow2.f32 v18;
	v25 =	vsub.f32 $0.0e+00, v44  }
0x1b2: {  	v16 =	vadd.f32 $3.244117500e-01, v16;
	(erf) = vpow2.f32 v54;
	v61 =	vmul.f32 v55, v22  }
0x1b3: {  	v11 =	vmax.f32 v11, $0.0e+00;
	v59 =	vadd.f32 v45, v52;
	v21 =	vsub.f32 $1.002871390e-01, v48  }
0x1b4: {  	v25 =	vmul.f32 $1.442695020e+00, v25;
	v53 =	vmul.f32 v16, v19;
	v10 =	vadd.f32 v61, v10;
	v56 =	vpop (erf)  }
0x1b5: {  	v21 =	vmul.f32 v21, v17;
	v38 =	vand.u32 $0x7FFFFFFF, v9;
	v58 =	vmul.f32 $2.368923650e-02, v56;
	v63 =	vpop (erf)  }
0x1b6: {  	v57 =	vadd.f32 $-4.991878270e-01, v53;
	v40 =	vsub.f32 $0.0e+00, v38;
	v34 =	vmul.f32 $2.368923650e-02, v63  }
0x1b7: {  	v26 =	vmul.f32 v10, v59;
	v21 =	vadd.f32 $-2.086695730e-01, v21;
	v62 =	vsub.f32 $1.002871390e-01, v58  }
0x1b8: {  	v18 =	vmul.f32 v57, v19;
	v16 =	vmul.f32 $1.442695020e+00, v40;
	v37 =	vsub.f32 $1.002871390e-01, v34  }
0x1b9: {  	v14 =	vmax.f32 v14, $0.0e+00;
	v60 =	vmul.f32 v21, v17;
	v35 =	vmul.f32 v62, v56  }
0x1ba: {  	v58 =	vmax.f32 v15, $0.0e+00;
	v18 =	vadd.f32 $9.999818800e-01, v18;
	v43 =	vpop (erf);
	v42 =	vmul.f32 v37, v63  }
0x1bb: {  	v33 =	vadd.f32 $3.244117500e-01, v60;
	v45 =	vmul.f32 $2.368923650e-02, v43;
	v46 =	vpop (erf);
	v39 =	vadd.f32 $-2.086695730e-01, v35  }
0x1bc: {  	(erf) = vpow2.f32 v16;
	v47 =	vmul.f32 $2.368923650e-02, v46;
	v21 =	vadd.f32 $-2.086695730e-01, v42  }
0x1bd: {  	v15 =	vld [tilespmem:$0x7D0];
	v36 =	vmul.f32 v33, v17;
	v49 =	vsub.f32 $1.002871390e-01, v45;
	v10 =	vmul.f32 v39, v56  }
0x1be: {  	(erf) = vpow2.f32 v25;
	v50 =	vsub.f32 $1.002871390e-01, v47;
	v48 =	vmul.f32 v21, v63  }
0x1bf: {  	v41 =	vadd.f32 $-4.991878270e-01, v36;
	v21 =	vmul.f32 v49, v43;
	v10 =	vadd.f32 $3.244117500e-01, v10  }
0x1c0: {  	v18 =	vmul.f32 v18, v19;
	v51 =	vmul.f32 v50, v46;
	v16 =	vadd.f32 $3.244117500e-01, v48  }
0x1c1: {  	v20 =	vmul.f32 v41, v17;
	v21 =	vadd.f32 $-2.086695730e-01, v21;
	v10 =	vmul.f32 v10, v56  }
0x1c2: {  	v35 =	vand.u32 $0x7FFFFFFF, v15;
	v52 =	vadd.f32 $-2.086695730e-01, v51;
	v16 =	vmul.f32 v16, v63  }
0x1c3: {  	v20 =	vadd.f32 $9.999818800e-01, v20;
	v53 =	vmul.f32 v21, v43;
	v10 =	vadd.f32 $-4.991878270e-01, v10  }
0x1c4: {  	v18 =	vadd.f32 v18, v12;
	v12 =	vmul.f32 v52, v46;
	v16 =	vadd.f32 $-4.991878270e-01, v16  }
0x1c5: {  	v19 =	vpop (erf);
	v17 =	vmul.f32 v20, v17;
	v54 =	vadd.f32 $3.244117500e-01, v53;
	v10 =	vmul.f32 v10, v56  }
0x1c6: {  	v55 =	vmul.f32 $2.368923650e-02, v19;
	v12 =	vadd.f32 $3.244117500e-01, v12;
	v16 =	vmul.f32 v16, v63  }
0x1c7: {  	v11 =	vadd.f32 v17, v11;
	v17 =	vmul.f32 v54, v43;
	v20 =	vpop (erf);
	v10 =	vadd.f32 $9.999818800e-01, v10  }
0x1c8: {  	v12 =	vmul.f32 v12, v46;
	v57 =	vmul.f32 $2.368923650e-02, v20;
	v16 =	vadd.f32 $9.999818800e-01, v16  }
0x1c9: {  	v17 =	vadd.f32 $-4.991878270e-01, v17;
	v18 =	vmul.f32 v11, v18;
	v10 =	vmul.f32 v10, v56  }
0x1ca: {  	v11 =	vld [tilespmem:$0x7F0];
	v56 =	vsub.f32 $1.002871390e-01, v55;
	v59 =	vadd.f32 $-4.991878270e-01, v12;
	v16 =	vmul.f32 v16, v63  }
0x1cb: {  	v21 =	vsub.f32 $1.002871390e-01, v57;
	v12 =	vld [tilespmem:$0x9D0];
	v17 =	vmul.f32 v17, v43;
	v63 =	vmax.f32 v23, $0.0e+00  }
0x1cc: {  	v10 =	vadd.f32 v10, v14;
	v60 =	vmul.f32 v59, v46;
	v16 =	vadd.f32 v16, v58  }
0x1cd: {  	v14 =	vmul.f32 v56, v19;
	v62 =	vmul.f32 v21, v20;
	v61 =	vadd.f32 $9.999818800e-01, v17  }
0x1ce: {  	v17 =	vsub.f32 $0.0e+00, v35;
	v32 =	vadd.f32 $9.999818800e-01, v60;
	v22 =	vmul.f32 v16, v10;
	v16 =	vld [tilespmem:$0x7E0]  }
0x1cf: {  	v14 =	vadd.f32 $-2.086695730e-01, v14;
	v34 =	vadd.f32 $-2.086695730e-01, v62;
	v45 =	vand.u32 $0x7FFFFFFF, v11;
	v10 =	vld [tilespmem:$0x9E0]  }
0x1d0: {  	v24 =	vmul.f32 v61, v43;
	v37 =	vand.u32 $0x7FFFFFFF, v12;
	v17 =	vmul.f32 $1.442695020e+00, v17  }
0x1d1: {  	v28 =	vsub.f32 $0.0e+00, v45;
	v33 =	vmul.f32 v14, v19;
	v23 =	vmul.f32 v32, v46;
	v14 =	vld [tilespmem:$0x9F0]  }
0x1d2: {  	v38 =	vmul.f32 v34, v20;
	v27 =	vsub.f32 $0.0e+00, v37;
	v21 =	vadd.f32 v24, v63  }
0x1d3: {  	(erf) = vpow2.f32 v17;
	v36 =	vadd.f32 $3.244117500e-01, v33;
	v41 =	vand.u32 $0x7FFFFFFF, v16  }
0x1d4: {  	v27 =	vmul.f32 $1.442695020e+00, v27;
	v43 =	vand.u32 $0x7FFFFFFF, v10;
	v42 =	vsub.f32 $0.0e+00, v41  }
0x1d5: {  	v40 =	vadd.f32 $3.244117500e-01, v38;
	v39 =	vmul.f32 v36, v19;
	v44 =	vsub.f32 $0.0e+00, v43  }
0x1d6: {  	(erf) = vpow2.f32 v27;
	v47 =	vand.u32 $0x7FFFFFFF, v14;
	v17 =	vmul.f32 $1.442695020e+00, v42  }
0x1d7: {  	v25 =	vmul.f32 v40, v20;
	v30 =	vsub.f32 $0.0e+00, v47;
	v27 =	vmul.f32 $1.442695020e+00, v44  }
0x1d8: {  	v48 =	vld [tilespmem:$0x590];
	v28 =	vmul.f32 $1.442695020e+00, v28;
	v24 =	vadd.f32 $-4.991878270e-01, v39;
	(erf) = vpow2.f32 v17  }
0x1d9: {  	v25 =	vadd.f32 $-4.991878270e-01, v25;
	v50 =	vmul.f32 $1.442695020e+00, v30;
	(erf) = vpow2.f32 v27  }
0x1da: {  	v24 =	vmul.f32 v24, v19;
	(erf) = vpow2.f32 v28  }
0x1db: {  	v8 =	vmax.f32 v8, $0.0e+00;
	v52 =	vld [tilespmem:$0x5B0];
	v51 =	vmul.f32 v25, v20;
	(erf) = vpow2.f32 v50  }
0x1dc: {  	v46 =	vld [tilespmem:$0x580];
	v8 =	vadd.f32 v23, v8  }
0x1dd: {  	v49 =	vld [tilespmem:$0x5A0];
	v18 =	vmul.f32 v18, v48;
	v24 =	vadd.f32 $9.999818800e-01, v24;
	v53 =	vpop (erf);
	v54 =	vadd.f32 $9.999818800e-01, v51  }
0x1de: {  	v13 =	vmax.f32 v13, $0.0e+00;
	v8 =	vmul.f32 v8, v21;
	v56 =	vmul.f32 $2.368923650e-02, v53  }
0x1df: {  	v9 =	vmax.f32 v9, $0.0e+00;
	v19 =	vmul.f32 v24, v19;
	v20 =	vmul.f32 v54, v20  }
0x1e0: {  	v11 =	vmax.f32 v11, $0.0e+00;
	v8 =	vmul.f32 v8, v52;
	v55 =	vpop (erf);
	v58 =	vsub.f32 $1.002871390e-01, v56  }
0x1e1: {  	v25 =	vmul.f32 v26, v46;
	v9 =	vadd.f32 v19, v9;
	v13 =	vadd.f32 v20, v13;
	v59 =	vpop (erf)  }
0x1e2: {  	v45 =	vmax.f32 v15, $0.0e+00;
	v17 =	vmul.f32 v22, v49;
	v57 =	vmul.f32 $2.368923650e-02, v55;
	v61 =	vpop (erf)  }
0x1e3: {  	v12 =	vmax.f32 v12, $0.0e+00;
	v19 =	vmul.f32 v58, v53;
	v9 =	vmul.f32 v13, v9;
	v63 =	vpop (erf)  }
0x1e4: {  	v60 =	vsub.f32 $1.002871390e-01, v57;
	v62 =	vmul.f32 $2.368923650e-02, v59;
	v35 =	vmul.f32 $2.368923650e-02, v61;
	v36 =	vpop (erf)  }
0x1e5: {  	v19 =	vadd.f32 $-2.086695730e-01, v19;
	v37 =	vmul.f32 $2.368923650e-02, v63;
	v38 =	vmul.f32 $2.368923650e-02, v36  }
0x1e6: {  	v33 =	vmul.f32 v60, v55;
	v34 =	vsub.f32 $1.002871390e-01, v62;
	v24 =	vsub.f32 $1.002871390e-01, v35  }
0x1e7: {  	v19 =	vmul.f32 v19, v53;
	v29 =	vsub.f32 $1.002871390e-01, v37;
	v30 =	vsub.f32 $1.002871390e-01, v38  }
0x1e8: {  	v13 =	vadd.f32 $-2.086695730e-01, v33;
	v20 =	vmul.f32 v34, v59;
	v24 =	vmul.f32 v24, v61  }
0x1e9: {  	v19 =	vadd.f32 $3.244117500e-01, v19;
	v29 =	vmul.f32 v29, v63;
	v30 =	vmul.f32 v30, v36  }
0x1ea: {  	v13 =	vmul.f32 v13, v55;
	v20 =	vadd.f32 $-2.086695730e-01, v20;
	v24 =	vadd.f32 $-2.086695730e-01, v24  }
0x1eb: {  	v19 =	vmul.f32 v19, v53;
	v29 =	vadd.f32 $-2.086695730e-01, v29;
	v30 =	vadd.f32 $-2.086695730e-01, v30  }
0x1ec: {  	v13 =	vadd.f32 $3.244117500e-01, v13;
	v20 =	vmul.f32 v20, v59;
	v24 =	vmul.f32 v24, v61  }
0x1ed: {  	v19 =	vadd.f32 $-4.991878270e-01, v19;
	v29 =	vmul.f32 v29, v63;
	v30 =	vmul.f32 v30, v36  }
0x1ee: {  	v13 =	vmul.f32 v13, v55;
	v20 =	vadd.f32 $3.244117500e-01, v20;
	v24 =	vadd.f32 $3.244117500e-01, v24  }
0x1ef: {  	v19 =	vmul.f32 v19, v53;
	v29 =	vadd.f32 $3.244117500e-01, v29;
	v30 =	vadd.f32 $3.244117500e-01, v30  }
0x1f0: {  	v13 =	vadd.f32 $-4.991878270e-01, v13;
	v20 =	vmul.f32 v20, v59;
	v24 =	vmul.f32 v24, v61  }
0x1f1: {  	v19 =	vadd.f32 $9.999818800e-01, v19;
	v29 =	vmul.f32 v29, v63;
	v30 =	vmul.f32 v30, v36  }
0x1f2: {  	[tilespmem:$0xB00] =	vst v0;
	v13 =	vmul.f32 v13, v55;
	v20 =	vadd.f32 $-4.991878270e-01, v20;
	v41 =	vadd.f32 $-4.991878270e-01, v24  }
0x1f3: {  	[tilespmem:$0xB10] =	vst v1;
	v39 =	vmul.f32 v19, v53;
	v43 =	vadd.f32 $-4.991878270e-01, v29;
	v44 =	vadd.f32 $-4.991878270e-01, v30  }
0x1f4: {  	[tilespmem:$0xB20] =	vst v2;
	v10 =	vmax.f32 v10, $0.0e+00;
	v40 =	vmul.f32 v20, v59;
	v47 =	vmul.f32 v41, v61  }
0x1f5: {  	[tilespmem:$0xB30] =	vst v3;
	v13 =	vadd.f32 $9.999818800e-01, v13;
	v48 =	vmul.f32 v43, v63;
	v49 =	vmul.f32 v44, v36  }
0x1f6: {  	[tilespmem:$0xB40] =	vst v4;
	v53 =	vmax.f32 v16, $0.0e+00;
	v46 =	vadd.f32 $9.999818800e-01, v40;
	v51 =	vadd.f32 $9.999818800e-01, v47  }
0x1f7: {  	[tilespmem:$0xB50] =	vst v5;
	v52 =	vld [tilespmem:$0x5C0];
	v42 =	vmul.f32 v13, v55;
	v2 =	vadd.f32 $9.999818800e-01, v48;
	v3 =	vadd.f32 $9.999818800e-01, v49  }
0x1f8: {  	[tilespmem:$0xB60] =	vst v6;
	v0 =	vadd.f32 v39, v45;
	v55 =	vld [tilespmem:$0x5D0];
	v50 =	vmul.f32 v46, v59;
	v54 =	vmul.f32 v51, v61  }
0x1f9: {  	[tilespmem:$0xB70] =	vst v7;
	v56 =	vld [tilespmem:$0x5E0];
	v1 =	vadd.f32 v42, v12;
	v2 =	vmul.f32 v2, v63;
	v3 =	vmul.f32 v3, v36  }
0x1fa: {  	[tilespmem:$0xB90] =	vst v18;
	v58 =	vmax.f32 v14, $0.0e+00;
	v57 =	vld [tilespmem:$0x5F0];
	v4 =	vadd.f32 v50, v53;
	v6 =	vadd.f32 v54, v10  }
0x1fb: {  	[tilespmem:$0xBB0] =	vst v8;
	v0 =	vmul.f32 v1, v0;
	v59 =	vadd.f32 v2, v11;
	v60 =	vadd.f32 v3, v58  }
0x1fc: {  	[tilespmem:$0xB80] =	vst v25;
	v61 =	vmul.f32 v9, v52;
	v4 =	vmul.f32 v6, v4  }
0x1fd: {  	[tilespmem:$0xBA0] =	vst v17;
	v0 =	vmul.f32 v0, v55;
	v1 =	vmul.f32 v60, v59  }
0x1fe: {  	[tilespmem:$0xBC0] =	vst v61;
	v62 =	vmul.f32 v4, v56  }
0x1ff: {  	[tilespmem:$0xBD0] =	vst v0;
	v63 =	vmul.f32 v1, v57  }
0x200: {  	[tilespmem:$0xBE0] =	vst v62  }
0x201: {  	[tilespmem:$0xBF0] =	vst v63  }
0x202: {  	[hbm4b:s9+s4] =	stream.linear.scatter [tilespmem:s25], [sflag:$0x6], $0x100, $0x38;
	[tilespmem:$0xC00] =	vst v63  }
0x203: {  	p0 =	sne.s32 s10, $0x1;
	_ =	swait.ge [sflag:s26], $0x100  }
.Ltmp0:
0x204: {  	[sflag:s26] =	ssyncset.done $0x0;
	(pc) =	sbr.rel @p0 .LBB2_1-.Ltmp0, $4  }
0x205: {  	[sflag:s26] =	ssyncadd.s32 $0xFFFFFF00  }
0x206: {  	_ =	swait.ge [sflag:s26], $0x100  }
0x207: {  	[sflag:s26] =	ssyncset.done $0x0  }
0x208: {  	s10 =	sadd.s32 $0xFFFFFFFF, s10;
	[sflag:s26] =	ssyncadd.s32 $0xFFFFFF00  }
0x209: {  	_ =	sfence.sel $0x180000  }
0x20a: {  	[bflag:$0x0] =	sbarrier.arrive $0xFFFF  }
0x20b: {  	p0 =	sne.s32 s3, $0x0;
	_ =	strace $0x90000047  }
0x20c: {  	s0 =	sadd.s32 @!p0 $0x100000, s0;
	[bflag:$0x2] =	sbarrier.arrive $0xFFFF  }
0x20d: {  	[sflag:s0] =	ssyncadd.tile.s32 @!p0 $0x1;
	_ =	shalt  }
.Lfunc_end2:
_tile_overlayer_lowered:
.L_overlay_start_2:
0x20e: {  	(tag) =	ssettag $0x2  }
0x20f: {  	s0 =	rddreg [dreg:$0x0];
	s2 =	stileid.u32  }
0x210: {  	s1 =	rddreg [dreg:$0x1];
	p0 =	sne.s32 s2, $0x0  }
0x211: {  	s3 =	rddreg [dreg:$0x2];
	[bflag:$0x3] =	sbarrier.arrive $0xFFFF;
	s2 =	simm.s32 @!p0 $0x1C07  }
0x212: {  	[timem:s3], [sflag:s2] =	dma.local @!p0 [hbm:s0], s1  }
0x213: {  	s0 =	simm.s32 @!p0 $0x7  }
0x214: {  	_ =	swait.ge @!p0 [sflag:s0], s1  }
0x215: {  	s1 =	ssub.s32 @!p0 $0x0, s1;
	[sflag:s0] =	ssyncset.done @!p0 $0x0  }
0x216: {  	[sflag:s0] =	ssyncadd.s32 @!p0 s1  }
0x217: {  	[bflag:$0x3] =	sbarrier.arrive $0xFFFF  }
0x218: {  	_ =	shalt  }

</sc_bundles>
